<compile_context>
chip_gen: v7x
topology: tpu7x:2x2x1
jax: 0.10.2.dev20260603
libtpu: 0.0.44.dev20260713+nightly
codegen_flags: <defaults>
</compile_context>

<pallas_src>
import jax
import jax.numpy as jnp
from jax.experimental import pallas as pl
from jax.experimental.pallas import tpu as pltpu
from jax.experimental.pallas import tpu_sc as plsc


_LANES = 16
_BH = 8
_NEWTON_ITERS = 1
_UNROLL = 2


def _newton_rsqrt_over_sqrt2(r2):
    i = jax.lax.bitcast_convert_type(r2, jnp.int32)
    i = jnp.int32(0x5EF759DF) - jax.lax.shift_right_logical(i, 1)
    z = jax.lax.bitcast_convert_type(i, jnp.float32)
    for _ in range(_NEWTON_ITERS):
        z = z * (1.5 - r2 * z * z)
    return z


def _compute_block(xr_vmem, xi_vmem, b_vmem, o0_vmem, o1_vmem):
    @plsc.parallel_loop(0, xr_vmem.shape[1], step=_LANES, unroll=_UNROLL)
    def _(c):
        b = b_vmem.at[pl.ds(0, 1), pl.ds(c, _LANES)][...]
        b2 = b * jnp.float32(1.4142135623730951)
        for r in range(_BH):
            slc = (pl.ds(r, 1), pl.ds(c, _LANES))
            xr = xr_vmem.at[slc][...]
            xi = xi_vmem.at[slc][...]
            r2 = xr * xr + xi * xi
            scale = jnp.maximum(1.0 + b2 * _newton_rsqrt_over_sqrt2(r2), 0.0)
            o0_vmem.at[slc][...] = scale * xr
            o1_vmem.at[slc][...] = scale * xi


def _sc_modrelu(x_real, x_imag, bias):
    n, c = x_real.shape
    mesh = plsc.VectorSubcoreMesh(core_axis_name="c", subcore_axis_name="s")
    n_tecs = 32
    rows_per_tec = n // n_tecs
    n_blocks = rows_per_tec // _BH
    f32 = x_real.dtype

    @pl.kernel(
        out_type=jax.ShapeDtypeStruct((2, n, c), f32),
        mesh=mesh,
        scratch_types=(
            [pltpu.VMEM((_BH, c), f32) for _ in range(4)]
            + [pltpu.VMEM((2, _BH, c), f32) for _ in range(2)]
            + [pltpu.VMEM((1, c), f32)]
            + [pltpu.SemaphoreType.DMA for _ in range(7)]
        ),
    )
    def run(xr_hbm, xi_hbm, b_hbm, o_hbm,
            xr0, xr1, xi0, xi1, ob0, ob1, bbuf,
            sir0, sir1, sii0, sii1, so0, so1, sb):
        tec = jax.lax.axis_index("c") * 16 + jax.lax.axis_index("s")
        base = tec * rows_per_tec

        in_bufs = ((xr0, xi0, sir0, sii0), (xr1, xi1, sir1, sii1))
        out_bufs = ((ob0, so0), (ob1, so1))

        def in_copies(i, p):
            rows = pl.ds(base + i * _BH, _BH)
            xr_b, xi_b, sr, si = in_bufs[p]
            cr = pltpu.make_async_copy(xr_hbm.at[rows], xr_b, sr)
            ci = pltpu.make_async_copy(xi_hbm.at[rows], xi_b, si)
            return cr, ci

        def out_copies(i, p):
            rows = pl.ds(base + i * _BH, _BH)
            o_b, s0 = out_bufs[p]
            c0 = pltpu.make_async_copy(o_b, o_hbm.at[:, rows, :], s0)
            return (c0,)

        cb = pltpu.make_async_copy(b_hbm, bbuf, sb)
        cb.start()
        cb.wait()
        for p in range(2):
            cr, ci = in_copies(p, p)
            cr.start()
            ci.start()

        @pl.loop(0, n_blocks, step=2)
        def _(i):
            for p in range(2):
                step = i + p
                cr, ci = in_copies(step, p)
                cr.wait()
                ci.wait()
                (co0,) = out_copies(step, p)

                @pl.when(step >= 2)
                def _():
                    (po0,) = out_copies(step - 2, p)
                    po0.wait()

                xr_b, xi_b, _, _ = in_bufs[p]
                o_b, _ = out_bufs[p]
                _compute_block(xr_b, xi_b, bbuf, o_b.at[0], o_b.at[1])
                co0.start()

                @pl.when(step + 2 < n_blocks)
                def _():
                    nr, ni = in_copies(step + 2, p)
                    nr.start()
                    ni.start()

        for p in range(2):
            (po0,) = out_copies(n_blocks - 2 + p, p)
            po0.wait()

    return run(x_real, x_imag, bias)


def kernel(x_real, x_imag, bias):
    return _sc_modrelu(x_real, x_imag, bias)

# --- scband reference (transcript-rebuilt; emitter-appended) ---
"""Pipeline reference for scband-tangent-non-lin-6390911336495 (READ-ONLY COPY).

The authoritative reference and input builder live on the scoring server;
editing this copy changes nothing except your own understanding.
"""

import jax, jax.numpy as jnp
import numpy as np

N, C = 32768, 1024

def setup_inputs(seed: int = 0) -> dict:
    key = jax.random.key(seed)
    k1, k2 = jax.random.split(key)
    x_real = jax.random.normal(k1, (N, C), dtype=jnp.float32)
    x_imag = jax.random.normal(k2, (N, C), dtype=jnp.float32)
    # learned parameter: bias, initialized to zeros as in the torch module
    bias = jnp.zeros((1, C), dtype=jnp.float32)
    return {"x_real": x_real, "x_imag": x_imag, "bias": bias}

def reference(x_real, x_imag, bias):
    # modReLU: for nonzero complex x = r*e^{i theta}, out = relu(r + b_c) * e^{i theta}
    # origin elements (r == 0) are left unchanged (they stay 0, matching x.clone()).
    nonzero = jnp.logical_or(x_real != 0.0, x_imag != 0.0)
    r = jnp.sqrt(x_real * x_real + x_imag * x_imag)
    r_new = jax.nn.relu(r + bias)  # bias broadcasts [1, C] -> [N, C]
    safe_r = jnp.where(nonzero, r, 1.0)
    scale = r_new / safe_r
    # polar(r_new, theta) = r_new * (cos theta, sin theta) = (r_new/r) * (x_real, x_imag)
    out_real = jnp.where(nonzero, scale * x_real, x_real)
    out_imag = jnp.where(nonzero, scale * x_imag, x_imag)
    # stack real/imag planes of the complex output: shape [2, N, C]
    return jnp.stack([out_real, out_imag], axis=0)

if __name__ == "__main__":
    import jax
    _d = setup_inputs()
    print(jax.jit(kernel)(*tuple(_d.values())))

</pallas_src>

<mosaic_0001>
#map = affine_map<(d0, d1) -> (0, 0)>
#map1 = affine_map<(d0, d1) -> (0, 0, 0)>
module attributes {stable_mosaic.version = 14 : i64} {
  func.func @run(%arg0: i32, %arg1: i32, %arg2: memref<32768x1024xf32, #tpu.memory_space<hbm>>, %arg3: memref<32768x1024xf32, #tpu.memory_space<hbm>>, %arg4: memref<1x1024xf32, #tpu.memory_space<hbm>>, %arg5: memref<2x32768x1024xf32, #tpu.memory_space<hbm>>, %arg6: memref<8x1024xf32, #tpu.memory_space<vmem>>, %arg7: memref<8x1024xf32, #tpu.memory_space<vmem>>, %arg8: memref<8x1024xf32, #tpu.memory_space<vmem>>, %arg9: memref<8x1024xf32, #tpu.memory_space<vmem>>, %arg10: memref<2x8x1024xf32, #tpu.memory_space<vmem>>, %arg11: memref<2x8x1024xf32, #tpu.memory_space<vmem>>, %arg12: memref<1x1024xf32, #tpu.memory_space<vmem>>, %arg13: memref<!tpu.dma_semaphore, #tpu.memory_space<semaphore_mem>>, %arg14: memref<!tpu.dma_semaphore, #tpu.memory_space<semaphore_mem>>, %arg15: memref<!tpu.dma_semaphore, #tpu.memory_space<semaphore_mem>>, %arg16: memref<!tpu.dma_semaphore, #tpu.memory_space<semaphore_mem>>, %arg17: memref<!tpu.dma_semaphore, #tpu.memory_space<semaphore_mem>>, %arg18: memref<!tpu.dma_semaphore, #tpu.memory_space<semaphore_mem>>, %arg19: memref<!tpu.dma_semaphore, #tpu.memory_space<semaphore_mem>>) attributes {dimension_semantics = [#tpu.dimension_semantics<core_parallel>, #tpu.dimension_semantics<subcore_parallel>], iteration_bounds = array<i64: 2, 16>, scalar_prefetch = 0 : i64, scratch_operands = 14 : i64, tpu.core_type = #tpu.core_type<sc_vector_subcore>, window_params = [{transform_indices = #map}, {transform_indices = #map}, {transform_indices = #map}, {transform_indices = #map1}]} {
    %mul3A = arith.constant 16 : i32
    %mul3A_0 = arith.muli %arg0, %mul3A : i32
    %add3A = arith.addi %mul3A_0, %arg1 : i32
    %mul3A_1 = arith.constant 1024 : i32
    %mul3A_2 = arith.muli %add3A, %mul3A_1 : i32
    tpu.enqueue_dma source(%arg4 : memref<1x1024xf32, #tpu.memory_space<hbm>>) target(%arg12 : memref<1x1024xf32, #tpu.memory_space<vmem>>) target_semaphore(%arg19 : memref<!tpu.dma_semaphore, #tpu.memory_space<semaphore_mem>>)
    tpu.wait_dma2 semaphore(%arg19 : memref<!tpu.dma_semaphore, #tpu.memory_space<semaphore_mem>>) src(%arg4 : memref<1x1024xf32, #tpu.memory_space<hbm>>) dst(%arg12 : memref<1x1024xf32, #tpu.memory_space<vmem>>)
    %add3A_3 = arith.constant 0 : i32
    %add3A_4 = arith.addi %mul3A_2, %add3A_3 : i32
    %dma_start3A = arith.constant 0 : i32
    %dma_start3A_5 = tpu.memref_slice %arg2[%add3A_4, %dma_start3A] : memref<32768x1024xf32, #tpu.memory_space<hbm>> -> memref<8x1024xf32, #tpu.memory_space<hbm>>
    %dma_start3A_6 = arith.constant 0 : i32
    %dma_start3A_7 = tpu.memref_slice %arg2[%add3A_4, %dma_start3A_6] : memref<32768x1024xf32, #tpu.memory_space<hbm>> -> memref<8x1024xf32, #tpu.memory_space<hbm>>
    tpu.enqueue_dma source(%dma_start3A_7 : memref<8x1024xf32, #tpu.memory_space<hbm>>) target(%arg6 : memref<8x1024xf32, #tpu.memory_space<vmem>>) target_semaphore(%arg13 : memref<!tpu.dma_semaphore, #tpu.memory_space<semaphore_mem>>)
    %dma_start3A_8 = arith.constant 0 : i32
    %dma_start3A_9 = tpu.memref_slice %arg3[%add3A_4, %dma_start3A_8] : memref<32768x1024xf32, #tpu.memory_space<hbm>> -> memref<8x1024xf32, #tpu.memory_space<hbm>>
    %dma_start3A_10 = arith.constant 0 : i32
    %dma_start3A_11 = tpu.memref_slice %arg3[%add3A_4, %dma_start3A_10] : memref<32768x1024xf32, #tpu.memory_space<hbm>> -> memref<8x1024xf32, #tpu.memory_space<hbm>>
    tpu.enqueue_dma source(%dma_start3A_11 : memref<8x1024xf32, #tpu.memory_space<hbm>>) target(%arg8 : memref<8x1024xf32, #tpu.memory_space<vmem>>) target_semaphore(%arg15 : memref<!tpu.dma_semaphore, #tpu.memory_space<semaphore_mem>>)
    %add3A_12 = arith.constant 8 : i32
    %add3A_13 = arith.addi %mul3A_2, %add3A_12 : i32
    %dma_start3A_14 = arith.constant 0 : i32
    %dma_start3A_15 = tpu.memref_slice %arg2[%add3A_13, %dma_start3A_14] : memref<32768x1024xf32, #tpu.memory_space<hbm>> -> memref<8x1024xf32, #tpu.memory_space<hbm>>
    %dma_start3A_16 = arith.constant 0 : i32
    %dma_start3A_17 = tpu.memref_slice %arg2[%add3A_13, %dma_start3A_16] : memref<32768x1024xf32, #tpu.memory_space<hbm>> -> memref<8x1024xf32, #tpu.memory_space<hbm>>
    tpu.enqueue_dma source(%dma_start3A_17 : memref<8x1024xf32, #tpu.memory_space<hbm>>) target(%arg7 : memref<8x1024xf32, #tpu.memory_space<vmem>>) target_semaphore(%arg14 : memref<!tpu.dma_semaphore, #tpu.memory_space<semaphore_mem>>)
    %dma_start3A_18 = arith.constant 0 : i32
    %dma_start3A_19 = tpu.memref_slice %arg3[%add3A_13, %dma_start3A_18] : memref<32768x1024xf32, #tpu.memory_space<hbm>> -> memref<8x1024xf32, #tpu.memory_space<hbm>>
    %dma_start3A_20 = arith.constant 0 : i32
    %dma_start3A_21 = tpu.memref_slice %arg3[%add3A_13, %dma_start3A_20] : memref<32768x1024xf32, #tpu.memory_space<hbm>> -> memref<8x1024xf32, #tpu.memory_space<hbm>>
    tpu.enqueue_dma source(%dma_start3A_21 : memref<8x1024xf32, #tpu.memory_space<hbm>>) target(%arg9 : memref<8x1024xf32, #tpu.memory_space<vmem>>) target_semaphore(%arg16 : memref<!tpu.dma_semaphore, #tpu.memory_space<semaphore_mem>>)
    %scan3A = arith.constant 0 : i32
    %scan3A_22 = arith.constant 64 : i32
    %scan3A_23 = arith.addi %scan3A, %scan3A_22 : i32
    %scan3A_24 = arith.constant 1 : i32
    scf.for %scan3A_41 = %scan3A to %scan3A_23 step %scan3A_24  : i32 {
      %mul3A_42 = arith.constant 2 : i32
      %mul3A_43 = arith.muli %scan3A_41, %mul3A_42 : i32
      %add3A_44 = arith.constant 0 : i32
      %add3A_45 = arith.addi %add3A_44, %mul3A_43 : i32
      %add3A_46 = arith.constant 0 : i32
      %add3A_47 = arith.addi %add3A_45, %add3A_46 : i32
      %mul3A_48 = arith.constant 8 : i32
      %mul3A_49 = arith.muli %add3A_47, %mul3A_48 : i32
      %add3A_50 = arith.addi %mul3A_2, %mul3A_49 : i32
      %dma_wait3A_51 = arith.constant 0 : i32
      %dma_wait3A_52 = tpu.memref_slice %arg2[%add3A_50, %dma_wait3A_51] : memref<32768x1024xf32, #tpu.memory_space<hbm>> -> memref<8x1024xf32, #tpu.memory_space<hbm>>
      %dma_wait3A_53 = arith.constant 0 : i32
      %dma_wait3A_54 = tpu.memref_slice %arg2[%add3A_50, %dma_wait3A_53] : memref<32768x1024xf32, #tpu.memory_space<hbm>> -> memref<8x1024xf32, #tpu.memory_space<hbm>>
      tpu.wait_dma2 semaphore(%arg13 : memref<!tpu.dma_semaphore, #tpu.memory_space<semaphore_mem>>) src(%dma_wait3A_54 : memref<8x1024xf32, #tpu.memory_space<hbm>>) dst(%arg6 : memref<8x1024xf32, #tpu.memory_space<vmem>>)
      %dma_wait3A_55 = arith.constant 0 : i32
      %dma_wait3A_56 = tpu.memref_slice %arg3[%add3A_50, %dma_wait3A_55] : memref<32768x1024xf32, #tpu.memory_space<hbm>> -> memref<8x1024xf32, #tpu.memory_space<hbm>>
      %dma_wait3A_57 = arith.constant 0 : i32
      %dma_wait3A_58 = tpu.memref_slice %arg3[%add3A_50, %dma_wait3A_57] : memref<32768x1024xf32, #tpu.memory_space<hbm>> -> memref<8x1024xf32, #tpu.memory_space<hbm>>
      tpu.wait_dma2 semaphore(%arg15 : memref<!tpu.dma_semaphore, #tpu.memory_space<semaphore_mem>>) src(%dma_wait3A_58 : memref<8x1024xf32, #tpu.memory_space<hbm>>) dst(%arg8 : memref<8x1024xf32, #tpu.memory_space<vmem>>)
      %mul3A_59 = arith.constant 8 : i32
      %mul3A_60 = arith.muli %add3A_47, %mul3A_59 : i32
      %add3A_61 = arith.addi %mul3A_2, %mul3A_60 : i32
      %ge3A = arith.constant 2 : i32
      %ge3A_62 = arith.cmpi sge, %add3A_47, %ge3A : i32
      %convert_element_type3A = arith.extui %ge3A_62 : i1 to i32
      %cond3A = arith.constant 0 : i32
      %cond3A_63 = arith.cmpi ne, %convert_element_type3A, %cond3A : i32
      scf.if %cond3A_63 {
        %sub3A = arith.constant 2 : i32
        %sub3A_119 = arith.subi %add3A_47, %sub3A : i32
        %mul3A_120 = arith.constant 8 : i32
        %mul3A_121 = arith.muli %sub3A_119, %mul3A_120 : i32
        %add3A_122 = arith.addi %mul3A_2, %mul3A_121 : i32
        %dma_wait3A_123 = arith.constant 0 : i32
        %dma_wait3A_124 = arith.constant 0 : i32
        %dma_wait3A_125 = tpu.memref_slice %arg5[%dma_wait3A_123, %add3A_122, %dma_wait3A_124] : memref<2x32768x1024xf32, #tpu.memory_space<hbm>> -> memref<2x8x1024xf32, #tpu.memory_space<hbm>>
        %dma_wait3A_126 = arith.constant 0 : i32
        %dma_wait3A_127 = arith.constant 0 : i32
        %dma_wait3A_128 = tpu.memref_slice %arg5[%dma_wait3A_126, %add3A_122, %dma_wait3A_127] : memref<2x32768x1024xf32, #tpu.memory_space<hbm>> -> memref<2x8x1024xf32, #tpu.memory_space<hbm>>
        tpu.wait_dma2 semaphore(%arg17 : memref<!tpu.dma_semaphore, #tpu.memory_space<semaphore_mem>>) src(%arg10 : memref<2x8x1024xf32, #tpu.memory_space<vmem>>) dst(%dma_wait3A_128 : memref<2x8x1024xf32, #tpu.memory_space<hbm>>)
      } else {
      }
      %parallel_loop3A = arith.constant 0 : i32
      %parallel_loop3A_64 = arith.constant 1024 : i32
      %parallel_loop3A_65 = arith.constant 16 : i32
      %parallel_loop3A_66 = arith.constant 0 : i32
      %parallel_loop3A_67 = arith.constant 1 : i32
      scf.for %parallel_loop3A_119 = %parallel_loop3A to %parallel_loop3A_64 step %parallel_loop3A_65  : i32 {
        %parallel_loop3A_120 = arith.constant 0 : index
        %parallel_loop3A_121 = arith.index_cast %parallel_loop3A_119 : i32 to index
        %parallel_loop3A_122 = tpu.vector_load %arg12[%parallel_loop3A_120, %parallel_loop3A_121] {strides = array<i32>} : memref<1x1024xf32, #tpu.memory_space<vmem>>, vector<1x16xf32>,
        %parallel_loop3A_123 = vector.shape_cast %parallel_loop3A_122 : vector<1x16xf32> to vector<1x16xf32>
        %parallel_loop3A_124 = arith.constant 1.41421354 : f32
        %parallel_loop3A_125 = vector.broadcast %parallel_loop3A_124 : f32 to vector<1x16xf32>
        %parallel_loop3A_126 = arith.mulf %parallel_loop3A_123, %parallel_loop3A_125 : vector<1x16xf32>
        %parallel_loop3A_127 = arith.constant 0 : index
        %parallel_loop3A_128 = arith.index_cast %parallel_loop3A_119 : i32 to index
        %parallel_loop3A_129 = tpu.vector_load %arg6[%parallel_loop3A_127, %parallel_loop3A_128] {strides = array<i32>} : memref<8x1024xf32, #tpu.memory_space<vmem>>, vector<1x16xf32>,
        %parallel_loop3A_130 = vector.shape_cast %parallel_loop3A_129 : vector<1x16xf32> to vector<1x16xf32>
        %parallel_loop3A_131 = arith.constant 0 : index
        %parallel_loop3A_132 = arith.index_cast %parallel_loop3A_119 : i32 to index
        %parallel_loop3A_133 = tpu.vector_load %arg8[%parallel_loop3A_131, %parallel_loop3A_132] {strides = array<i32>} : memref<8x1024xf32, #tpu.memory_space<vmem>>, vector<1x16xf32>,
        %parallel_loop3A_134 = vector.shape_cast %parallel_loop3A_133 : vector<1x16xf32> to vector<1x16xf32>
        %parallel_loop3A_135 = arith.mulf %parallel_loop3A_130, %parallel_loop3A_130 : vector<1x16xf32>
        %parallel_loop3A_136 = arith.mulf %parallel_loop3A_134, %parallel_loop3A_134 : vector<1x16xf32>
        %parallel_loop3A_137 = arith.addf %parallel_loop3A_135, %parallel_loop3A_136 : vector<1x16xf32>
        %parallel_loop3A_138 = tpu.bitcast %parallel_loop3A_137 : vector<1x16xf32> -> vector<1x16xi32>
        %parallel_loop3A_139 = arith.constant 1 : i32
        %parallel_loop3A_140 = vector.broadcast %parallel_loop3A_139 : i32 to vector<1x16xi32>
        %parallel_loop3A_141 = arith.shrui %parallel_loop3A_138, %parallel_loop3A_140 : vector<1x16xi32>
        %parallel_loop3A_142 = arith.constant 1593268703 : i32
        %parallel_loop3A_143 = vector.broadcast %parallel_loop3A_142 : i32 to vector<1x16xi32>
        %parallel_loop3A_144 = arith.subi %parallel_loop3A_143, %parallel_loop3A_141 : vector<1x16xi32>
        %parallel_loop3A_145 = tpu.bitcast %parallel_loop3A_144 : vector<1x16xi32> -> vector<1x16xf32>
        %parallel_loop3A_146 = arith.mulf %parallel_loop3A_137, %parallel_loop3A_145 : vector<1x16xf32>
        %parallel_loop3A_147 = arith.mulf %parallel_loop3A_146, %parallel_loop3A_145 : vector<1x16xf32>
        %parallel_loop3A_148 = arith.constant 1.500000e+00 : f32
        %parallel_loop3A_149 = vector.broadcast %parallel_loop3A_148 : f32 to vector<1x16xf32>
        %parallel_loop3A_150 = arith.subf %parallel_loop3A_149, %parallel_loop3A_147 : vector<1x16xf32>
        %parallel_loop3A_151 = arith.mulf %parallel_loop3A_145, %parallel_loop3A_150 : vector<1x16xf32>
        %parallel_loop3A_152 = arith.mulf %parallel_loop3A_126, %parallel_loop3A_151 : vector<1x16xf32>
        %parallel_loop3A_153 = arith.constant 1.000000e+00 : f32
        %parallel_loop3A_154 = vector.broadcast %parallel_loop3A_153 : f32 to vector<1x16xf32>
        %parallel_loop3A_155 = arith.addf %parallel_loop3A_154, %parallel_loop3A_152 : vector<1x16xf32>
        %parallel_loop3A_156 = arith.constant 0.000000e+00 : f32
        %parallel_loop3A_157 = vector.broadcast %parallel_loop3A_156 : f32 to vector<1x16xf32>
        %parallel_loop3A_158 = arith.maximumf %parallel_loop3A_155, %parallel_loop3A_157 : vector<1x16xf32>
        %parallel_loop3A_159 = arith.mulf %parallel_loop3A_158, %parallel_loop3A_130 : vector<1x16xf32>
        %parallel_loop3A_160 = arith.constant 0 : i32
        %parallel_loop3A_161 = arith.constant 0 : i32
        %parallel_loop3A_162 = tpu.memref_slice %arg10[%parallel_loop3A_66, %parallel_loop3A_160, %parallel_loop3A_161] : memref<2x8x1024xf32, #tpu.memory_space<vmem>> -> memref<1x8x1024xf32, #tpu.memory_space<vmem>>
        %parallel_loop3A_163 = tpu.memref_squeeze %parallel_loop3A_162 : memref<1x8x1024xf32, #tpu.memory_space<vmem>> -> memref<8x1024xf32, #tpu.memory_space<vmem>>
        %parallel_loop3A_164 = arith.constant 0 : index
        %parallel_loop3A_165 = arith.index_cast %parallel_loop3A_119 : i32 to index
        %parallel_loop3A_166 = tpu.vector_load %parallel_loop3A_163[%parallel_loop3A_164, %parallel_loop3A_165] {strides = array<i32>} : memref<8x1024xf32, #tpu.memory_space<vmem>>, vector<1x16xf32>,
        %parallel_loop3A_167 = vector.shape_cast %parallel_loop3A_166 : vector<1x16xf32> to vector<1x16xf32>
        %parallel_loop3A_168 = vector.shape_cast %parallel_loop3A_159 : vector<1x16xf32> to vector<1x16xf32>
        tpu.vector_store %parallel_loop3A_163[%parallel_loop3A_164, %parallel_loop3A_165], %parallel_loop3A_168 {strides = array<i32>} : memref<8x1024xf32, #tpu.memory_space<vmem>>, vector<1x16xf32>,
        %parallel_loop3A_169 = arith.mulf %parallel_loop3A_158, %parallel_loop3A_134 : vector<1x16xf32>
        %parallel_loop3A_170 = arith.constant 0 : i32
        %parallel_loop3A_171 = arith.constant 0 : i32
        %parallel_loop3A_172 = tpu.memref_slice %arg10[%parallel_loop3A_67, %parallel_loop3A_170, %parallel_loop3A_171] : memref<2x8x1024xf32, #tpu.memory_space<vmem>> -> memref<1x8x1024xf32, #tpu.memory_space<vmem>>
        %parallel_loop3A_173 = tpu.memref_squeeze %parallel_loop3A_172 : memref<1x8x1024xf32, #tpu.memory_space<vmem>> -> memref<8x1024xf32, #tpu.memory_space<vmem>>
        %parallel_loop3A_174 = arith.constant 0 : index
        %parallel_loop3A_175 = arith.index_cast %parallel_loop3A_119 : i32 to index
        %parallel_loop3A_176 = tpu.vector_load %parallel_loop3A_173[%parallel_loop3A_174, %parallel_loop3A_175] {strides = array<i32>} : memref<8x1024xf32, #tpu.memory_space<vmem>>, vector<1x16xf32>,
        %parallel_loop3A_177 = vector.shape_cast %parallel_loop3A_176 : vector<1x16xf32> to vector<1x16xf32>
        %parallel_loop3A_178 = vector.shape_cast %parallel_loop3A_169 : vector<1x16xf32> to vector<1x16xf32>
        tpu.vector_store %parallel_loop3A_173[%parallel_loop3A_174, %parallel_loop3A_175], %parallel_loop3A_178 {strides = array<i32>} : memref<8x1024xf32, #tpu.memory_space<vmem>>, vector<1x16xf32>,
        %parallel_loop3A_179 = arith.constant 1 : index
        %parallel_loop3A_180 = arith.index_cast %parallel_loop3A_119 : i32 to index
        %parallel_loop3A_181 = tpu.vector_load %arg6[%parallel_loop3A_179, %parallel_loop3A_180] {strides = array<i32>} : memref<8x1024xf32, #tpu.memory_space<vmem>>, vector<1x16xf32>,
        %parallel_loop3A_182 = vector.shape_cast %parallel_loop3A_181 : vector<1x16xf32> to vector<1x16xf32>
        %parallel_loop3A_183 = arith.constant 1 : index
        %parallel_loop3A_184 = arith.index_cast %parallel_loop3A_119 : i32 to index
        %parallel_loop3A_185 = tpu.vector_load %arg8[%parallel_loop3A_183, %parallel_loop3A_184] {strides = array<i32>} : memref<8x1024xf32, #tpu.memory_space<vmem>>, vector<1x16xf32>,
        %parallel_loop3A_186 = vector.shape_cast %parallel_loop3A_185 : vector<1x16xf32> to vector<1x16xf32>
        %parallel_loop3A_187 = arith.mulf %parallel_loop3A_182, %parallel_loop3A_182 : vector<1x16xf32>
        %parallel_loop3A_188 = arith.mulf %parallel_loop3A_186, %parallel_loop3A_186 : vector<1x16xf32>
        %parallel_loop3A_189 = arith.addf %parallel_loop3A_187, %parallel_loop3A_188 : vector<1x16xf32>
        %parallel_loop3A_190 = tpu.bitcast %parallel_loop3A_189 : vector<1x16xf32> -> vector<1x16xi32>
        %parallel_loop3A_191 = arith.constant 1 : i32
        %parallel_loop3A_192 = vector.broadcast %parallel_loop3A_191 : i32 to vector<1x16xi32>
        %parallel_loop3A_193 = arith.shrui %parallel_loop3A_190, %parallel_loop3A_192 : vector<1x16xi32>
        %parallel_loop3A_194 = arith.constant 1593268703 : i32
        %parallel_loop3A_195 = vector.broadcast %parallel_loop3A_194 : i32 to vector<1x16xi32>
        %parallel_loop3A_196 = arith.subi %parallel_loop3A_195, %parallel_loop3A_193 : vector<1x16xi32>
        %parallel_loop3A_197 = tpu.bitcast %parallel_loop3A_196 : vector<1x16xi32> -> vector<1x16xf32>
        %parallel_loop3A_198 = arith.mulf %parallel_loop3A_189, %parallel_loop3A_197 : vector<1x16xf32>
        %parallel_loop3A_199 = arith.mulf %parallel_loop3A_198, %parallel_loop3A_197 : vector<1x16xf32>
        %parallel_loop3A_200 = arith.constant 1.500000e+00 : f32
        %parallel_loop3A_201 = vector.broadcast %parallel_loop3A_200 : f32 to vector<1x16xf32>
        %parallel_loop3A_202 = arith.subf %parallel_loop3A_201, %parallel_loop3A_199 : vector<1x16xf32>
        %parallel_loop3A_203 = arith.mulf %parallel_loop3A_197, %parallel_loop3A_202 : vector<1x16xf32>
        %parallel_loop3A_204 = arith.mulf %parallel_loop3A_126, %parallel_loop3A_203 : vector<1x16xf32>
        %parallel_loop3A_205 = arith.constant 1.000000e+00 : f32
        %parallel_loop3A_206 = vector.broadcast %parallel_loop3A_205 : f32 to vector<1x16xf32>
        %parallel_loop3A_207 = arith.addf %parallel_loop3A_206, %parallel_loop3A_204 : vector<1x16xf32>
        %parallel_loop3A_208 = arith.constant 0.000000e+00 : f32
        %parallel_loop3A_209 = vector.broadcast %parallel_loop3A_208 : f32 to vector<1x16xf32>
        %parallel_loop3A_210 = arith.maximumf %parallel_loop3A_207, %parallel_loop3A_209 : vector<1x16xf32>
        %parallel_loop3A_211 = arith.mulf %parallel_loop3A_210, %parallel_loop3A_182 : vector<1x16xf32>
        %parallel_loop3A_212 = arith.constant 0 : i32
        %parallel_loop3A_213 = arith.constant 0 : i32
        %parallel_loop3A_214 = tpu.memref_slice %arg10[%parallel_loop3A_66, %parallel_loop3A_212, %parallel_loop3A_213] : memref<2x8x1024xf32, #tpu.memory_space<vmem>> -> memref<1x8x1024xf32, #tpu.memory_space<vmem>>
        %parallel_loop3A_215 = tpu.memref_squeeze %parallel_loop3A_214 : memref<1x8x1024xf32, #tpu.memory_space<vmem>> -> memref<8x1024xf32, #tpu.memory_space<vmem>>
        %parallel_loop3A_216 = arith.constant 1 : index
        %parallel_loop3A_217 = arith.index_cast %parallel_loop3A_119 : i32 to index
        %parallel_loop3A_218 = tpu.vector_load %parallel_loop3A_215[%parallel_loop3A_216, %parallel_loop3A_217] {strides = array<i32>} : memref<8x1024xf32, #tpu.memory_space<vmem>>, vector<1x16xf32>,
        %parallel_loop3A_219 = vector.shape_cast %parallel_loop3A_218 : vector<1x16xf32> to vector<1x16xf32>
        %parallel_loop3A_220 = vector.shape_cast %parallel_loop3A_211 : vector<1x16xf32> to vector<1x16xf32>
        tpu.vector_store %parallel_loop3A_215[%parallel_loop3A_216, %parallel_loop3A_217], %parallel_loop3A_220 {strides = array<i32>} : memref<8x1024xf32, #tpu.memory_space<vmem>>, vector<1x16xf32>,
        %parallel_loop3A_221 = arith.mulf %parallel_loop3A_210, %parallel_loop3A_186 : vector<1x16xf32>
        %parallel_loop3A_222 = arith.constant 0 : i32
        %parallel_loop3A_223 = arith.constant 0 : i32
        %parallel_loop3A_224 = tpu.memref_slice %arg10[%parallel_loop3A_67, %parallel_loop3A_222, %parallel_loop3A_223] : memref<2x8x1024xf32, #tpu.memory_space<vmem>> -> memref<1x8x1024xf32, #tpu.memory_space<vmem>>
        %parallel_loop3A_225 = tpu.memref_squeeze %parallel_loop3A_224 : memref<1x8x1024xf32, #tpu.memory_space<vmem>> -> memref<8x1024xf32, #tpu.memory_space<vmem>>
        %parallel_loop3A_226 = arith.constant 1 : index
        %parallel_loop3A_227 = arith.index_cast %parallel_loop3A_119 : i32 to index
        %parallel_loop3A_228 = tpu.vector_load %parallel_loop3A_225[%parallel_loop3A_226, %parallel_loop3A_227] {strides = array<i32>} : memref<8x1024xf32, #tpu.memory_space<vmem>>, vector<1x16xf32>,
        %parallel_loop3A_229 = vector.shape_cast %parallel_loop3A_228 : vector<1x16xf32> to vector<1x16xf32>
        %parallel_loop3A_230 = vector.shape_cast %parallel_loop3A_221 : vector<1x16xf32> to vector<1x16xf32>
        tpu.vector_store %parallel_loop3A_225[%parallel_loop3A_226, %parallel_loop3A_227], %parallel_loop3A_230 {strides = array<i32>} : memref<8x1024xf32, #tpu.memory_space<vmem>>, vector<1x16xf32>,
        %parallel_loop3A_231 = arith.constant 2 : index
        %parallel_loop3A_232 = arith.index_cast %parallel_loop3A_119 : i32 to index
        %parallel_loop3A_233 = tpu.vector_load %arg6[%parallel_loop3A_231, %parallel_loop3A_232] {strides = array<i32>} : memref<8x1024xf32, #tpu.memory_space<vmem>>, vector<1x16xf32>,
        %parallel_loop3A_234 = vector.shape_cast %parallel_loop3A_233 : vector<1x16xf32> to vector<1x16xf32>
        %parallel_loop3A_235 = arith.constant 2 : index
        %parallel_loop3A_236 = arith.index_cast %parallel_loop3A_119 : i32 to index
        %parallel_loop3A_237 = tpu.vector_load %arg8[%parallel_loop3A_235, %parallel_loop3A_236] {strides = array<i32>} : memref<8x1024xf32, #tpu.memory_space<vmem>>, vector<1x16xf32>,
        %parallel_loop3A_238 = vector.shape_cast %parallel_loop3A_237 : vector<1x16xf32> to vector<1x16xf32>
        %parallel_loop3A_239 = arith.mulf %parallel_loop3A_234, %parallel_loop3A_234 : vector<1x16xf32>
        %parallel_loop3A_240 = arith.mulf %parallel_loop3A_238, %parallel_loop3A_238 : vector<1x16xf32>
        %parallel_loop3A_241 = arith.addf %parallel_loop3A_239, %parallel_loop3A_240 : vector<1x16xf32>
        %parallel_loop3A_242 = tpu.bitcast %parallel_loop3A_241 : vector<1x16xf32> -> vector<1x16xi32>
        %parallel_loop3A_243 = arith.constant 1 : i32
        %parallel_loop3A_244 = vector.broadcast %parallel_loop3A_243 : i32 to vector<1x16xi32>
        %parallel_loop3A_245 = arith.shrui %parallel_loop3A_242, %parallel_loop3A_244 : vector<1x16xi32>
        %parallel_loop3A_246 = arith.constant 1593268703 : i32
        %parallel_loop3A_247 = vector.broadcast %parallel_loop3A_246 : i32 to vector<1x16xi32>
        %parallel_loop3A_248 = arith.subi %parallel_loop3A_247, %parallel_loop3A_245 : vector<1x16xi32>
        %parallel_loop3A_249 = tpu.bitcast %parallel_loop3A_248 : vector<1x16xi32> -> vector<1x16xf32>
        %parallel_loop3A_250 = arith.mulf %parallel_loop3A_241, %parallel_loop3A_249 : vector<1x16xf32>
        %parallel_loop3A_251 = arith.mulf %parallel_loop3A_250, %parallel_loop3A_249 : vector<1x16xf32>
        %parallel_loop3A_252 = arith.constant 1.500000e+00 : f32
        %parallel_loop3A_253 = vector.broadcast %parallel_loop3A_252 : f32 to vector<1x16xf32>
        %parallel_loop3A_254 = arith.subf %parallel_loop3A_253, %parallel_loop3A_251 : vector<1x16xf32>
        %parallel_loop3A_255 = arith.mulf %parallel_loop3A_249, %parallel_loop3A_254 : vector<1x16xf32>
        %parallel_loop3A_256 = arith.mulf %parallel_loop3A_126, %parallel_loop3A_255 : vector<1x16xf32>
        %parallel_loop3A_257 = arith.constant 1.000000e+00 : f32
        %parallel_loop3A_258 = vector.broadcast %parallel_loop3A_257 : f32 to vector<1x16xf32>
        %parallel_loop3A_259 = arith.addf %parallel_loop3A_258, %parallel_loop3A_256 : vector<1x16xf32>
        %parallel_loop3A_260 = arith.constant 0.000000e+00 : f32
        %parallel_loop3A_261 = vector.broadcast %parallel_loop3A_260 : f32 to vector<1x16xf32>
        %parallel_loop3A_262 = arith.maximumf %parallel_loop3A_259, %parallel_loop3A_261 : vector<1x16xf32>
        %parallel_loop3A_263 = arith.mulf %parallel_loop3A_262, %parallel_loop3A_234 : vector<1x16xf32>
        %parallel_loop3A_264 = arith.constant 0 : i32
        %parallel_loop3A_265 = arith.constant 0 : i32
        %parallel_loop3A_266 = tpu.memref_slice %arg10[%parallel_loop3A_66, %parallel_loop3A_264, %parallel_loop3A_265] : memref<2x8x1024xf32, #tpu.memory_space<vmem>> -> memref<1x8x1024xf32, #tpu.memory_space<vmem>>
        %parallel_loop3A_267 = tpu.memref_squeeze %parallel_loop3A_266 : memref<1x8x1024xf32, #tpu.memory_space<vmem>> -> memref<8x1024xf32, #tpu.memory_space<vmem>>
        %parallel_loop3A_268 = arith.constant 2 : index
        %parallel_loop3A_269 = arith.index_cast %parallel_loop3A_119 : i32 to index
        %parallel_loop3A_270 = tpu.vector_load %parallel_loop3A_267[%parallel_loop3A_268, %parallel_loop3A_269] {strides = array<i32>} : memref<8x1024xf32, #tpu.memory_space<vmem>>, vector<1x16xf32>,
        %parallel_loop3A_271 = vector.shape_cast %parallel_loop3A_270 : vector<1x16xf32> to vector<1x16xf32>
        %parallel_loop3A_272 = vector.shape_cast %parallel_loop3A_263 : vector<1x16xf32> to vector<1x16xf32>
        tpu.vector_store %parallel_loop3A_267[%parallel_loop3A_268, %parallel_loop3A_269], %parallel_loop3A_272 {strides = array<i32>} : memref<8x1024xf32, #tpu.memory_space<vmem>>, vector<1x16xf32>,
        %parallel_loop3A_273 = arith.mulf %parallel_loop3A_262, %parallel_loop3A_238 : vector<1x16xf32>
        %parallel_loop3A_274 = arith.constant 0 : i32
        %parallel_loop3A_275 = arith.constant 0 : i32
        %parallel_loop3A_276 = tpu.memref_slice %arg10[%parallel_loop3A_67, %parallel_loop3A_274, %parallel_loop3A_275] : memref<2x8x1024xf32, #tpu.memory_space<vmem>> -> memref<1x8x1024xf32, #tpu.memory_space<vmem>>
        %parallel_loop3A_277 = tpu.memref_squeeze %parallel_loop3A_276 : memref<1x8x1024xf32, #tpu.memory_space<vmem>> -> memref<8x1024xf32, #tpu.memory_space<vmem>>
        %parallel_loop3A_278 = arith.constant 2 : index
        %parallel_loop3A_279 = arith.index_cast %parallel_loop3A_119 : i32 to index
        %parallel_loop3A_280 = tpu.vector_load %parallel_loop3A_277[%parallel_loop3A_278, %parallel_loop3A_279] {strides = array<i32>} : memref<8x1024xf32, #tpu.memory_space<vmem>>, vector<1x16xf32>,
        %parallel_loop3A_281 = vector.shape_cast %parallel_loop3A_280 : vector<1x16xf32> to vector<1x16xf32>
        %parallel_loop3A_282 = vector.shape_cast %parallel_loop3A_273 : vector<1x16xf32> to vector<1x16xf32>
        tpu.vector_store %parallel_loop3A_277[%parallel_loop3A_278, %parallel_loop3A_279], %parallel_loop3A_282 {strides = array<i32>} : memref<8x1024xf32, #tpu.memory_space<vmem>>, vector<1x16xf32>,
        %parallel_loop3A_283 = arith.constant 3 : index
        %parallel_loop3A_284 = arith.index_cast %parallel_loop3A_119 : i32 to index
        %parallel_loop3A_285 = tpu.vector_load %arg6[%parallel_loop3A_283, %parallel_loop3A_284] {strides = array<i32>} : memref<8x1024xf32, #tpu.memory_space<vmem>>, vector<1x16xf32>,
        %parallel_loop3A_286 = vector.shape_cast %parallel_loop3A_285 : vector<1x16xf32> to vector<1x16xf32>
        %parallel_loop3A_287 = arith.constant 3 : index
        %parallel_loop3A_288 = arith.index_cast %parallel_loop3A_119 : i32 to index
        %parallel_loop3A_289 = tpu.vector_load %arg8[%parallel_loop3A_287, %parallel_loop3A_288] {strides = array<i32>} : memref<8x1024xf32, #tpu.memory_space<vmem>>, vector<1x16xf32>,
        %parallel_loop3A_290 = vector.shape_cast %parallel_loop3A_289 : vector<1x16xf32> to vector<1x16xf32>
        %parallel_loop3A_291 = arith.mulf %parallel_loop3A_286, %parallel_loop3A_286 : vector<1x16xf32>
        %parallel_loop3A_292 = arith.mulf %parallel_loop3A_290, %parallel_loop3A_290 : vector<1x16xf32>
        %parallel_loop3A_293 = arith.addf %parallel_loop3A_291, %parallel_loop3A_292 : vector<1x16xf32>
        %parallel_loop3A_294 = tpu.bitcast %parallel_loop3A_293 : vector<1x16xf32> -> vector<1x16xi32>
        %parallel_loop3A_295 = arith.constant 1 : i32
        %parallel_loop3A_296 = vector.broadcast %parallel_loop3A_295 : i32 to vector<1x16xi32>
        %parallel_loop3A_297 = arith.shrui %parallel_loop3A_294, %parallel_loop3A_296 : vector<1x16xi32>
        %parallel_loop3A_298 = arith.constant 1593268703 : i32
        %parallel_loop3A_299 = vector.broadcast %parallel_loop3A_298 : i32 to vector<1x16xi32>
        %parallel_loop3A_300 = arith.subi %parallel_loop3A_299, %parallel_loop3A_297 : vector<1x16xi32>
        %parallel_loop3A_301 = tpu.bitcast %parallel_loop3A_300 : vector<1x16xi32> -> vector<1x16xf32>
        %parallel_loop3A_302 = arith.mulf %parallel_loop3A_293, %parallel_loop3A_301 : vector<1x16xf32>
        %parallel_loop3A_303 = arith.mulf %parallel_loop3A_302, %parallel_loop3A_301 : vector<1x16xf32>
        %parallel_loop3A_304 = arith.constant 1.500000e+00 : f32
        %parallel_loop3A_305 = vector.broadcast %parallel_loop3A_304 : f32 to vector<1x16xf32>
        %parallel_loop3A_306 = arith.subf %parallel_loop3A_305, %parallel_loop3A_303 : vector<1x16xf32>
        %parallel_loop3A_307 = arith.mulf %parallel_loop3A_301, %parallel_loop3A_306 : vector<1x16xf32>
        %parallel_loop3A_308 = arith.mulf %parallel_loop3A_126, %parallel_loop3A_307 : vector<1x16xf32>
        %parallel_loop3A_309 = arith.constant 1.000000e+00 : f32
        %parallel_loop3A_310 = vector.broadcast %parallel_loop3A_309 : f32 to vector<1x16xf32>
        %parallel_loop3A_311 = arith.addf %parallel_loop3A_310, %parallel_loop3A_308 : vector<1x16xf32>
        %parallel_loop3A_312 = arith.constant 0.000000e+00 : f32
        %parallel_loop3A_313 = vector.broadcast %parallel_loop3A_312 : f32 to vector<1x16xf32>
        %parallel_loop3A_314 = arith.maximumf %parallel_loop3A_311, %parallel_loop3A_313 : vector<1x16xf32>
        %parallel_loop3A_315 = arith.mulf %parallel_loop3A_314, %parallel_loop3A_286 : vector<1x16xf32>
        %parallel_loop3A_316 = arith.constant 0 : i32
        %parallel_loop3A_317 = arith.constant 0 : i32
        %parallel_loop3A_318 = tpu.memref_slice %arg10[%parallel_loop3A_66, %parallel_loop3A_316, %parallel_loop3A_317] : memref<2x8x1024xf32, #tpu.memory_space<vmem>> -> memref<1x8x1024xf32, #tpu.memory_space<vmem>>
        %parallel_loop3A_319 = tpu.memref_squeeze %parallel_loop3A_318 : memref<1x8x1024xf32, #tpu.memory_space<vmem>> -> memref<8x1024xf32, #tpu.memory_space<vmem>>
        %parallel_loop3A_320 = arith.constant 3 : index
        %parallel_loop3A_321 = arith.index_cast %parallel_loop3A_119 : i32 to index
        %parallel_loop3A_322 = tpu.vector_load %parallel_loop3A_319[%parallel_loop3A_320, %parallel_loop3A_321] {strides = array<i32>} : memref<8x1024xf32, #tpu.memory_space<vmem>>, vector<1x16xf32>,
        %parallel_loop3A_323 = vector.shape_cast %parallel_loop3A_322 : vector<1x16xf32> to vector<1x16xf32>
        %parallel_loop3A_324 = vector.shape_cast %parallel_loop3A_315 : vector<1x16xf32> to vector<1x16xf32>
        tpu.vector_store %parallel_loop3A_319[%parallel_loop3A_320, %parallel_loop3A_321], %parallel_loop3A_324 {strides = array<i32>} : memref<8x1024xf32, #tpu.memory_space<vmem>>, vector<1x16xf32>,
        %parallel_loop3A_325 = arith.mulf %parallel_loop3A_314, %parallel_loop3A_290 : vector<1x16xf32>
        %parallel_loop3A_326 = arith.constant 0 : i32
        %parallel_loop3A_327 = arith.constant 0 : i32
        %parallel_loop3A_328 = tpu.memref_slice %arg10[%parallel_loop3A_67, %parallel_loop3A_326, %parallel_loop3A_327] : memref<2x8x1024xf32, #tpu.memory_space<vmem>> -> memref<1x8x1024xf32, #tpu.memory_space<vmem>>
        %parallel_loop3A_329 = tpu.memref_squeeze %parallel_loop3A_328 : memref<1x8x1024xf32, #tpu.memory_space<vmem>> -> memref<8x1024xf32, #tpu.memory_space<vmem>>
        %parallel_loop3A_330 = arith.constant 3 : index
        %parallel_loop3A_331 = arith.index_cast %parallel_loop3A_119 : i32 to index
        %parallel_loop3A_332 = tpu.vector_load %parallel_loop3A_329[%parallel_loop3A_330, %parallel_loop3A_331] {strides = array<i32>} : memref<8x1024xf32, #tpu.memory_space<vmem>>, vector<1x16xf32>,
        %parallel_loop3A_333 = vector.shape_cast %parallel_loop3A_332 : vector<1x16xf32> to vector<1x16xf32>
        %parallel_loop3A_334 = vector.shape_cast %parallel_loop3A_325 : vector<1x16xf32> to vector<1x16xf32>
        tpu.vector_store %parallel_loop3A_329[%parallel_loop3A_330, %parallel_loop3A_331], %parallel_loop3A_334 {strides = array<i32>} : memref<8x1024xf32, #tpu.memory_space<vmem>>, vector<1x16xf32>,
        %parallel_loop3A_335 = arith.constant 4 : index
        %parallel_loop3A_336 = arith.index_cast %parallel_loop3A_119 : i32 to index
        %parallel_loop3A_337 = tpu.vector_load %arg6[%parallel_loop3A_335, %parallel_loop3A_336] {strides = array<i32>} : memref<8x1024xf32, #tpu.memory_space<vmem>>, vector<1x16xf32>,
        %parallel_loop3A_338 = vector.shape_cast %parallel_loop3A_337 : vector<1x16xf32> to vector<1x16xf32>
        %parallel_loop3A_339 = arith.constant 4 : index
        %parallel_loop3A_340 = arith.index_cast %parallel_loop3A_119 : i32 to index
        %parallel_loop3A_341 = tpu.vector_load %arg8[%parallel_loop3A_339, %parallel_loop3A_340] {strides = array<i32>} : memref<8x1024xf32, #tpu.memory_space<vmem>>, vector<1x16xf32>,
        %parallel_loop3A_342 = vector.shape_cast %parallel_loop3A_341 : vector<1x16xf32> to vector<1x16xf32>
        %parallel_loop3A_343 = arith.mulf %parallel_loop3A_338, %parallel_loop3A_338 : vector<1x16xf32>
        %parallel_loop3A_344 = arith.mulf %parallel_loop3A_342, %parallel_loop3A_342 : vector<1x16xf32>
        %parallel_loop3A_345 = arith.addf %parallel_loop3A_343, %parallel_loop3A_344 : vector<1x16xf32>
        %parallel_loop3A_346 = tpu.bitcast %parallel_loop3A_345 : vector<1x16xf32> -> vector<1x16xi32>
        %parallel_loop3A_347 = arith.constant 1 : i32
        %parallel_loop3A_348 = vector.broadcast %parallel_loop3A_347 : i32 to vector<1x16xi32>
        %parallel_loop3A_349 = arith.shrui %parallel_loop3A_346, %parallel_loop3A_348 : vector<1x16xi32>
        %parallel_loop3A_350 = arith.constant 1593268703 : i32
        %parallel_loop3A_351 = vector.broadcast %parallel_loop3A_350 : i32 to vector<1x16xi32>
        %parallel_loop3A_352 = arith.subi %parallel_loop3A_351, %parallel_loop3A_349 : vector<1x16xi32>
        %parallel_loop3A_353 = tpu.bitcast %parallel_loop3A_352 : vector<1x16xi32> -> vector<1x16xf32>
        %parallel_loop3A_354 = arith.mulf %parallel_loop3A_345, %parallel_loop3A_353 : vector<1x16xf32>
        %parallel_loop3A_355 = arith.mulf %parallel_loop3A_354, %parallel_loop3A_353 : vector<1x16xf32>
        %parallel_loop3A_356 = arith.constant 1.500000e+00 : f32
        %parallel_loop3A_357 = vector.broadcast %parallel_loop3A_356 : f32 to vector<1x16xf32>
        %parallel_loop3A_358 = arith.subf %parallel_loop3A_357, %parallel_loop3A_355 : vector<1x16xf32>
        %parallel_loop3A_359 = arith.mulf %parallel_loop3A_353, %parallel_loop3A_358 : vector<1x16xf32>
        %parallel_loop3A_360 = arith.mulf %parallel_loop3A_126, %parallel_loop3A_359 : vector<1x16xf32>
        %parallel_loop3A_361 = arith.constant 1.000000e+00 : f32
        %parallel_loop3A_362 = vector.broadcast %parallel_loop3A_361 : f32 to vector<1x16xf32>
        %parallel_loop3A_363 = arith.addf %parallel_loop3A_362, %parallel_loop3A_360 : vector<1x16xf32>
        %parallel_loop3A_364 = arith.constant 0.000000e+00 : f32
        %parallel_loop3A_365 = vector.broadcast %parallel_loop3A_364 : f32 to vector<1x16xf32>
        %parallel_loop3A_366 = arith.maximumf %parallel_loop3A_363, %parallel_loop3A_365 : vector<1x16xf32>
        %parallel_loop3A_367 = arith.mulf %parallel_loop3A_366, %parallel_loop3A_338 : vector<1x16xf32>
        %parallel_loop3A_368 = arith.constant 0 : i32
        %parallel_loop3A_369 = arith.constant 0 : i32
        %parallel_loop3A_370 = tpu.memref_slice %arg10[%parallel_loop3A_66, %parallel_loop3A_368, %parallel_loop3A_369] : memref<2x8x1024xf32, #tpu.memory_space<vmem>> -> memref<1x8x1024xf32, #tpu.memory_space<vmem>>
        %parallel_loop3A_371 = tpu.memref_squeeze %parallel_loop3A_370 : memref<1x8x1024xf32, #tpu.memory_space<vmem>> -> memref<8x1024xf32, #tpu.memory_space<vmem>>
        %parallel_loop3A_372 = arith.constant 4 : index
        %parallel_loop3A_373 = arith.index_cast %parallel_loop3A_119 : i32 to index
        %parallel_loop3A_374 = tpu.vector_load %parallel_loop3A_371[%parallel_loop3A_372, %parallel_loop3A_373] {strides = array<i32>} : memref<8x1024xf32, #tpu.memory_space<vmem>>, vector<1x16xf32>,
        %parallel_loop3A_375 = vector.shape_cast %parallel_loop3A_374 : vector<1x16xf32> to vector<1x16xf32>
        %parallel_loop3A_376 = vector.shape_cast %parallel_loop3A_367 : vector<1x16xf32> to vector<1x16xf32>
        tpu.vector_store %parallel_loop3A_371[%parallel_loop3A_372, %parallel_loop3A_373], %parallel_loop3A_376 {strides = array<i32>} : memref<8x1024xf32, #tpu.memory_space<vmem>>, vector<1x16xf32>,
        %parallel_loop3A_377 = arith.mulf %parallel_loop3A_366, %parallel_loop3A_342 : vector<1x16xf32>
        %parallel_loop3A_378 = arith.constant 0 : i32
        %parallel_loop3A_379 = arith.constant 0 : i32
        %parallel_loop3A_380 = tpu.memref_slice %arg10[%parallel_loop3A_67, %parallel_loop3A_378, %parallel_loop3A_379] : memref<2x8x1024xf32, #tpu.memory_space<vmem>> -> memref<1x8x1024xf32, #tpu.memory_space<vmem>>
        %parallel_loop3A_381 = tpu.memref_squeeze %parallel_loop3A_380 : memref<1x8x1024xf32, #tpu.memory_space<vmem>> -> memref<8x1024xf32, #tpu.memory_space<vmem>>
        %parallel_loop3A_382 = arith.constant 4 : index
        %parallel_loop3A_383 = arith.index_cast %parallel_loop3A_119 : i32 to index
        %parallel_loop3A_384 = tpu.vector_load %parallel_loop3A_381[%parallel_loop3A_382, %parallel_loop3A_383] {strides = array<i32>} : memref<8x1024xf32, #tpu.memory_space<vmem>>, vector<1x16xf32>,
        %parallel_loop3A_385 = vector.shape_cast %parallel_loop3A_384 : vector<1x16xf32> to vector<1x16xf32>
        %parallel_loop3A_386 = vector.shape_cast %parallel_loop3A_377 : vector<1x16xf32> to vector<1x16xf32>
        tpu.vector_store %parallel_loop3A_381[%parallel_loop3A_382, %parallel_loop3A_383], %parallel_loop3A_386 {strides = array<i32>} : memref<8x1024xf32, #tpu.memory_space<vmem>>, vector<1x16xf32>,
        %parallel_loop3A_387 = arith.constant 5 : index
        %parallel_loop3A_388 = arith.index_cast %parallel_loop3A_119 : i32 to index
        %parallel_loop3A_389 = tpu.vector_load %arg6[%parallel_loop3A_387, %parallel_loop3A_388] {strides = array<i32>} : memref<8x1024xf32, #tpu.memory_space<vmem>>, vector<1x16xf32>,
        %parallel_loop3A_390 = vector.shape_cast %parallel_loop3A_389 : vector<1x16xf32> to vector<1x16xf32>
        %parallel_loop3A_391 = arith.constant 5 : index
        %parallel_loop3A_392 = arith.index_cast %parallel_loop3A_119 : i32 to index
        %parallel_loop3A_393 = tpu.vector_load %arg8[%parallel_loop3A_391, %parallel_loop3A_392] {strides = array<i32>} : memref<8x1024xf32, #tpu.memory_space<vmem>>, vector<1x16xf32>,
        %parallel_loop3A_394 = vector.shape_cast %parallel_loop3A_393 : vector<1x16xf32> to vector<1x16xf32>
        %parallel_loop3A_395 = arith.mulf %parallel_loop3A_390, %parallel_loop3A_390 : vector<1x16xf32>
        %parallel_loop3A_396 = arith.mulf %parallel_loop3A_394, %parallel_loop3A_394 : vector<1x16xf32>
        %parallel_loop3A_397 = arith.addf %parallel_loop3A_395, %parallel_loop3A_396 : vector<1x16xf32>
        %parallel_loop3A_398 = tpu.bitcast %parallel_loop3A_397 : vector<1x16xf32> -> vector<1x16xi32>
        %parallel_loop3A_399 = arith.constant 1 : i32
        %parallel_loop3A_400 = vector.broadcast %parallel_loop3A_399 : i32 to vector<1x16xi32>
        %parallel_loop3A_401 = arith.shrui %parallel_loop3A_398, %parallel_loop3A_400 : vector<1x16xi32>
        %parallel_loop3A_402 = arith.constant 1593268703 : i32
        %parallel_loop3A_403 = vector.broadcast %parallel_loop3A_402 : i32 to vector<1x16xi32>
        %parallel_loop3A_404 = arith.subi %parallel_loop3A_403, %parallel_loop3A_401 : vector<1x16xi32>
        %parallel_loop3A_405 = tpu.bitcast %parallel_loop3A_404 : vector<1x16xi32> -> vector<1x16xf32>
        %parallel_loop3A_406 = arith.mulf %parallel_loop3A_397, %parallel_loop3A_405 : vector<1x16xf32>
        %parallel_loop3A_407 = arith.mulf %parallel_loop3A_406, %parallel_loop3A_405 : vector<1x16xf32>
        %parallel_loop3A_408 = arith.constant 1.500000e+00 : f32
        %parallel_loop3A_409 = vector.broadcast %parallel_loop3A_408 : f32 to vector<1x16xf32>
        %parallel_loop3A_410 = arith.subf %parallel_loop3A_409, %parallel_loop3A_407 : vector<1x16xf32>
        %parallel_loop3A_411 = arith.mulf %parallel_loop3A_405, %parallel_loop3A_410 : vector<1x16xf32>
        %parallel_loop3A_412 = arith.mulf %parallel_loop3A_126, %parallel_loop3A_411 : vector<1x16xf32>
        %parallel_loop3A_413 = arith.constant 1.000000e+00 : f32
        %parallel_loop3A_414 = vector.broadcast %parallel_loop3A_413 : f32 to vector<1x16xf32>
        %parallel_loop3A_415 = arith.addf %parallel_loop3A_414, %parallel_loop3A_412 : vector<1x16xf32>
        %parallel_loop3A_416 = arith.constant 0.000000e+00 : f32
        %parallel_loop3A_417 = vector.broadcast %parallel_loop3A_416 : f32 to vector<1x16xf32>
        %parallel_loop3A_418 = arith.maximumf %parallel_loop3A_415, %parallel_loop3A_417 : vector<1x16xf32>
        %parallel_loop3A_419 = arith.mulf %parallel_loop3A_418, %parallel_loop3A_390 : vector<1x16xf32>
        %parallel_loop3A_420 = arith.constant 0 : i32
        %parallel_loop3A_421 = arith.constant 0 : i32
        %parallel_loop3A_422 = tpu.memref_slice %arg10[%parallel_loop3A_66, %parallel_loop3A_420, %parallel_loop3A_421] : memref<2x8x1024xf32, #tpu.memory_space<vmem>> -> memref<1x8x1024xf32, #tpu.memory_space<vmem>>
        %parallel_loop3A_423 = tpu.memref_squeeze %parallel_loop3A_422 : memref<1x8x1024xf32, #tpu.memory_space<vmem>> -> memref<8x1024xf32, #tpu.memory_space<vmem>>
        %parallel_loop3A_424 = arith.constant 5 : index
        %parallel_loop3A_425 = arith.index_cast %parallel_loop3A_119 : i32 to index
        %parallel_loop3A_426 = tpu.vector_load %parallel_loop3A_423[%parallel_loop3A_424, %parallel_loop3A_425] {strides = array<i32>} : memref<8x1024xf32, #tpu.memory_space<vmem>>, vector<1x16xf32>,
        %parallel_loop3A_427 = vector.shape_cast %parallel_loop3A_426 : vector<1x16xf32> to vector<1x16xf32>
        %parallel_loop3A_428 = vector.shape_cast %parallel_loop3A_419 : vector<1x16xf32> to vector<1x16xf32>
        tpu.vector_store %parallel_loop3A_423[%parallel_loop3A_424, %parallel_loop3A_425], %parallel_loop3A_428 {strides = array<i32>} : memref<8x1024xf32, #tpu.memory_space<vmem>>, vector<1x16xf32>,
        %parallel_loop3A_429 = arith.mulf %parallel_loop3A_418, %parallel_loop3A_394 : vector<1x16xf32>
        %parallel_loop3A_430 = arith.constant 0 : i32
        %parallel_loop3A_431 = arith.constant 0 : i32
        %parallel_loop3A_432 = tpu.memref_slice %arg10[%parallel_loop3A_67, %parallel_loop3A_430, %parallel_loop3A_431] : memref<2x8x1024xf32, #tpu.memory_space<vmem>> -> memref<1x8x1024xf32, #tpu.memory_space<vmem>>
        %parallel_loop3A_433 = tpu.memref_squeeze %parallel_loop3A_432 : memref<1x8x1024xf32, #tpu.memory_space<vmem>> -> memref<8x1024xf32, #tpu.memory_space<vmem>>
        %parallel_loop3A_434 = arith.constant 5 : index
        %parallel_loop3A_435 = arith.index_cast %parallel_loop3A_119 : i32 to index
        %parallel_loop3A_436 = tpu.vector_load %parallel_loop3A_433[%parallel_loop3A_434, %parallel_loop3A_435] {strides = array<i32>} : memref<8x1024xf32, #tpu.memory_space<vmem>>, vector<1x16xf32>,
        %parallel_loop3A_437 = vector.shape_cast %parallel_loop3A_436 : vector<1x16xf32> to vector<1x16xf32>
        %parallel_loop3A_438 = vector.shape_cast %parallel_loop3A_429 : vector<1x16xf32> to vector<1x16xf32>
        tpu.vector_store %parallel_loop3A_433[%parallel_loop3A_434, %parallel_loop3A_435], %parallel_loop3A_438 {strides = array<i32>} : memref<8x1024xf32, #tpu.memory_space<vmem>>, vector<1x16xf32>,
        %parallel_loop3A_439 = arith.constant 6 : index
        %parallel_loop3A_440 = arith.index_cast %parallel_loop3A_119 : i32 to index
        %parallel_loop3A_441 = tpu.vector_load %arg6[%parallel_loop3A_439, %parallel_loop3A_440] {strides = array<i32>} : memref<8x1024xf32, #tpu.memory_space<vmem>>, vector<1x16xf32>,
        %parallel_loop3A_442 = vector.shape_cast %parallel_loop3A_441 : vector<1x16xf32> to vector<1x16xf32>
        %parallel_loop3A_443 = arith.constant 6 : index
        %parallel_loop3A_444 = arith.index_cast %parallel_loop3A_119 : i32 to index
        %parallel_loop3A_445 = tpu.vector_load %arg8[%parallel_loop3A_443, %parallel_loop3A_444] {strides = array<i32>} : memref<8x1024xf32, #tpu.memory_space<vmem>>, vector<1x16xf32>,
        %parallel_loop3A_446 = vector.shape_cast %parallel_loop3A_445 : vector<1x16xf32> to vector<1x16xf32>
        %parallel_loop3A_447 = arith.mulf %parallel_loop3A_442, %parallel_loop3A_442 : vector<1x16xf32>
        %parallel_loop3A_448 = arith.mulf %parallel_loop3A_446, %parallel_loop3A_446 : vector<1x16xf32>
        %parallel_loop3A_449 = arith.addf %parallel_loop3A_447, %parallel_loop3A_448 : vector<1x16xf32>
        %parallel_loop3A_450 = tpu.bitcast %parallel_loop3A_449 : vector<1x16xf32> -> vector<1x16xi32>
        %parallel_loop3A_451 = arith.constant 1 : i32
        %parallel_loop3A_452 = vector.broadcast %parallel_loop3A_451 : i32 to vector<1x16xi32>
        %parallel_loop3A_453 = arith.shrui %parallel_loop3A_450, %parallel_loop3A_452 : vector<1x16xi32>
        %parallel_loop3A_454 = arith.constant 1593268703 : i32
        %parallel_loop3A_455 = vector.broadcast %parallel_loop3A_454 : i32 to vector<1x16xi32>
        %parallel_loop3A_456 = arith.subi %parallel_loop3A_455, %parallel_loop3A_453 : vector<1x16xi32>
        %parallel_loop3A_457 = tpu.bitcast %parallel_loop3A_456 : vector<1x16xi32> -> vector<1x16xf32>
        %parallel_loop3A_458 = arith.mulf %parallel_loop3A_449, %parallel_loop3A_457 : vector<1x16xf32>
        %parallel_loop3A_459 = arith.mulf %parallel_loop3A_458, %parallel_loop3A_457 : vector<1x16xf32>
        %parallel_loop3A_460 = arith.constant 1.500000e+00 : f32
        %parallel_loop3A_461 = vector.broadcast %parallel_loop3A_460 : f32 to vector<1x16xf32>
        %parallel_loop3A_462 = arith.subf %parallel_loop3A_461, %parallel_loop3A_459 : vector<1x16xf32>
        %parallel_loop3A_463 = arith.mulf %parallel_loop3A_457, %parallel_loop3A_462 : vector<1x16xf32>
        %parallel_loop3A_464 = arith.mulf %parallel_loop3A_126, %parallel_loop3A_463 : vector<1x16xf32>
        %parallel_loop3A_465 = arith.constant 1.000000e+00 : f32
        %parallel_loop3A_466 = vector.broadcast %parallel_loop3A_465 : f32 to vector<1x16xf32>
        %parallel_loop3A_467 = arith.addf %parallel_loop3A_466, %parallel_loop3A_464 : vector<1x16xf32>
        %parallel_loop3A_468 = arith.constant 0.000000e+00 : f32
        %parallel_loop3A_469 = vector.broadcast %parallel_loop3A_468 : f32 to vector<1x16xf32>
        %parallel_loop3A_470 = arith.maximumf %parallel_loop3A_467, %parallel_loop3A_469 : vector<1x16xf32>
        %parallel_loop3A_471 = arith.mulf %parallel_loop3A_470, %parallel_loop3A_442 : vector<1x16xf32>
        %parallel_loop3A_472 = arith.constant 0 : i32
        %parallel_loop3A_473 = arith.constant 0 : i32
        %parallel_loop3A_474 = tpu.memref_slice %arg10[%parallel_loop3A_66, %parallel_loop3A_472, %parallel_loop3A_473] : memref<2x8x1024xf32, #tpu.memory_space<vmem>> -> memref<1x8x1024xf32, #tpu.memory_space<vmem>>
        %parallel_loop3A_475 = tpu.memref_squeeze %parallel_loop3A_474 : memref<1x8x1024xf32, #tpu.memory_space<vmem>> -> memref<8x1024xf32, #tpu.memory_space<vmem>>
        %parallel_loop3A_476 = arith.constant 6 : index
        %parallel_loop3A_477 = arith.index_cast %parallel_loop3A_119 : i32 to index
        %parallel_loop3A_478 = tpu.vector_load %parallel_loop3A_475[%parallel_loop3A_476, %parallel_loop3A_477] {strides = array<i32>} : memref<8x1024xf32, #tpu.memory_space<vmem>>, vector<1x16xf32>,
        %parallel_loop3A_479 = vector.shape_cast %parallel_loop3A_478 : vector<1x16xf32> to vector<1x16xf32>
        %parallel_loop3A_480 = vector.shape_cast %parallel_loop3A_471 : vector<1x16xf32> to vector<1x16xf32>
        tpu.vector_store %parallel_loop3A_475[%parallel_loop3A_476, %parallel_loop3A_477], %parallel_loop3A_480 {strides = array<i32>} : memref<8x1024xf32, #tpu.memory_space<vmem>>, vector<1x16xf32>,
        %parallel_loop3A_481 = arith.mulf %parallel_loop3A_470, %parallel_loop3A_446 : vector<1x16xf32>
        %parallel_loop3A_482 = arith.constant 0 : i32
        %parallel_loop3A_483 = arith.constant 0 : i32
        %parallel_loop3A_484 = tpu.memref_slice %arg10[%parallel_loop3A_67, %parallel_loop3A_482, %parallel_loop3A_483] : memref<2x8x1024xf32, #tpu.memory_space<vmem>> -> memref<1x8x1024xf32, #tpu.memory_space<vmem>>
        %parallel_loop3A_485 = tpu.memref_squeeze %parallel_loop3A_484 : memref<1x8x1024xf32, #tpu.memory_space<vmem>> -> memref<8x1024xf32, #tpu.memory_space<vmem>>
        %parallel_loop3A_486 = arith.constant 6 : index
        %parallel_loop3A_487 = arith.index_cast %parallel_loop3A_119 : i32 to index
        %parallel_loop3A_488 = tpu.vector_load %parallel_loop3A_485[%parallel_loop3A_486, %parallel_loop3A_487] {strides = array<i32>} : memref<8x1024xf32, #tpu.memory_space<vmem>>, vector<1x16xf32>,
        %parallel_loop3A_489 = vector.shape_cast %parallel_loop3A_488 : vector<1x16xf32> to vector<1x16xf32>
        %parallel_loop3A_490 = vector.shape_cast %parallel_loop3A_481 : vector<1x16xf32> to vector<1x16xf32>
        tpu.vector_store %parallel_loop3A_485[%parallel_loop3A_486, %parallel_loop3A_487], %parallel_loop3A_490 {strides = array<i32>} : memref<8x1024xf32, #tpu.memory_space<vmem>>, vector<1x16xf32>,
        %parallel_loop3A_491 = arith.constant 7 : index
        %parallel_loop3A_492 = arith.index_cast %parallel_loop3A_119 : i32 to index
        %parallel_loop3A_493 = tpu.vector_load %arg6[%parallel_loop3A_491, %parallel_loop3A_492] {strides = array<i32>} : memref<8x1024xf32, #tpu.memory_space<vmem>>, vector<1x16xf32>,
        %parallel_loop3A_494 = vector.shape_cast %parallel_loop3A_493 : vector<1x16xf32> to vector<1x16xf32>
        %parallel_loop3A_495 = arith.constant 7 : index
        %parallel_loop3A_496 = arith.index_cast %parallel_loop3A_119 : i32 to index
        %parallel_loop3A_497 = tpu.vector_load %arg8[%parallel_loop3A_495, %parallel_loop3A_496] {strides = array<i32>} : memref<8x1024xf32, #tpu.memory_space<vmem>>, vector<1x16xf32>,
        %parallel_loop3A_498 = vector.shape_cast %parallel_loop3A_497 : vector<1x16xf32> to vector<1x16xf32>
        %parallel_loop3A_499 = arith.mulf %parallel_loop3A_494, %parallel_loop3A_494 : vector<1x16xf32>
        %parallel_loop3A_500 = arith.mulf %parallel_loop3A_498, %parallel_loop3A_498 : vector<1x16xf32>
        %parallel_loop3A_501 = arith.addf %parallel_loop3A_499, %parallel_loop3A_500 : vector<1x16xf32>
        %parallel_loop3A_502 = tpu.bitcast %parallel_loop3A_501 : vector<1x16xf32> -> vector<1x16xi32>
        %parallel_loop3A_503 = arith.constant 1 : i32
        %parallel_loop3A_504 = vector.broadcast %parallel_loop3A_503 : i32 to vector<1x16xi32>
        %parallel_loop3A_505 = arith.shrui %parallel_loop3A_502, %parallel_loop3A_504 : vector<1x16xi32>
        %parallel_loop3A_506 = arith.constant 1593268703 : i32
        %parallel_loop3A_507 = vector.broadcast %parallel_loop3A_506 : i32 to vector<1x16xi32>
        %parallel_loop3A_508 = arith.subi %parallel_loop3A_507, %parallel_loop3A_505 : vector<1x16xi32>
        %parallel_loop3A_509 = tpu.bitcast %parallel_loop3A_508 : vector<1x16xi32> -> vector<1x16xf32>
        %parallel_loop3A_510 = arith.mulf %parallel_loop3A_501, %parallel_loop3A_509 : vector<1x16xf32>
        %parallel_loop3A_511 = arith.mulf %parallel_loop3A_510, %parallel_loop3A_509 : vector<1x16xf32>
        %parallel_loop3A_512 = arith.constant 1.500000e+00 : f32
        %parallel_loop3A_513 = vector.broadcast %parallel_loop3A_512 : f32 to vector<1x16xf32>
        %parallel_loop3A_514 = arith.subf %parallel_loop3A_513, %parallel_loop3A_511 : vector<1x16xf32>
        %parallel_loop3A_515 = arith.mulf %parallel_loop3A_509, %parallel_loop3A_514 : vector<1x16xf32>
        %parallel_loop3A_516 = arith.mulf %parallel_loop3A_126, %parallel_loop3A_515 : vector<1x16xf32>
        %parallel_loop3A_517 = arith.constant 1.000000e+00 : f32
        %parallel_loop3A_518 = vector.broadcast %parallel_loop3A_517 : f32 to vector<1x16xf32>
        %parallel_loop3A_519 = arith.addf %parallel_loop3A_518, %parallel_loop3A_516 : vector<1x16xf32>
        %parallel_loop3A_520 = arith.constant 0.000000e+00 : f32
        %parallel_loop3A_521 = vector.broadcast %parallel_loop3A_520 : f32 to vector<1x16xf32>
        %parallel_loop3A_522 = arith.maximumf %parallel_loop3A_519, %parallel_loop3A_521 : vector<1x16xf32>
        %parallel_loop3A_523 = arith.mulf %parallel_loop3A_522, %parallel_loop3A_494 : vector<1x16xf32>
        %parallel_loop3A_524 = arith.constant 0 : i32
        %parallel_loop3A_525 = arith.constant 0 : i32
        %parallel_loop3A_526 = tpu.memref_slice %arg10[%parallel_loop3A_66, %parallel_loop3A_524, %parallel_loop3A_525] : memref<2x8x1024xf32, #tpu.memory_space<vmem>> -> memref<1x8x1024xf32, #tpu.memory_space<vmem>>
        %parallel_loop3A_527 = tpu.memref_squeeze %parallel_loop3A_526 : memref<1x8x1024xf32, #tpu.memory_space<vmem>> -> memref<8x1024xf32, #tpu.memory_space<vmem>>
        %parallel_loop3A_528 = arith.constant 7 : index
        %parallel_loop3A_529 = arith.index_cast %parallel_loop3A_119 : i32 to index
        %parallel_loop3A_530 = tpu.vector_load %parallel_loop3A_527[%parallel_loop3A_528, %parallel_loop3A_529] {strides = array<i32>} : memref<8x1024xf32, #tpu.memory_space<vmem>>, vector<1x16xf32>,
        %parallel_loop3A_531 = vector.shape_cast %parallel_loop3A_530 : vector<1x16xf32> to vector<1x16xf32>
        %parallel_loop3A_532 = vector.shape_cast %parallel_loop3A_523 : vector<1x16xf32> to vector<1x16xf32>
        tpu.vector_store %parallel_loop3A_527[%parallel_loop3A_528, %parallel_loop3A_529], %parallel_loop3A_532 {strides = array<i32>} : memref<8x1024xf32, #tpu.memory_space<vmem>>, vector<1x16xf32>,
        %parallel_loop3A_533 = arith.mulf %parallel_loop3A_522, %parallel_loop3A_498 : vector<1x16xf32>
        %parallel_loop3A_534 = arith.constant 0 : i32
        %parallel_loop3A_535 = arith.constant 0 : i32
        %parallel_loop3A_536 = tpu.memref_slice %arg10[%parallel_loop3A_67, %parallel_loop3A_534, %parallel_loop3A_535] : memref<2x8x1024xf32, #tpu.memory_space<vmem>> -> memref<1x8x1024xf32, #tpu.memory_space<vmem>>
        %parallel_loop3A_537 = tpu.memref_squeeze %parallel_loop3A_536 : memref<1x8x1024xf32, #tpu.memory_space<vmem>> -> memref<8x1024xf32, #tpu.memory_space<vmem>>
        %parallel_loop3A_538 = arith.constant 7 : index
        %parallel_loop3A_539 = arith.index_cast %parallel_loop3A_119 : i32 to index
        %parallel_loop3A_540 = tpu.vector_load %parallel_loop3A_537[%parallel_loop3A_538, %parallel_loop3A_539] {strides = array<i32>} : memref<8x1024xf32, #tpu.memory_space<vmem>>, vector<1x16xf32>,
        %parallel_loop3A_541 = vector.shape_cast %parallel_loop3A_540 : vector<1x16xf32> to vector<1x16xf32>
        %parallel_loop3A_542 = vector.shape_cast %parallel_loop3A_533 : vector<1x16xf32> to vector<1x16xf32>
        tpu.vector_store %parallel_loop3A_537[%parallel_loop3A_538, %parallel_loop3A_539], %parallel_loop3A_542 {strides = array<i32>} : memref<8x1024xf32, #tpu.memory_space<vmem>>, vector<1x16xf32>,
      } {sc.loop_unroll_factor = 2 : i64, sc.parallel_access}
      %dma_start3A_68 = arith.constant 0 : i32
      %dma_start3A_69 = arith.constant 0 : i32
      %dma_start3A_70 = tpu.memref_slice %arg5[%dma_start3A_68, %add3A_61, %dma_start3A_69] : memref<2x32768x1024xf32, #tpu.memory_space<hbm>> -> memref<2x8x1024xf32, #tpu.memory_space<hbm>>
      %dma_start3A_71 = arith.constant 0 : i32
      %dma_start3A_72 = arith.constant 0 : i32
      %dma_start3A_73 = tpu.memref_slice %arg5[%dma_start3A_71, %add3A_61, %dma_start3A_72] : memref<2x32768x1024xf32, #tpu.memory_space<hbm>> -> memref<2x8x1024xf32, #tpu.memory_space<hbm>>
      tpu.enqueue_dma source(%arg10 : memref<2x8x1024xf32, #tpu.memory_space<vmem>>) target(%dma_start3A_73 : memref<2x8x1024xf32, #tpu.memory_space<hbm>>) target_semaphore(%arg17 : memref<!tpu.dma_semaphore, #tpu.memory_space<semaphore_mem>>)
      %add3A_74 = arith.constant 2 : i32
      %add3A_75 = arith.addi %add3A_47, %add3A_74 : i32
      %lt3A = arith.constant 128 : i32
      %lt3A_76 = arith.cmpi slt, %add3A_75, %lt3A : i32
      %convert_element_type3A_77 = arith.extui %lt3A_76 : i1 to i32
      %cond3A_78 = arith.constant 0 : i32
      %cond3A_79 = arith.cmpi ne, %convert_element_type3A_77, %cond3A_78 : i32
      scf.if %cond3A_79 {
        %add3A_119 = arith.constant 2 : i32
        %add3A_120 = arith.addi %add3A_47, %add3A_119 : i32
        %mul3A_121 = arith.constant 8 : i32
        %mul3A_122 = arith.muli %add3A_120, %mul3A_121 : i32
        %add3A_123 = arith.addi %mul3A_2, %mul3A_122 : i32
        %dma_start3A_124 = arith.constant 0 : i32
        %dma_start3A_125 = tpu.memref_slice %arg2[%add3A_123, %dma_start3A_124] : memref<32768x1024xf32, #tpu.memory_space<hbm>> -> memref<8x1024xf32, #tpu.memory_space<hbm>>
        %dma_start3A_126 = arith.constant 0 : i32
        %dma_start3A_127 = tpu.memref_slice %arg2[%add3A_123, %dma_start3A_126] : memref<32768x1024xf32, #tpu.memory_space<hbm>> -> memref<8x1024xf32, #tpu.memory_space<hbm>>
        tpu.enqueue_dma source(%dma_start3A_127 : memref<8x1024xf32, #tpu.memory_space<hbm>>) target(%arg6 : memref<8x1024xf32, #tpu.memory_space<vmem>>) target_semaphore(%arg13 : memref<!tpu.dma_semaphore, #tpu.memory_space<semaphore_mem>>)
        %dma_start3A_128 = arith.constant 0 : i32
        %dma_start3A_129 = tpu.memref_slice %arg3[%add3A_123, %dma_start3A_128] : memref<32768x1024xf32, #tpu.memory_space<hbm>> -> memref<8x1024xf32, #tpu.memory_space<hbm>>
        %dma_start3A_130 = arith.constant 0 : i32
        %dma_start3A_131 = tpu.memref_slice %arg3[%add3A_123, %dma_start3A_130] : memref<32768x1024xf32, #tpu.memory_space<hbm>> -> memref<8x1024xf32, #tpu.memory_space<hbm>>
        tpu.enqueue_dma source(%dma_start3A_131 : memref<8x1024xf32, #tpu.memory_space<hbm>>) target(%arg8 : memref<8x1024xf32, #tpu.memory_space<vmem>>) target_semaphore(%arg15 : memref<!tpu.dma_semaphore, #tpu.memory_space<semaphore_mem>>)
      } else {
      }
      %add3A_80 = arith.constant 1 : i32
      %add3A_81 = arith.addi %add3A_45, %add3A_80 : i32
      %mul3A_82 = arith.constant 8 : i32
      %mul3A_83 = arith.muli %add3A_81, %mul3A_82 : i32
      %add3A_84 = arith.addi %mul3A_2, %mul3A_83 : i32
      %dma_wait3A_85 = arith.constant 0 : i32
      %dma_wait3A_86 = tpu.memref_slice %arg2[%add3A_84, %dma_wait3A_85] : memref<32768x1024xf32, #tpu.memory_space<hbm>> -> memref<8x1024xf32, #tpu.memory_space<hbm>>
      %dma_wait3A_87 = arith.constant 0 : i32
      %dma_wait3A_88 = tpu.memref_slice %arg2[%add3A_84, %dma_wait3A_87] : memref<32768x1024xf32, #tpu.memory_space<hbm>> -> memref<8x1024xf32, #tpu.memory_space<hbm>>
      tpu.wait_dma2 semaphore(%arg14 : memref<!tpu.dma_semaphore, #tpu.memory_space<semaphore_mem>>) src(%dma_wait3A_88 : memref<8x1024xf32, #tpu.memory_space<hbm>>) dst(%arg7 : memref<8x1024xf32, #tpu.memory_space<vmem>>)
      %dma_wait3A_89 = arith.constant 0 : i32
      %dma_wait3A_90 = tpu.memref_slice %arg3[%add3A_84, %dma_wait3A_89] : memref<32768x1024xf32, #tpu.memory_space<hbm>> -> memref<8x1024xf32, #tpu.memory_space<hbm>>
      %dma_wait3A_91 = arith.constant 0 : i32
      %dma_wait3A_92 = tpu.memref_slice %arg3[%add3A_84, %dma_wait3A_91] : memref<32768x1024xf32, #tpu.memory_space<hbm>> -> memref<8x1024xf32, #tpu.memory_space<hbm>>
      tpu.wait_dma2 semaphore(%arg16 : memref<!tpu.dma_semaphore, #tpu.memory_space<semaphore_mem>>) src(%dma_wait3A_92 : memref<8x1024xf32, #tpu.memory_space<hbm>>) dst(%arg9 : memref<8x1024xf32, #tpu.memory_space<vmem>>)
      %mul3A_93 = arith.constant 8 : i32
      %mul3A_94 = arith.muli %add3A_81, %mul3A_93 : i32
      %add3A_95 = arith.addi %mul3A_2, %mul3A_94 : i32
      %ge3A_96 = arith.constant 2 : i32
      %ge3A_97 = arith.cmpi sge, %add3A_81, %ge3A_96 : i32
      %convert_element_type3A_98 = arith.extui %ge3A_97 : i1 to i32
      %cond3A_99 = arith.constant 0 : i32
      %cond3A_100 = arith.cmpi ne, %convert_element_type3A_98, %cond3A_99 : i32
      scf.if %cond3A_100 {
        %sub3A = arith.constant 2 : i32
        %sub3A_119 = arith.subi %add3A_81, %sub3A : i32
        %mul3A_120 = arith.constant 8 : i32
        %mul3A_121 = arith.muli %sub3A_119, %mul3A_120 : i32
        %add3A_122 = arith.addi %mul3A_2, %mul3A_121 : i32
        %dma_wait3A_123 = arith.constant 0 : i32
        %dma_wait3A_124 = arith.constant 0 : i32
        %dma_wait3A_125 = tpu.memref_slice %arg5[%dma_wait3A_123, %add3A_122, %dma_wait3A_124] : memref<2x32768x1024xf32, #tpu.memory_space<hbm>> -> memref<2x8x1024xf32, #tpu.memory_space<hbm>>
        %dma_wait3A_126 = arith.constant 0 : i32
        %dma_wait3A_127 = arith.constant 0 : i32
        %dma_wait3A_128 = tpu.memref_slice %arg5[%dma_wait3A_126, %add3A_122, %dma_wait3A_127] : memref<2x32768x1024xf32, #tpu.memory_space<hbm>> -> memref<2x8x1024xf32, #tpu.memory_space<hbm>>
        tpu.wait_dma2 semaphore(%arg18 : memref<!tpu.dma_semaphore, #tpu.memory_space<semaphore_mem>>) src(%arg11 : memref<2x8x1024xf32, #tpu.memory_space<vmem>>) dst(%dma_wait3A_128 : memref<2x8x1024xf32, #tpu.memory_space<hbm>>)
      } else {
      }
      %parallel_loop3A_101 = arith.constant 0 : i32
      %parallel_loop3A_102 = arith.constant 1024 : i32
      %parallel_loop3A_103 = arith.constant 16 : i32
      %parallel_loop3A_104 = arith.constant 0 : i32
      %parallel_loop3A_105 = arith.constant 1 : i32
      scf.for %parallel_loop3A_119 = %parallel_loop3A_101 to %parallel_loop3A_102 step %parallel_loop3A_103  : i32 {
        %parallel_loop3A_120 = arith.constant 0 : index
        %parallel_loop3A_121 = arith.index_cast %parallel_loop3A_119 : i32 to index
        %parallel_loop3A_122 = tpu.vector_load %arg12[%parallel_loop3A_120, %parallel_loop3A_121] {strides = array<i32>} : memref<1x1024xf32, #tpu.memory_space<vmem>>, vector<1x16xf32>,
        %parallel_loop3A_123 = vector.shape_cast %parallel_loop3A_122 : vector<1x16xf32> to vector<1x16xf32>
        %parallel_loop3A_124 = arith.constant 1.41421354 : f32
        %parallel_loop3A_125 = vector.broadcast %parallel_loop3A_124 : f32 to vector<1x16xf32>
        %parallel_loop3A_126 = arith.mulf %parallel_loop3A_123, %parallel_loop3A_125 : vector<1x16xf32>
        %parallel_loop3A_127 = arith.constant 0 : index
        %parallel_loop3A_128 = arith.index_cast %parallel_loop3A_119 : i32 to index
        %parallel_loop3A_129 = tpu.vector_load %arg7[%parallel_loop3A_127, %parallel_loop3A_128] {strides = array<i32>} : memref<8x1024xf32, #tpu.memory_space<vmem>>, vector<1x16xf32>,
        %parallel_loop3A_130 = vector.shape_cast %parallel_loop3A_129 : vector<1x16xf32> to vector<1x16xf32>
        %parallel_loop3A_131 = arith.constant 0 : index
        %parallel_loop3A_132 = arith.index_cast %parallel_loop3A_119 : i32 to index
        %parallel_loop3A_133 = tpu.vector_load %arg9[%parallel_loop3A_131, %parallel_loop3A_132] {strides = array<i32>} : memref<8x1024xf32, #tpu.memory_space<vmem>>, vector<1x16xf32>,
        %parallel_loop3A_134 = vector.shape_cast %parallel_loop3A_133 : vector<1x16xf32> to vector<1x16xf32>
        %parallel_loop3A_135 = arith.mulf %parallel_loop3A_130, %parallel_loop3A_130 : vector<1x16xf32>
        %parallel_loop3A_136 = arith.mulf %parallel_loop3A_134, %parallel_loop3A_134 : vector<1x16xf32>
        %parallel_loop3A_137 = arith.addf %parallel_loop3A_135, %parallel_loop3A_136 : vector<1x16xf32>
        %parallel_loop3A_138 = tpu.bitcast %parallel_loop3A_137 : vector<1x16xf32> -> vector<1x16xi32>
        %parallel_loop3A_139 = arith.constant 1 : i32
        %parallel_loop3A_140 = vector.broadcast %parallel_loop3A_139 : i32 to vector<1x16xi32>
        %parallel_loop3A_141 = arith.shrui %parallel_loop3A_138, %parallel_loop3A_140 : vector<1x16xi32>
        %parallel_loop3A_142 = arith.constant 1593268703 : i32
        %parallel_loop3A_143 = vector.broadcast %parallel_loop3A_142 : i32 to vector<1x16xi32>
        %parallel_loop3A_144 = arith.subi %parallel_loop3A_143, %parallel_loop3A_141 : vector<1x16xi32>
        %parallel_loop3A_145 = tpu.bitcast %parallel_loop3A_144 : vector<1x16xi32> -> vector<1x16xf32>
        %parallel_loop3A_146 = arith.mulf %parallel_loop3A_137, %parallel_loop3A_145 : vector<1x16xf32>
        %parallel_loop3A_147 = arith.mulf %parallel_loop3A_146, %parallel_loop3A_145 : vector<1x16xf32>
        %parallel_loop3A_148 = arith.constant 1.500000e+00 : f32
        %parallel_loop3A_149 = vector.broadcast %parallel_loop3A_148 : f32 to vector<1x16xf32>
        %parallel_loop3A_150 = arith.subf %parallel_loop3A_149, %parallel_loop3A_147 : vector<1x16xf32>
        %parallel_loop3A_151 = arith.mulf %parallel_loop3A_145, %parallel_loop3A_150 : vector<1x16xf32>
        %parallel_loop3A_152 = arith.mulf %parallel_loop3A_126, %parallel_loop3A_151 : vector<1x16xf32>
        %parallel_loop3A_153 = arith.constant 1.000000e+00 : f32
        %parallel_loop3A_154 = vector.broadcast %parallel_loop3A_153 : f32 to vector<1x16xf32>
        %parallel_loop3A_155 = arith.addf %parallel_loop3A_154, %parallel_loop3A_152 : vector<1x16xf32>
        %parallel_loop3A_156 = arith.constant 0.000000e+00 : f32
        %parallel_loop3A_157 = vector.broadcast %parallel_loop3A_156 : f32 to vector<1x16xf32>
        %parallel_loop3A_158 = arith.maximumf %parallel_loop3A_155, %parallel_loop3A_157 : vector<1x16xf32>
        %parallel_loop3A_159 = arith.mulf %parallel_loop3A_158, %parallel_loop3A_130 : vector<1x16xf32>
        %parallel_loop3A_160 = arith.constant 0 : i32
        %parallel_loop3A_161 = arith.constant 0 : i32
        %parallel_loop3A_162 = tpu.memref_slice %arg11[%parallel_loop3A_104, %parallel_loop3A_160, %parallel_loop3A_161] : memref<2x8x1024xf32, #tpu.memory_space<vmem>> -> memref<1x8x1024xf32, #tpu.memory_space<vmem>>
        %parallel_loop3A_163 = tpu.memref_squeeze %parallel_loop3A_162 : memref<1x8x1024xf32, #tpu.memory_space<vmem>> -> memref<8x1024xf32, #tpu.memory_space<vmem>>
        %parallel_loop3A_164 = arith.constant 0 : index
        %parallel_loop3A_165 = arith.index_cast %parallel_loop3A_119 : i32 to index
        %parallel_loop3A_166 = tpu.vector_load %parallel_loop3A_163[%parallel_loop3A_164, %parallel_loop3A_165] {strides = array<i32>} : memref<8x1024xf32, #tpu.memory_space<vmem>>, vector<1x16xf32>,
        %parallel_loop3A_167 = vector.shape_cast %parallel_loop3A_166 : vector<1x16xf32> to vector<1x16xf32>
        %parallel_loop3A_168 = vector.shape_cast %parallel_loop3A_159 : vector<1x16xf32> to vector<1x16xf32>
        tpu.vector_store %parallel_loop3A_163[%parallel_loop3A_164, %parallel_loop3A_165], %parallel_loop3A_168 {strides = array<i32>} : memref<8x1024xf32, #tpu.memory_space<vmem>>, vector<1x16xf32>,
        %parallel_loop3A_169 = arith.mulf %parallel_loop3A_158, %parallel_loop3A_134 : vector<1x16xf32>
        %parallel_loop3A_170 = arith.constant 0 : i32
        %parallel_loop3A_171 = arith.constant 0 : i32
        %parallel_loop3A_172 = tpu.memref_slice %arg11[%parallel_loop3A_105, %parallel_loop3A_170, %parallel_loop3A_171] : memref<2x8x1024xf32, #tpu.memory_space<vmem>> -> memref<1x8x1024xf32, #tpu.memory_space<vmem>>
        %parallel_loop3A_173 = tpu.memref_squeeze %parallel_loop3A_172 : memref<1x8x1024xf32, #tpu.memory_space<vmem>> -> memref<8x1024xf32, #tpu.memory_space<vmem>>
        %parallel_loop3A_174 = arith.constant 0 : index
        %parallel_loop3A_175 = arith.index_cast %parallel_loop3A_119 : i32 to index
        %parallel_loop3A_176 = tpu.vector_load %parallel_loop3A_173[%parallel_loop3A_174, %parallel_loop3A_175] {strides = array<i32>} : memref<8x1024xf32, #tpu.memory_space<vmem>>, vector<1x16xf32>,
        %parallel_loop3A_177 = vector.shape_cast %parallel_loop3A_176 : vector<1x16xf32> to vector<1x16xf32>
        %parallel_loop3A_178 = vector.shape_cast %parallel_loop3A_169 : vector<1x16xf32> to vector<1x16xf32>
        tpu.vector_store %parallel_loop3A_173[%parallel_loop3A_174, %parallel_loop3A_175], %parallel_loop3A_178 {strides = array<i32>} : memref<8x1024xf32, #tpu.memory_space<vmem>>, vector<1x16xf32>,
        %parallel_loop3A_179 = arith.constant 1 : index
        %parallel_loop3A_180 = arith.index_cast %parallel_loop3A_119 : i32 to index
        %parallel_loop3A_181 = tpu.vector_load %arg7[%parallel_loop3A_179, %parallel_loop3A_180] {strides = array<i32>} : memref<8x1024xf32, #tpu.memory_space<vmem>>, vector<1x16xf32>,
        %parallel_loop3A_182 = vector.shape_cast %parallel_loop3A_181 : vector<1x16xf32> to vector<1x16xf32>
        %parallel_loop3A_183 = arith.constant 1 : index
        %parallel_loop3A_184 = arith.index_cast %parallel_loop3A_119 : i32 to index
        %parallel_loop3A_185 = tpu.vector_load %arg9[%parallel_loop3A_183, %parallel_loop3A_184] {strides = array<i32>} : memref<8x1024xf32, #tpu.memory_space<vmem>>, vector<1x16xf32>,
        %parallel_loop3A_186 = vector.shape_cast %parallel_loop3A_185 : vector<1x16xf32> to vector<1x16xf32>
        %parallel_loop3A_187 = arith.mulf %parallel_loop3A_182, %parallel_loop3A_182 : vector<1x16xf32>
        %parallel_loop3A_188 = arith.mulf %parallel_loop3A_186, %parallel_loop3A_186 : vector<1x16xf32>
        %parallel_loop3A_189 = arith.addf %parallel_loop3A_187, %parallel_loop3A_188 : vector<1x16xf32>
        %parallel_loop3A_190 = tpu.bitcast %parallel_loop3A_189 : vector<1x16xf32> -> vector<1x16xi32>
        %parallel_loop3A_191 = arith.constant 1 : i32
        %parallel_loop3A_192 = vector.broadcast %parallel_loop3A_191 : i32 to vector<1x16xi32>
        %parallel_loop3A_193 = arith.shrui %parallel_loop3A_190, %parallel_loop3A_192 : vector<1x16xi32>
        %parallel_loop3A_194 = arith.constant 1593268703 : i32
        %parallel_loop3A_195 = vector.broadcast %parallel_loop3A_194 : i32 to vector<1x16xi32>
        %parallel_loop3A_196 = arith.subi %parallel_loop3A_195, %parallel_loop3A_193 : vector<1x16xi32>
        %parallel_loop3A_197 = tpu.bitcast %parallel_loop3A_196 : vector<1x16xi32> -> vector<1x16xf32>
        %parallel_loop3A_198 = arith.mulf %parallel_loop3A_189, %parallel_loop3A_197 : vector<1x16xf32>
        %parallel_loop3A_199 = arith.mulf %parallel_loop3A_198, %parallel_loop3A_197 : vector<1x16xf32>
        %parallel_loop3A_200 = arith.constant 1.500000e+00 : f32
        %parallel_loop3A_201 = vector.broadcast %parallel_loop3A_200 : f32 to vector<1x16xf32>
        %parallel_loop3A_202 = arith.subf %parallel_loop3A_201, %parallel_loop3A_199 : vector<1x16xf32>
        %parallel_loop3A_203 = arith.mulf %parallel_loop3A_197, %parallel_loop3A_202 : vector<1x16xf32>
        %parallel_loop3A_204 = arith.mulf %parallel_loop3A_126, %parallel_loop3A_203 : vector<1x16xf32>
        %parallel_loop3A_205 = arith.constant 1.000000e+00 : f32
        %parallel_loop3A_206 = vector.broadcast %parallel_loop3A_205 : f32 to vector<1x16xf32>
        %parallel_loop3A_207 = arith.addf %parallel_loop3A_206, %parallel_loop3A_204 : vector<1x16xf32>
        %parallel_loop3A_208 = arith.constant 0.000000e+00 : f32
        %parallel_loop3A_209 = vector.broadcast %parallel_loop3A_208 : f32 to vector<1x16xf32>
        %parallel_loop3A_210 = arith.maximumf %parallel_loop3A_207, %parallel_loop3A_209 : vector<1x16xf32>
        %parallel_loop3A_211 = arith.mulf %parallel_loop3A_210, %parallel_loop3A_182 : vector<1x16xf32>
        %parallel_loop3A_212 = arith.constant 0 : i32
        %parallel_loop3A_213 = arith.constant 0 : i32
        %parallel_loop3A_214 = tpu.memref_slice %arg11[%parallel_loop3A_104, %parallel_loop3A_212, %parallel_loop3A_213] : memref<2x8x1024xf32, #tpu.memory_space<vmem>> -> memref<1x8x1024xf32, #tpu.memory_space<vmem>>
        %parallel_loop3A_215 = tpu.memref_squeeze %parallel_loop3A_214 : memref<1x8x1024xf32, #tpu.memory_space<vmem>> -> memref<8x1024xf32, #tpu.memory_space<vmem>>
        %parallel_loop3A_216 = arith.constant 1 : index
        %parallel_loop3A_217 = arith.index_cast %parallel_loop3A_119 : i32 to index
        %parallel_loop3A_218 = tpu.vector_load %parallel_loop3A_215[%parallel_loop3A_216, %parallel_loop3A_217] {strides = array<i32>} : memref<8x1024xf32, #tpu.memory_space<vmem>>, vector<1x16xf32>,
        %parallel_loop3A_219 = vector.shape_cast %parallel_loop3A_218 : vector<1x16xf32> to vector<1x16xf32>
        %parallel_loop3A_220 = vector.shape_cast %parallel_loop3A_211 : vector<1x16xf32> to vector<1x16xf32>
        tpu.vector_store %parallel_loop3A_215[%parallel_loop3A_216, %parallel_loop3A_217], %parallel_loop3A_220 {strides = array<i32>} : memref<8x1024xf32, #tpu.memory_space<vmem>>, vector<1x16xf32>,
        %parallel_loop3A_221 = arith.mulf %parallel_loop3A_210, %parallel_loop3A_186 : vector<1x16xf32>
        %parallel_loop3A_222 = arith.constant 0 : i32
        %parallel_loop3A_223 = arith.constant 0 : i32
        %parallel_loop3A_224 = tpu.memref_slice %arg11[%parallel_loop3A_105, %parallel_loop3A_222, %parallel_loop3A_223] : memref<2x8x1024xf32, #tpu.memory_space<vmem>> -> memref<1x8x1024xf32, #tpu.memory_space<vmem>>
        %parallel_loop3A_225 = tpu.memref_squeeze %parallel_loop3A_224 : memref<1x8x1024xf32, #tpu.memory_space<vmem>> -> memref<8x1024xf32, #tpu.memory_space<vmem>>
        %parallel_loop3A_226 = arith.constant 1 : index
        %parallel_loop3A_227 = arith.index_cast %parallel_loop3A_119 : i32 to index
        %parallel_loop3A_228 = tpu.vector_load %parallel_loop3A_225[%parallel_loop3A_226, %parallel_loop3A_227] {strides = array<i32>} : memref<8x1024xf32, #tpu.memory_space<vmem>>, vector<1x16xf32>,
        %parallel_loop3A_229 = vector.shape_cast %parallel_loop3A_228 : vector<1x16xf32> to vector<1x16xf32>
        %parallel_loop3A_230 = vector.shape_cast %parallel_loop3A_221 : vector<1x16xf32> to vector<1x16xf32>
        tpu.vector_store %parallel_loop3A_225[%parallel_loop3A_226, %parallel_loop3A_227], %parallel_loop3A_230 {strides = array<i32>} : memref<8x1024xf32, #tpu.memory_space<vmem>>, vector<1x16xf32>,
        %parallel_loop3A_231 = arith.constant 2 : index
        %parallel_loop3A_232 = arith.index_cast %parallel_loop3A_119 : i32 to index
        %parallel_loop3A_233 = tpu.vector_load %arg7[%parallel_loop3A_231, %parallel_loop3A_232] {strides = array<i32>} : memref<8x1024xf32, #tpu.memory_space<vmem>>, vector<1x16xf32>,
        %parallel_loop3A_234 = vector.shape_cast %parallel_loop3A_233 : vector<1x16xf32> to vector<1x16xf32>
        %parallel_loop3A_235 = arith.constant 2 : index
        %parallel_loop3A_236 = arith.index_cast %parallel_loop3A_119 : i32 to index
        %parallel_loop3A_237 = tpu.vector_load %arg9[%parallel_loop3A_235, %parallel_loop3A_236] {strides = array<i32>} : memref<8x1024xf32, #tpu.memory_space<vmem>>, vector<1x16xf32>,
        %parallel_loop3A_238 = vector.shape_cast %parallel_loop3A_237 : vector<1x16xf32> to vector<1x16xf32>
        %parallel_loop3A_239 = arith.mulf %parallel_loop3A_234, %parallel_loop3A_234 : vector<1x16xf32>
        %parallel_loop3A_240 = arith.mulf %parallel_loop3A_238, %parallel_loop3A_238 : vector<1x16xf32>
        %parallel_loop3A_241 = arith.addf %parallel_loop3A_239, %parallel_loop3A_240 : vector<1x16xf32>
        %parallel_loop3A_242 = tpu.bitcast %parallel_loop3A_241 : vector<1x16xf32> -> vector<1x16xi32>
        %parallel_loop3A_243 = arith.constant 1 : i32
        %parallel_loop3A_244 = vector.broadcast %parallel_loop3A_243 : i32 to vector<1x16xi32>
        %parallel_loop3A_245 = arith.shrui %parallel_loop3A_242, %parallel_loop3A_244 : vector<1x16xi32>
        %parallel_loop3A_246 = arith.constant 1593268703 : i32
        %parallel_loop3A_247 = vector.broadcast %parallel_loop3A_246 : i32 to vector<1x16xi32>
        %parallel_loop3A_248 = arith.subi %parallel_loop3A_247, %parallel_loop3A_245 : vector<1x16xi32>
        %parallel_loop3A_249 = tpu.bitcast %parallel_loop3A_248 : vector<1x16xi32> -> vector<1x16xf32>
        %parallel_loop3A_250 = arith.mulf %parallel_loop3A_241, %parallel_loop3A_249 : vector<1x16xf32>
        %parallel_loop3A_251 = arith.mulf %parallel_loop3A_250, %parallel_loop3A_249 : vector<1x16xf32>
        %parallel_loop3A_252 = arith.constant 1.500000e+00 : f32
        %parallel_loop3A_253 = vector.broadcast %parallel_loop3A_252 : f32 to vector<1x16xf32>
        %parallel_loop3A_254 = arith.subf %parallel_loop3A_253, %parallel_loop3A_251 : vector<1x16xf32>
        %parallel_loop3A_255 = arith.mulf %parallel_loop3A_249, %parallel_loop3A_254 : vector<1x16xf32>
        %parallel_loop3A_256 = arith.mulf %parallel_loop3A_126, %parallel_loop3A_255 : vector<1x16xf32>
        %parallel_loop3A_257 = arith.constant 1.000000e+00 : f32
        %parallel_loop3A_258 = vector.broadcast %parallel_loop3A_257 : f32 to vector<1x16xf32>
        %parallel_loop3A_259 = arith.addf %parallel_loop3A_258, %parallel_loop3A_256 : vector<1x16xf32>
        %parallel_loop3A_260 = arith.constant 0.000000e+00 : f32
        %parallel_loop3A_261 = vector.broadcast %parallel_loop3A_260 : f32 to vector<1x16xf32>
        %parallel_loop3A_262 = arith.maximumf %parallel_loop3A_259, %parallel_loop3A_261 : vector<1x16xf32>
        %parallel_loop3A_263 = arith.mulf %parallel_loop3A_262, %parallel_loop3A_234 : vector<1x16xf32>
        %parallel_loop3A_264 = arith.constant 0 : i32
        %parallel_loop3A_265 = arith.constant 0 : i32
        %parallel_loop3A_266 = tpu.memref_slice %arg11[%parallel_loop3A_104, %parallel_loop3A_264, %parallel_loop3A_265] : memref<2x8x1024xf32, #tpu.memory_space<vmem>> -> memref<1x8x1024xf32, #tpu.memory_space<vmem>>
        %parallel_loop3A_267 = tpu.memref_squeeze %parallel_loop3A_266 : memref<1x8x1024xf32, #tpu.memory_space<vmem>> -> memref<8x1024xf32, #tpu.memory_space<vmem>>
        %parallel_loop3A_268 = arith.constant 2 : index
        %parallel_loop3A_269 = arith.index_cast %parallel_loop3A_119 : i32 to index
        %parallel_loop3A_270 = tpu.vector_load %parallel_loop3A_267[%parallel_loop3A_268, %parallel_loop3A_269] {strides = array<i32>} : memref<8x1024xf32, #tpu.memory_space<vmem>>, vector<1x16xf32>,
        %parallel_loop3A_271 = vector.shape_cast %parallel_loop3A_270 : vector<1x16xf32> to vector<1x16xf32>
        %parallel_loop3A_272 = vector.shape_cast %parallel_loop3A_263 : vector<1x16xf32> to vector<1x16xf32>
        tpu.vector_store %parallel_loop3A_267[%parallel_loop3A_268, %parallel_loop3A_269], %parallel_loop3A_272 {strides = array<i32>} : memref<8x1024xf32, #tpu.memory_space<vmem>>, vector<1x16xf32>,
        %parallel_loop3A_273 = arith.mulf %parallel_loop3A_262, %parallel_loop3A_238 : vector<1x16xf32>
        %parallel_loop3A_274 = arith.constant 0 : i32
        %parallel_loop3A_275 = arith.constant 0 : i32
        %parallel_loop3A_276 = tpu.memref_slice %arg11[%parallel_loop3A_105, %parallel_loop3A_274, %parallel_loop3A_275] : memref<2x8x1024xf32, #tpu.memory_space<vmem>> -> memref<1x8x1024xf32, #tpu.memory_space<vmem>>
        %parallel_loop3A_277 = tpu.memref_squeeze %parallel_loop3A_276 : memref<1x8x1024xf32, #tpu.memory_space<vmem>> -> memref<8x1024xf32, #tpu.memory_space<vmem>>
        %parallel_loop3A_278 = arith.constant 2 : index
        %parallel_loop3A_279 = arith.index_cast %parallel_loop3A_119 : i32 to index
        %parallel_loop3A_280 = tpu.vector_load %parallel_loop3A_277[%parallel_loop3A_278, %parallel_loop3A_279] {strides = array<i32>} : memref<8x1024xf32, #tpu.memory_space<vmem>>, vector<1x16xf32>,
        %parallel_loop3A_281 = vector.shape_cast %parallel_loop3A_280 : vector<1x16xf32> to vector<1x16xf32>
        %parallel_loop3A_282 = vector.shape_cast %parallel_loop3A_273 : vector<1x16xf32> to vector<1x16xf32>
        tpu.vector_store %parallel_loop3A_277[%parallel_loop3A_278, %parallel_loop3A_279], %parallel_loop3A_282 {strides = array<i32>} : memref<8x1024xf32, #tpu.memory_space<vmem>>, vector<1x16xf32>,
        %parallel_loop3A_283 = arith.constant 3 : index
        %parallel_loop3A_284 = arith.index_cast %parallel_loop3A_119 : i32 to index
        %parallel_loop3A_285 = tpu.vector_load %arg7[%parallel_loop3A_283, %parallel_loop3A_284] {strides = array<i32>} : memref<8x1024xf32, #tpu.memory_space<vmem>>, vector<1x16xf32>,
        %parallel_loop3A_286 = vector.shape_cast %parallel_loop3A_285 : vector<1x16xf32> to vector<1x16xf32>
        %parallel_loop3A_287 = arith.constant 3 : index
        %parallel_loop3A_288 = arith.index_cast %parallel_loop3A_119 : i32 to index
        %parallel_loop3A_289 = tpu.vector_load %arg9[%parallel_loop3A_287, %parallel_loop3A_288] {strides = array<i32>} : memref<8x1024xf32, #tpu.memory_space<vmem>>, vector<1x16xf32>,
        %parallel_loop3A_290 = vector.shape_cast %parallel_loop3A_289 : vector<1x16xf32> to vector<1x16xf32>
        %parallel_loop3A_291 = arith.mulf %parallel_loop3A_286, %parallel_loop3A_286 : vector<1x16xf32>
        %parallel_loop3A_292 = arith.mulf %parallel_loop3A_290, %parallel_loop3A_290 : vector<1x16xf32>
        %parallel_loop3A_293 = arith.addf %parallel_loop3A_291, %parallel_loop3A_292 : vector<1x16xf32>
        %parallel_loop3A_294 = tpu.bitcast %parallel_loop3A_293 : vector<1x16xf32> -> vector<1x16xi32>
        %parallel_loop3A_295 = arith.constant 1 : i32
        %parallel_loop3A_296 = vector.broadcast %parallel_loop3A_295 : i32 to vector<1x16xi32>
        %parallel_loop3A_297 = arith.shrui %parallel_loop3A_294, %parallel_loop3A_296 : vector<1x16xi32>
        %parallel_loop3A_298 = arith.constant 1593268703 : i32
        %parallel_loop3A_299 = vector.broadcast %parallel_loop3A_298 : i32 to vector<1x16xi32>
        %parallel_loop3A_300 = arith.subi %parallel_loop3A_299, %parallel_loop3A_297 : vector<1x16xi32>
        %parallel_loop3A_301 = tpu.bitcast %parallel_loop3A_300 : vector<1x16xi32> -> vector<1x16xf32>
        %parallel_loop3A_302 = arith.mulf %parallel_loop3A_293, %parallel_loop3A_301 : vector<1x16xf32>
        %parallel_loop3A_303 = arith.mulf %parallel_loop3A_302, %parallel_loop3A_301 : vector<1x16xf32>
        %parallel_loop3A_304 = arith.constant 1.500000e+00 : f32
        %parallel_loop3A_305 = vector.broadcast %parallel_loop3A_304 : f32 to vector<1x16xf32>
        %parallel_loop3A_306 = arith.subf %parallel_loop3A_305, %parallel_loop3A_303 : vector<1x16xf32>
        %parallel_loop3A_307 = arith.mulf %parallel_loop3A_301, %parallel_loop3A_306 : vector<1x16xf32>
        %parallel_loop3A_308 = arith.mulf %parallel_loop3A_126, %parallel_loop3A_307 : vector<1x16xf32>
        %parallel_loop3A_309 = arith.constant 1.000000e+00 : f32
        %parallel_loop3A_310 = vector.broadcast %parallel_loop3A_309 : f32 to vector<1x16xf32>
        %parallel_loop3A_311 = arith.addf %parallel_loop3A_310, %parallel_loop3A_308 : vector<1x16xf32>
        %parallel_loop3A_312 = arith.constant 0.000000e+00 : f32
        %parallel_loop3A_313 = vector.broadcast %parallel_loop3A_312 : f32 to vector<1x16xf32>
        %parallel_loop3A_314 = arith.maximumf %parallel_loop3A_311, %parallel_loop3A_313 : vector<1x16xf32>
        %parallel_loop3A_315 = arith.mulf %parallel_loop3A_314, %parallel_loop3A_286 : vector<1x16xf32>
        %parallel_loop3A_316 = arith.constant 0 : i32
        %parallel_loop3A_317 = arith.constant 0 : i32
        %parallel_loop3A_318 = tpu.memref_slice %arg11[%parallel_loop3A_104, %parallel_loop3A_316, %parallel_loop3A_317] : memref<2x8x1024xf32, #tpu.memory_space<vmem>> -> memref<1x8x1024xf32, #tpu.memory_space<vmem>>
        %parallel_loop3A_319 = tpu.memref_squeeze %parallel_loop3A_318 : memref<1x8x1024xf32, #tpu.memory_space<vmem>> -> memref<8x1024xf32, #tpu.memory_space<vmem>>
        %parallel_loop3A_320 = arith.constant 3 : index
        %parallel_loop3A_321 = arith.index_cast %parallel_loop3A_119 : i32 to index
        %parallel_loop3A_322 = tpu.vector_load %parallel_loop3A_319[%parallel_loop3A_320, %parallel_loop3A_321] {strides = array<i32>} : memref<8x1024xf32, #tpu.memory_space<vmem>>, vector<1x16xf32>,
        %parallel_loop3A_323 = vector.shape_cast %parallel_loop3A_322 : vector<1x16xf32> to vector<1x16xf32>
        %parallel_loop3A_324 = vector.shape_cast %parallel_loop3A_315 : vector<1x16xf32> to vector<1x16xf32>
        tpu.vector_store %parallel_loop3A_319[%parallel_loop3A_320, %parallel_loop3A_321], %parallel_loop3A_324 {strides = array<i32>} : memref<8x1024xf32, #tpu.memory_space<vmem>>, vector<1x16xf32>,
        %parallel_loop3A_325 = arith.mulf %parallel_loop3A_314, %parallel_loop3A_290 : vector<1x16xf32>
        %parallel_loop3A_326 = arith.constant 0 : i32
        %parallel_loop3A_327 = arith.constant 0 : i32
        %parallel_loop3A_328 = tpu.memref_slice %arg11[%parallel_loop3A_105, %parallel_loop3A_326, %parallel_loop3A_327] : memref<2x8x1024xf32, #tpu.memory_space<vmem>> -> memref<1x8x1024xf32, #tpu.memory_space<vmem>>
        %parallel_loop3A_329 = tpu.memref_squeeze %parallel_loop3A_328 : memref<1x8x1024xf32, #tpu.memory_space<vmem>> -> memref<8x1024xf32, #tpu.memory_space<vmem>>
        %parallel_loop3A_330 = arith.constant 3 : index
        %parallel_loop3A_331 = arith.index_cast %parallel_loop3A_119 : i32 to index
        %parallel_loop3A_332 = tpu.vector_load %parallel_loop3A_329[%parallel_loop3A_330, %parallel_loop3A_331] {strides = array<i32>} : memref<8x1024xf32, #tpu.memory_space<vmem>>, vector<1x16xf32>,
        %parallel_loop3A_333 = vector.shape_cast %parallel_loop3A_332 : vector<1x16xf32> to vector<1x16xf32>
        %parallel_loop3A_334 = vector.shape_cast %parallel_loop3A_325 : vector<1x16xf32> to vector<1x16xf32>
        tpu.vector_store %parallel_loop3A_329[%parallel_loop3A_330, %parallel_loop3A_331], %parallel_loop3A_334 {strides = array<i32>} : memref<8x1024xf32, #tpu.memory_space<vmem>>, vector<1x16xf32>,
        %parallel_loop3A_335 = arith.constant 4 : index
        %parallel_loop3A_336 = arith.index_cast %parallel_loop3A_119 : i32 to index
        %parallel_loop3A_337 = tpu.vector_load %arg7[%parallel_loop3A_335, %parallel_loop3A_336] {strides = array<i32>} : memref<8x1024xf32, #tpu.memory_space<vmem>>, vector<1x16xf32>,
        %parallel_loop3A_338 = vector.shape_cast %parallel_loop3A_337 : vector<1x16xf32> to vector<1x16xf32>
        %parallel_loop3A_339 = arith.constant 4 : index
        %parallel_loop3A_340 = arith.index_cast %parallel_loop3A_119 : i32 to index
        %parallel_loop3A_341 = tpu.vector_load %arg9[%parallel_loop3A_339, %parallel_loop3A_340] {strides = array<i32>} : memref<8x1024xf32, #tpu.memory_space<vmem>>, vector<1x16xf32>,
        %parallel_loop3A_342 = vector.shape_cast %parallel_loop3A_341 : vector<1x16xf32> to vector<1x16xf32>
        %parallel_loop3A_343 = arith.mulf %parallel_loop3A_338, %parallel_loop3A_338 : vector<1x16xf32>
        %parallel_loop3A_344 = arith.mulf %parallel_loop3A_342, %parallel_loop3A_342 : vector<1x16xf32>
        %parallel_loop3A_345 = arith.addf %parallel_loop3A_343, %parallel_loop3A_344 : vector<1x16xf32>
        %parallel_loop3A_346 = tpu.bitcast %parallel_loop3A_345 : vector<1x16xf32> -> vector<1x16xi32>
        %parallel_loop3A_347 = arith.constant 1 : i32
        %parallel_loop3A_348 = vector.broadcast %parallel_loop3A_347 : i32 to vector<1x16xi32>
        %parallel_loop3A_349 = arith.shrui %parallel_loop3A_346, %parallel_loop3A_348 : vector<1x16xi32>
        %parallel_loop3A_350 = arith.constant 1593268703 : i32
        %parallel_loop3A_351 = vector.broadcast %parallel_loop3A_350 : i32 to vector<1x16xi32>
        %parallel_loop3A_352 = arith.subi %parallel_loop3A_351, %parallel_loop3A_349 : vector<1x16xi32>
        %parallel_loop3A_353 = tpu.bitcast %parallel_loop3A_352 : vector<1x16xi32> -> vector<1x16xf32>
        %parallel_loop3A_354 = arith.mulf %parallel_loop3A_345, %parallel_loop3A_353 : vector<1x16xf32>
        %parallel_loop3A_355 = arith.mulf %parallel_loop3A_354, %parallel_loop3A_353 : vector<1x16xf32>
        %parallel_loop3A_356 = arith.constant 1.500000e+00 : f32
        %parallel_loop3A_357 = vector.broadcast %parallel_loop3A_356 : f32 to vector<1x16xf32>
        %parallel_loop3A_358 = arith.subf %parallel_loop3A_357, %parallel_loop3A_355 : vector<1x16xf32>
        %parallel_loop3A_359 = arith.mulf %parallel_loop3A_353, %parallel_loop3A_358 : vector<1x16xf32>
        %parallel_loop3A_360 = arith.mulf %parallel_loop3A_126, %parallel_loop3A_359 : vector<1x16xf32>
        %parallel_loop3A_361 = arith.constant 1.000000e+00 : f32
        %parallel_loop3A_362 = vector.broadcast %parallel_loop3A_361 : f32 to vector<1x16xf32>
        %parallel_loop3A_363 = arith.addf %parallel_loop3A_362, %parallel_loop3A_360 : vector<1x16xf32>
        %parallel_loop3A_364 = arith.constant 0.000000e+00 : f32
        %parallel_loop3A_365 = vector.broadcast %parallel_loop3A_364 : f32 to vector<1x16xf32>
        %parallel_loop3A_366 = arith.maximumf %parallel_loop3A_363, %parallel_loop3A_365 : vector<1x16xf32>
        %parallel_loop3A_367 = arith.mulf %parallel_loop3A_366, %parallel_loop3A_338 : vector<1x16xf32>
        %parallel_loop3A_368 = arith.constant 0 : i32
        %parallel_loop3A_369 = arith.constant 0 : i32
        %parallel_loop3A_370 = tpu.memref_slice %arg11[%parallel_loop3A_104, %parallel_loop3A_368, %parallel_loop3A_369] : memref<2x8x1024xf32, #tpu.memory_space<vmem>> -> memref<1x8x1024xf32, #tpu.memory_space<vmem>>
        %parallel_loop3A_371 = tpu.memref_squeeze %parallel_loop3A_370 : memref<1x8x1024xf32, #tpu.memory_space<vmem>> -> memref<8x1024xf32, #tpu.memory_space<vmem>>
        %parallel_loop3A_372 = arith.constant 4 : index
        %parallel_loop3A_373 = arith.index_cast %parallel_loop3A_119 : i32 to index
        %parallel_loop3A_374 = tpu.vector_load %parallel_loop3A_371[%parallel_loop3A_372, %parallel_loop3A_373] {strides = array<i32>} : memref<8x1024xf32, #tpu.memory_space<vmem>>, vector<1x16xf32>,
        %parallel_loop3A_375 = vector.shape_cast %parallel_loop3A_374 : vector<1x16xf32> to vector<1x16xf32>
        %parallel_loop3A_376 = vector.shape_cast %parallel_loop3A_367 : vector<1x16xf32> to vector<1x16xf32>
        tpu.vector_store %parallel_loop3A_371[%parallel_loop3A_372, %parallel_loop3A_373], %parallel_loop3A_376 {strides = array<i32>} : memref<8x1024xf32, #tpu.memory_space<vmem>>, vector<1x16xf32>,
        %parallel_loop3A_377 = arith.mulf %parallel_loop3A_366, %parallel_loop3A_342 : vector<1x16xf32>
        %parallel_loop3A_378 = arith.constant 0 : i32
        %parallel_loop3A_379 = arith.constant 0 : i32
        %parallel_loop3A_380 = tpu.memref_slice %arg11[%parallel_loop3A_105, %parallel_loop3A_378, %parallel_loop3A_379] : memref<2x8x1024xf32, #tpu.memory_space<vmem>> -> memref<1x8x1024xf32, #tpu.memory_space<vmem>>
        %parallel_loop3A_381 = tpu.memref_squeeze %parallel_loop3A_380 : memref<1x8x1024xf32, #tpu.memory_space<vmem>> -> memref<8x1024xf32, #tpu.memory_space<vmem>>
        %parallel_loop3A_382 = arith.constant 4 : index
        %parallel_loop3A_383 = arith.index_cast %parallel_loop3A_119 : i32 to index
        %parallel_loop3A_384 = tpu.vector_load %parallel_loop3A_381[%parallel_loop3A_382, %parallel_loop3A_383] {strides = array<i32>} : memref<8x1024xf32, #tpu.memory_space<vmem>>, vector<1x16xf32>,
        %parallel_loop3A_385 = vector.shape_cast %parallel_loop3A_384 : vector<1x16xf32> to vector<1x16xf32>
        %parallel_loop3A_386 = vector.shape_cast %parallel_loop3A_377 : vector<1x16xf32> to vector<1x16xf32>
        tpu.vector_store %parallel_loop3A_381[%parallel_loop3A_382, %parallel_loop3A_383], %parallel_loop3A_386 {strides = array<i32>} : memref<8x1024xf32, #tpu.memory_space<vmem>>, vector<1x16xf32>,
        %parallel_loop3A_387 = arith.constant 5 : index
        %parallel_loop3A_388 = arith.index_cast %parallel_loop3A_119 : i32 to index
        %parallel_loop3A_389 = tpu.vector_load %arg7[%parallel_loop3A_387, %parallel_loop3A_388] {strides = array<i32>} : memref<8x1024xf32, #tpu.memory_space<vmem>>, vector<1x16xf32>,
        %parallel_loop3A_390 = vector.shape_cast %parallel_loop3A_389 : vector<1x16xf32> to vector<1x16xf32>
        %parallel_loop3A_391 = arith.constant 5 : index
        %parallel_loop3A_392 = arith.index_cast %parallel_loop3A_119 : i32 to index
        %parallel_loop3A_393 = tpu.vector_load %arg9[%parallel_loop3A_391, %parallel_loop3A_392] {strides = array<i32>} : memref<8x1024xf32, #tpu.memory_space<vmem>>, vector<1x16xf32>,
        %parallel_loop3A_394 = vector.shape_cast %parallel_loop3A_393 : vector<1x16xf32> to vector<1x16xf32>
        %parallel_loop3A_395 = arith.mulf %parallel_loop3A_390, %parallel_loop3A_390 : vector<1x16xf32>
        %parallel_loop3A_396 = arith.mulf %parallel_loop3A_394, %parallel_loop3A_394 : vector<1x16xf32>
        %parallel_loop3A_397 = arith.addf %parallel_loop3A_395, %parallel_loop3A_396 : vector<1x16xf32>
        %parallel_loop3A_398 = tpu.bitcast %parallel_loop3A_397 : vector<1x16xf32> -> vector<1x16xi32>
        %parallel_loop3A_399 = arith.constant 1 : i32
        %parallel_loop3A_400 = vector.broadcast %parallel_loop3A_399 : i32 to vector<1x16xi32>
        %parallel_loop3A_401 = arith.shrui %parallel_loop3A_398, %parallel_loop3A_400 : vector<1x16xi32>
        %parallel_loop3A_402 = arith.constant 1593268703 : i32
        %parallel_loop3A_403 = vector.broadcast %parallel_loop3A_402 : i32 to vector<1x16xi32>
        %parallel_loop3A_404 = arith.subi %parallel_loop3A_403, %parallel_loop3A_401 : vector<1x16xi32>
        %parallel_loop3A_405 = tpu.bitcast %parallel_loop3A_404 : vector<1x16xi32> -> vector<1x16xf32>
        %parallel_loop3A_406 = arith.mulf %parallel_loop3A_397, %parallel_loop3A_405 : vector<1x16xf32>
        %parallel_loop3A_407 = arith.mulf %parallel_loop3A_406, %parallel_loop3A_405 : vector<1x16xf32>
        %parallel_loop3A_408 = arith.constant 1.500000e+00 : f32
        %parallel_loop3A_409 = vector.broadcast %parallel_loop3A_408 : f32 to vector<1x16xf32>
        %parallel_loop3A_410 = arith.subf %parallel_loop3A_409, %parallel_loop3A_407 : vector<1x16xf32>
        %parallel_loop3A_411 = arith.mulf %parallel_loop3A_405, %parallel_loop3A_410 : vector<1x16xf32>
        %parallel_loop3A_412 = arith.mulf %parallel_loop3A_126, %parallel_loop3A_411 : vector<1x16xf32>
        %parallel_loop3A_413 = arith.constant 1.000000e+00 : f32
        %parallel_loop3A_414 = vector.broadcast %parallel_loop3A_413 : f32 to vector<1x16xf32>
        %parallel_loop3A_415 = arith.addf %parallel_loop3A_414, %parallel_loop3A_412 : vector<1x16xf32>
        %parallel_loop3A_416 = arith.constant 0.000000e+00 : f32
        %parallel_loop3A_417 = vector.broadcast %parallel_loop3A_416 : f32 to vector<1x16xf32>
        %parallel_loop3A_418 = arith.maximumf %parallel_loop3A_415, %parallel_loop3A_417 : vector<1x16xf32>
        %parallel_loop3A_419 = arith.mulf %parallel_loop3A_418, %parallel_loop3A_390 : vector<1x16xf32>
        %parallel_loop3A_420 = arith.constant 0 : i32
        %parallel_loop3A_421 = arith.constant 0 : i32
        %parallel_loop3A_422 = tpu.memref_slice %arg11[%parallel_loop3A_104, %parallel_loop3A_420, %parallel_loop3A_421] : memref<2x8x1024xf32, #tpu.memory_space<vmem>> -> memref<1x8x1024xf32, #tpu.memory_space<vmem>>
        %parallel_loop3A_423 = tpu.memref_squeeze %parallel_loop3A_422 : memref<1x8x1024xf32, #tpu.memory_space<vmem>> -> memref<8x1024xf32, #tpu.memory_space<vmem>>
        %parallel_loop3A_424 = arith.constant 5 : index
        %parallel_loop3A_425 = arith.index_cast %parallel_loop3A_119 : i32 to index
        %parallel_loop3A_426 = tpu.vector_load %parallel_loop3A_423[%parallel_loop3A_424, %parallel_loop3A_425] {strides = array<i32>} : memref<8x1024xf32, #tpu.memory_space<vmem>>, vector<1x16xf32>,
        %parallel_loop3A_427 = vector.shape_cast %parallel_loop3A_426 : vector<1x16xf32> to vector<1x16xf32>
        %parallel_loop3A_428 = vector.shape_cast %parallel_loop3A_419 : vector<1x16xf32> to vector<1x16xf32>
        tpu.vector_store %parallel_loop3A_423[%parallel_loop3A_424, %parallel_loop3A_425], %parallel_loop3A_428 {strides = array<i32>} : memref<8x1024xf32, #tpu.memory_space<vmem>>, vector<1x16xf32>,
        %parallel_loop3A_429 = arith.mulf %parallel_loop3A_418, %parallel_loop3A_394 : vector<1x16xf32>
        %parallel_loop3A_430 = arith.constant 0 : i32
        %parallel_loop3A_431 = arith.constant 0 : i32
        %parallel_loop3A_432 = tpu.memref_slice %arg11[%parallel_loop3A_105, %parallel_loop3A_430, %parallel_loop3A_431] : memref<2x8x1024xf32, #tpu.memory_space<vmem>> -> memref<1x8x1024xf32, #tpu.memory_space<vmem>>
        %parallel_loop3A_433 = tpu.memref_squeeze %parallel_loop3A_432 : memref<1x8x1024xf32, #tpu.memory_space<vmem>> -> memref<8x1024xf32, #tpu.memory_space<vmem>>
        %parallel_loop3A_434 = arith.constant 5 : index
        %parallel_loop3A_435 = arith.index_cast %parallel_loop3A_119 : i32 to index
        %parallel_loop3A_436 = tpu.vector_load %parallel_loop3A_433[%parallel_loop3A_434, %parallel_loop3A_435] {strides = array<i32>} : memref<8x1024xf32, #tpu.memory_space<vmem>>, vector<1x16xf32>,
        %parallel_loop3A_437 = vector.shape_cast %parallel_loop3A_436 : vector<1x16xf32> to vector<1x16xf32>
        %parallel_loop3A_438 = vector.shape_cast %parallel_loop3A_429 : vector<1x16xf32> to vector<1x16xf32>
        tpu.vector_store %parallel_loop3A_433[%parallel_loop3A_434, %parallel_loop3A_435], %parallel_loop3A_438 {strides = array<i32>} : memref<8x1024xf32, #tpu.memory_space<vmem>>, vector<1x16xf32>,
        %parallel_loop3A_439 = arith.constant 6 : index
        %parallel_loop3A_440 = arith.index_cast %parallel_loop3A_119 : i32 to index
        %parallel_loop3A_441 = tpu.vector_load %arg7[%parallel_loop3A_439, %parallel_loop3A_440] {strides = array<i32>} : memref<8x1024xf32, #tpu.memory_space<vmem>>, vector<1x16xf32>,
        %parallel_loop3A_442 = vector.shape_cast %parallel_loop3A_441 : vector<1x16xf32> to vector<1x16xf32>
        %parallel_loop3A_443 = arith.constant 6 : index
        %parallel_loop3A_444 = arith.index_cast %parallel_loop3A_119 : i32 to index
        %parallel_loop3A_445 = tpu.vector_load %arg9[%parallel_loop3A_443, %parallel_loop3A_444] {strides = array<i32>} : memref<8x1024xf32, #tpu.memory_space<vmem>>, vector<1x16xf32>,
        %parallel_loop3A_446 = vector.shape_cast %parallel_loop3A_445 : vector<1x16xf32> to vector<1x16xf32>
        %parallel_loop3A_447 = arith.mulf %parallel_loop3A_442, %parallel_loop3A_442 : vector<1x16xf32>
        %parallel_loop3A_448 = arith.mulf %parallel_loop3A_446, %parallel_loop3A_446 : vector<1x16xf32>
        %parallel_loop3A_449 = arith.addf %parallel_loop3A_447, %parallel_loop3A_448 : vector<1x16xf32>
        %parallel_loop3A_450 = tpu.bitcast %parallel_loop3A_449 : vector<1x16xf32> -> vector<1x16xi32>
        %parallel_loop3A_451 = arith.constant 1 : i32
        %parallel_loop3A_452 = vector.broadcast %parallel_loop3A_451 : i32 to vector<1x16xi32>
        %parallel_loop3A_453 = arith.shrui %parallel_loop3A_450, %parallel_loop3A_452 : vector<1x16xi32>
        %parallel_loop3A_454 = arith.constant 1593268703 : i32
        %parallel_loop3A_455 = vector.broadcast %parallel_loop3A_454 : i32 to vector<1x16xi32>
        %parallel_loop3A_456 = arith.subi %parallel_loop3A_455, %parallel_loop3A_453 : vector<1x16xi32>
        %parallel_loop3A_457 = tpu.bitcast %parallel_loop3A_456 : vector<1x16xi32> -> vector<1x16xf32>
        %parallel_loop3A_458 = arith.mulf %parallel_loop3A_449, %parallel_loop3A_457 : vector<1x16xf32>
        %parallel_loop3A_459 = arith.mulf %parallel_loop3A_458, %parallel_loop3A_457 : vector<1x16xf32>
        %parallel_loop3A_460 = arith.constant 1.500000e+00 : f32
        %parallel_loop3A_461 = vector.broadcast %parallel_loop3A_460 : f32 to vector<1x16xf32>
        %parallel_loop3A_462 = arith.subf %parallel_loop3A_461, %parallel_loop3A_459 : vector<1x16xf32>
        %parallel_loop3A_463 = arith.mulf %parallel_loop3A_457, %parallel_loop3A_462 : vector<1x16xf32>
        %parallel_loop3A_464 = arith.mulf %parallel_loop3A_126, %parallel_loop3A_463 : vector<1x16xf32>
        %parallel_loop3A_465 = arith.constant 1.000000e+00 : f32
        %parallel_loop3A_466 = vector.broadcast %parallel_loop3A_465 : f32 to vector<1x16xf32>
        %parallel_loop3A_467 = arith.addf %parallel_loop3A_466, %parallel_loop3A_464 : vector<1x16xf32>
        %parallel_loop3A_468 = arith.constant 0.000000e+00 : f32
        %parallel_loop3A_469 = vector.broadcast %parallel_loop3A_468 : f32 to vector<1x16xf32>
        %parallel_loop3A_470 = arith.maximumf %parallel_loop3A_467, %parallel_loop3A_469 : vector<1x16xf32>
        %parallel_loop3A_471 = arith.mulf %parallel_loop3A_470, %parallel_loop3A_442 : vector<1x16xf32>
        %parallel_loop3A_472 = arith.constant 0 : i32
        %parallel_loop3A_473 = arith.constant 0 : i32
        %parallel_loop3A_474 = tpu.memref_slice %arg11[%parallel_loop3A_104, %parallel_loop3A_472, %parallel_loop3A_473] : memref<2x8x1024xf32, #tpu.memory_space<vmem>> -> memref<1x8x1024xf32, #tpu.memory_space<vmem>>
        %parallel_loop3A_475 = tpu.memref_squeeze %parallel_loop3A_474 : memref<1x8x1024xf32, #tpu.memory_space<vmem>> -> memref<8x1024xf32, #tpu.memory_space<vmem>>
        %parallel_loop3A_476 = arith.constant 6 : index
        %parallel_loop3A_477 = arith.index_cast %parallel_loop3A_119 : i32 to index
        %parallel_loop3A_478 = tpu.vector_load %parallel_loop3A_475[%parallel_loop3A_476, %parallel_loop3A_477] {strides = array<i32>} : memref<8x1024xf32, #tpu.memory_space<vmem>>, vector<1x16xf32>,
        %parallel_loop3A_479 = vector.shape_cast %parallel_loop3A_478 : vector<1x16xf32> to vector<1x16xf32>
        %parallel_loop3A_480 = vector.shape_cast %parallel_loop3A_471 : vector<1x16xf32> to vector<1x16xf32>
        tpu.vector_store %parallel_loop3A_475[%parallel_loop3A_476, %parallel_loop3A_477], %parallel_loop3A_480 {strides = array<i32>} : memref<8x1024xf32, #tpu.memory_space<vmem>>, vector<1x16xf32>,
        %parallel_loop3A_481 = arith.mulf %parallel_loop3A_470, %parallel_loop3A_446 : vector<1x16xf32>
        %parallel_loop3A_482 = arith.constant 0 : i32
        %parallel_loop3A_483 = arith.constant 0 : i32
        %parallel_loop3A_484 = tpu.memref_slice %arg11[%parallel_loop3A_105, %parallel_loop3A_482, %parallel_loop3A_483] : memref<2x8x1024xf32, #tpu.memory_space<vmem>> -> memref<1x8x1024xf32, #tpu.memory_space<vmem>>
        %parallel_loop3A_485 = tpu.memref_squeeze %parallel_loop3A_484 : memref<1x8x1024xf32, #tpu.memory_space<vmem>> -> memref<8x1024xf32, #tpu.memory_space<vmem>>
        %parallel_loop3A_486 = arith.constant 6 : index
        %parallel_loop3A_487 = arith.index_cast %parallel_loop3A_119 : i32 to index
        %parallel_loop3A_488 = tpu.vector_load %parallel_loop3A_485[%parallel_loop3A_486, %parallel_loop3A_487] {strides = array<i32>} : memref<8x1024xf32, #tpu.memory_space<vmem>>, vector<1x16xf32>,
        %parallel_loop3A_489 = vector.shape_cast %parallel_loop3A_488 : vector<1x16xf32> to vector<1x16xf32>
        %parallel_loop3A_490 = vector.shape_cast %parallel_loop3A_481 : vector<1x16xf32> to vector<1x16xf32>
        tpu.vector_store %parallel_loop3A_485[%parallel_loop3A_486, %parallel_loop3A_487], %parallel_loop3A_490 {strides = array<i32>} : memref<8x1024xf32, #tpu.memory_space<vmem>>, vector<1x16xf32>,
        %parallel_loop3A_491 = arith.constant 7 : index
        %parallel_loop3A_492 = arith.index_cast %parallel_loop3A_119 : i32 to index
        %parallel_loop3A_493 = tpu.vector_load %arg7[%parallel_loop3A_491, %parallel_loop3A_492] {strides = array<i32>} : memref<8x1024xf32, #tpu.memory_space<vmem>>, vector<1x16xf32>,
        %parallel_loop3A_494 = vector.shape_cast %parallel_loop3A_493 : vector<1x16xf32> to vector<1x16xf32>
        %parallel_loop3A_495 = arith.constant 7 : index
        %parallel_loop3A_496 = arith.index_cast %parallel_loop3A_119 : i32 to index
        %parallel_loop3A_497 = tpu.vector_load %arg9[%parallel_loop3A_495, %parallel_loop3A_496] {strides = array<i32>} : memref<8x1024xf32, #tpu.memory_space<vmem>>, vector<1x16xf32>,
        %parallel_loop3A_498 = vector.shape_cast %parallel_loop3A_497 : vector<1x16xf32> to vector<1x16xf32>
        %parallel_loop3A_499 = arith.mulf %parallel_loop3A_494, %parallel_loop3A_494 : vector<1x16xf32>
        %parallel_loop3A_500 = arith.mulf %parallel_loop3A_498, %parallel_loop3A_498 : vector<1x16xf32>
        %parallel_loop3A_501 = arith.addf %parallel_loop3A_499, %parallel_loop3A_500 : vector<1x16xf32>
        %parallel_loop3A_502 = tpu.bitcast %parallel_loop3A_501 : vector<1x16xf32> -> vector<1x16xi32>
        %parallel_loop3A_503 = arith.constant 1 : i32
        %parallel_loop3A_504 = vector.broadcast %parallel_loop3A_503 : i32 to vector<1x16xi32>
        %parallel_loop3A_505 = arith.shrui %parallel_loop3A_502, %parallel_loop3A_504 : vector<1x16xi32>
        %parallel_loop3A_506 = arith.constant 1593268703 : i32
        %parallel_loop3A_507 = vector.broadcast %parallel_loop3A_506 : i32 to vector<1x16xi32>
        %parallel_loop3A_508 = arith.subi %parallel_loop3A_507, %parallel_loop3A_505 : vector<1x16xi32>
        %parallel_loop3A_509 = tpu.bitcast %parallel_loop3A_508 : vector<1x16xi32> -> vector<1x16xf32>
        %parallel_loop3A_510 = arith.mulf %parallel_loop3A_501, %parallel_loop3A_509 : vector<1x16xf32>
        %parallel_loop3A_511 = arith.mulf %parallel_loop3A_510, %parallel_loop3A_509 : vector<1x16xf32>
        %parallel_loop3A_512 = arith.constant 1.500000e+00 : f32
        %parallel_loop3A_513 = vector.broadcast %parallel_loop3A_512 : f32 to vector<1x16xf32>
        %parallel_loop3A_514 = arith.subf %parallel_loop3A_513, %parallel_loop3A_511 : vector<1x16xf32>
        %parallel_loop3A_515 = arith.mulf %parallel_loop3A_509, %parallel_loop3A_514 : vector<1x16xf32>
        %parallel_loop3A_516 = arith.mulf %parallel_loop3A_126, %parallel_loop3A_515 : vector<1x16xf32>
        %parallel_loop3A_517 = arith.constant 1.000000e+00 : f32
        %parallel_loop3A_518 = vector.broadcast %parallel_loop3A_517 : f32 to vector<1x16xf32>
        %parallel_loop3A_519 = arith.addf %parallel_loop3A_518, %parallel_loop3A_516 : vector<1x16xf32>
        %parallel_loop3A_520 = arith.constant 0.000000e+00 : f32
        %parallel_loop3A_521 = vector.broadcast %parallel_loop3A_520 : f32 to vector<1x16xf32>
        %parallel_loop3A_522 = arith.maximumf %parallel_loop3A_519, %parallel_loop3A_521 : vector<1x16xf32>
        %parallel_loop3A_523 = arith.mulf %parallel_loop3A_522, %parallel_loop3A_494 : vector<1x16xf32>
        %parallel_loop3A_524 = arith.constant 0 : i32
        %parallel_loop3A_525 = arith.constant 0 : i32
        %parallel_loop3A_526 = tpu.memref_slice %arg11[%parallel_loop3A_104, %parallel_loop3A_524, %parallel_loop3A_525] : memref<2x8x1024xf32, #tpu.memory_space<vmem>> -> memref<1x8x1024xf32, #tpu.memory_space<vmem>>
        %parallel_loop3A_527 = tpu.memref_squeeze %parallel_loop3A_526 : memref<1x8x1024xf32, #tpu.memory_space<vmem>> -> memref<8x1024xf32, #tpu.memory_space<vmem>>
        %parallel_loop3A_528 = arith.constant 7 : index
        %parallel_loop3A_529 = arith.index_cast %parallel_loop3A_119 : i32 to index
        %parallel_loop3A_530 = tpu.vector_load %parallel_loop3A_527[%parallel_loop3A_528, %parallel_loop3A_529] {strides = array<i32>} : memref<8x1024xf32, #tpu.memory_space<vmem>>, vector<1x16xf32>,
        %parallel_loop3A_531 = vector.shape_cast %parallel_loop3A_530 : vector<1x16xf32> to vector<1x16xf32>
        %parallel_loop3A_532 = vector.shape_cast %parallel_loop3A_523 : vector<1x16xf32> to vector<1x16xf32>
        tpu.vector_store %parallel_loop3A_527[%parallel_loop3A_528, %parallel_loop3A_529], %parallel_loop3A_532 {strides = array<i32>} : memref<8x1024xf32, #tpu.memory_space<vmem>>, vector<1x16xf32>,
        %parallel_loop3A_533 = arith.mulf %parallel_loop3A_522, %parallel_loop3A_498 : vector<1x16xf32>
        %parallel_loop3A_534 = arith.constant 0 : i32
        %parallel_loop3A_535 = arith.constant 0 : i32
        %parallel_loop3A_536 = tpu.memref_slice %arg11[%parallel_loop3A_105, %parallel_loop3A_534, %parallel_loop3A_535] : memref<2x8x1024xf32, #tpu.memory_space<vmem>> -> memref<1x8x1024xf32, #tpu.memory_space<vmem>>
        %parallel_loop3A_537 = tpu.memref_squeeze %parallel_loop3A_536 : memref<1x8x1024xf32, #tpu.memory_space<vmem>> -> memref<8x1024xf32, #tpu.memory_space<vmem>>
        %parallel_loop3A_538 = arith.constant 7 : index
        %parallel_loop3A_539 = arith.index_cast %parallel_loop3A_119 : i32 to index
        %parallel_loop3A_540 = tpu.vector_load %parallel_loop3A_537[%parallel_loop3A_538, %parallel_loop3A_539] {strides = array<i32>} : memref<8x1024xf32, #tpu.memory_space<vmem>>, vector<1x16xf32>,
        %parallel_loop3A_541 = vector.shape_cast %parallel_loop3A_540 : vector<1x16xf32> to vector<1x16xf32>
        %parallel_loop3A_542 = vector.shape_cast %parallel_loop3A_533 : vector<1x16xf32> to vector<1x16xf32>
        tpu.vector_store %parallel_loop3A_537[%parallel_loop3A_538, %parallel_loop3A_539], %parallel_loop3A_542 {strides = array<i32>} : memref<8x1024xf32, #tpu.memory_space<vmem>>, vector<1x16xf32>,
      } {sc.loop_unroll_factor = 2 : i64, sc.parallel_access}
      %dma_start3A_106 = arith.constant 0 : i32
      %dma_start3A_107 = arith.constant 0 : i32
      %dma_start3A_108 = tpu.memref_slice %arg5[%dma_start3A_106, %add3A_95, %dma_start3A_107] : memref<2x32768x1024xf32, #tpu.memory_space<hbm>> -> memref<2x8x1024xf32, #tpu.memory_space<hbm>>
      %dma_start3A_109 = arith.constant 0 : i32
      %dma_start3A_110 = arith.constant 0 : i32
      %dma_start3A_111 = tpu.memref_slice %arg5[%dma_start3A_109, %add3A_95, %dma_start3A_110] : memref<2x32768x1024xf32, #tpu.memory_space<hbm>> -> memref<2x8x1024xf32, #tpu.memory_space<hbm>>
      tpu.enqueue_dma source(%arg11 : memref<2x8x1024xf32, #tpu.memory_space<vmem>>) target(%dma_start3A_111 : memref<2x8x1024xf32, #tpu.memory_space<hbm>>) target_semaphore(%arg18 : memref<!tpu.dma_semaphore, #tpu.memory_space<semaphore_mem>>)
      %add3A_112 = arith.constant 2 : i32
      %add3A_113 = arith.addi %add3A_81, %add3A_112 : i32
      %lt3A_114 = arith.constant 128 : i32
      %lt3A_115 = arith.cmpi slt, %add3A_113, %lt3A_114 : i32
      %convert_element_type3A_116 = arith.extui %lt3A_115 : i1 to i32
      %cond3A_117 = arith.constant 0 : i32
      %cond3A_118 = arith.cmpi ne, %convert_element_type3A_116, %cond3A_117 : i32
      scf.if %cond3A_118 {
        %add3A_119 = arith.constant 2 : i32
        %add3A_120 = arith.addi %add3A_81, %add3A_119 : i32
        %mul3A_121 = arith.constant 8 : i32
        %mul3A_122 = arith.muli %add3A_120, %mul3A_121 : i32
        %add3A_123 = arith.addi %mul3A_2, %mul3A_122 : i32
        %dma_start3A_124 = arith.constant 0 : i32
        %dma_start3A_125 = tpu.memref_slice %arg2[%add3A_123, %dma_start3A_124] : memref<32768x1024xf32, #tpu.memory_space<hbm>> -> memref<8x1024xf32, #tpu.memory_space<hbm>>
        %dma_start3A_126 = arith.constant 0 : i32
        %dma_start3A_127 = tpu.memref_slice %arg2[%add3A_123, %dma_start3A_126] : memref<32768x1024xf32, #tpu.memory_space<hbm>> -> memref<8x1024xf32, #tpu.memory_space<hbm>>
        tpu.enqueue_dma source(%dma_start3A_127 : memref<8x1024xf32, #tpu.memory_space<hbm>>) target(%arg7 : memref<8x1024xf32, #tpu.memory_space<vmem>>) target_semaphore(%arg14 : memref<!tpu.dma_semaphore, #tpu.memory_space<semaphore_mem>>)
        %dma_start3A_128 = arith.constant 0 : i32
        %dma_start3A_129 = tpu.memref_slice %arg3[%add3A_123, %dma_start3A_128] : memref<32768x1024xf32, #tpu.memory_space<hbm>> -> memref<8x1024xf32, #tpu.memory_space<hbm>>
        %dma_start3A_130 = arith.constant 0 : i32
        %dma_start3A_131 = tpu.memref_slice %arg3[%add3A_123, %dma_start3A_130] : memref<32768x1024xf32, #tpu.memory_space<hbm>> -> memref<8x1024xf32, #tpu.memory_space<hbm>>
        tpu.enqueue_dma source(%dma_start3A_131 : memref<8x1024xf32, #tpu.memory_space<hbm>>) target(%arg9 : memref<8x1024xf32, #tpu.memory_space<vmem>>) target_semaphore(%arg16 : memref<!tpu.dma_semaphore, #tpu.memory_space<semaphore_mem>>)
      } else {
      }
    }
    %scan3A_25 = arith.constant 64 : i32
    %add3A_26 = arith.constant 1008 : i32
    %add3A_27 = arith.addi %mul3A_2, %add3A_26 : i32
    %dma_wait3A = arith.constant 0 : i32
    %dma_wait3A_28 = arith.constant 0 : i32
    %dma_wait3A_29 = tpu.memref_slice %arg5[%dma_wait3A, %add3A_27, %dma_wait3A_28] : memref<2x32768x1024xf32, #tpu.memory_space<hbm>> -> memref<2x8x1024xf32, #tpu.memory_space<hbm>>
    %dma_wait3A_30 = arith.constant 0 : i32
    %dma_wait3A_31 = arith.constant 0 : i32
    %dma_wait3A_32 = tpu.memref_slice %arg5[%dma_wait3A_30, %add3A_27, %dma_wait3A_31] : memref<2x32768x1024xf32, #tpu.memory_space<hbm>> -> memref<2x8x1024xf32, #tpu.memory_space<hbm>>
    tpu.wait_dma2 semaphore(%arg17 : memref<!tpu.dma_semaphore, #tpu.memory_space<semaphore_mem>>) src(%arg10 : memref<2x8x1024xf32, #tpu.memory_space<vmem>>) dst(%dma_wait3A_32 : memref<2x8x1024xf32, #tpu.memory_space<hbm>>)
    %add3A_33 = arith.constant 1016 : i32
    %add3A_34 = arith.addi %mul3A_2, %add3A_33 : i32
    %dma_wait3A_35 = arith.constant 0 : i32
    %dma_wait3A_36 = arith.constant 0 : i32
    %dma_wait3A_37 = tpu.memref_slice %arg5[%dma_wait3A_35, %add3A_34, %dma_wait3A_36] : memref<2x32768x1024xf32, #tpu.memory_space<hbm>> -> memref<2x8x1024xf32, #tpu.memory_space<hbm>>
    %dma_wait3A_38 = arith.constant 0 : i32
    %dma_wait3A_39 = arith.constant 0 : i32
    %dma_wait3A_40 = tpu.memref_slice %arg5[%dma_wait3A_38, %add3A_34, %dma_wait3A_39] : memref<2x32768x1024xf32, #tpu.memory_space<hbm>> -> memref<2x8x1024xf32, #tpu.memory_space<hbm>>
    tpu.wait_dma2 semaphore(%arg18 : memref<!tpu.dma_semaphore, #tpu.memory_space<semaphore_mem>>) src(%arg11 : memref<2x8x1024xf32, #tpu.memory_space<vmem>>) dst(%dma_wait3A_40 : memref<2x8x1024xf32, #tpu.memory_space<hbm>>)
    return
  }
}

</mosaic_0001>

<sc_bundles>
// kernel: kernel.3.cloned.1.call-start
scs
__scs_entry_jumppad:
0x0: {  	(pc) =	sbr.rel $0x88, $3  }
0x1: {  	(tag) =	ssettag $0x0;
	lr =	simm.s32 $0x1  }
0x2: {  	[smem:$0x3F9E] =	sst lr;
	_ =	strace $0xD0000000  }
0x3: {  	_ = 	snop  }
0x4: {  	_ = 	snop  }
0x5: {  	_ = 	snop  }
0x6: {  	_ = 	snop  }
0x7: {  	_ = 	snop  }
__scs_overlays_trampoline_lowered:
0x8: {  	[smem:$0x3FAD] =	sst s0  }
0x9: {  	[smem:$0x3FAE] =	sst s1  }
0xa: {  	[smem:$0x3FAF] =	sst s2  }
0xb: {  	[smem:$0x3FB0] =	sst s3  }
0xc: {  	[smem:$0x3FB1] =	sst s4  }
0xd: {  	[smem:$0x3FB2] =	sst s5  }
0xe: {  	[smem:$0x3FB3] =	sst s6  }
0xf: {  	[smem:$0x3FB4] =	sst s7  }
0x10: {  	[smem:$0x3FB5] =	sst s8  }
0x11: {  	[smem:$0x3FB6] =	sst s9;
	s0 =	simm.s32 @!p0 $0x0  }
0x12: {  	s1 =	sld [smem:$0x3F9C];
	s0 =	simm.s32 @p0 $0x1  }
0x13: {  	[smem:$0x3FB7] =	sst s0;
	s0 =	simm.s32 @!p1 $0x0  }
0x14: {  	s2 =	sld [smem:$0x3F9B];
	s0 =	simm.s32 @p1 $0x1  }
0x15: {  	[smem:$0x3FB8] =	sst s0;
	s0 =	simm.s32 @!p2 $0x0  }
0x16: {  	s3 =	sld [smem:$0x3FDB];
	s0 =	simm.s32 @p2 $0x1  }
0x17: {  	s4 =	simm.s32 $0x1BF5;
	[smem:$0x3FBA] =	sst s0  }
0x18: {  	s0 =	sld [smem:$0x3F9D];
	_ =	swait.ge [sflag:s4], $0x0  }
0x19: {  	s7 =	sld [smem:$0x3F9E]  }
0x1a: {  	s8 =	sadd.s32 $0xFFFFE003, lr  }
0x1b: {  	s9 =	sadd.s32 $0xFFFFFEF7, lr;
	s5 =	simm.s32 $0xFFFFFFFF;
	p2 =	slt.u32 s8, $0xFFFFF086  }
0x1c: {  	p1 =	slt.u32 s9, $0xF7A;
	s5 =	simm.s32 @!p2 $0x0  }
0x1d: {  	s5 =	simm.s32 @p1 $0x1;
	p0 =	seq.s32 s7, s2  }
0x1e: {  	s7 =	smul.u32 @!p0 $0xF7A, s2;
	p2 =	seq.s32 @!p0 s5, $0x0  }
0x1f: {  	s9 =	smul.u32 $0xF7A, s1;
	s8 =	simm.s32 @!p0 $0x1BF5;
	p2 =	por !p2, p0  }
0x20: {  	[sflag:s8] =	ssyncset.s32 @!p0 $0xFFFFF086;
	s6 =	sadd.s32 @!p0 s3, s7;
	s7 =	simm.s32 @!p0 $0x108  }
0x21: {  	s3 =	sadd.s32 s3, s9;
	s6 =	sadd.s32 @!p0 $0x88, s6;
	s7 =	simm.s32 @p2 $0x1082  }
0x22: {  	[simem:s7], [sflag:s8] =	dma.local @!p0 [hbm:s6], $0xF7A  }
0x23: {  	s9 =	sor.u32 $0xD0000000, s2;
	s6 =	simm.s32 $0x108;
	_ =	swait.ge @!p0 [sflag:s8], $0x0  }
0x24: {  	s3 =	sadd.s32 $0x88, s3;
	s6 =	simm.s32 @!p1 $0x1082;
	[sflag:s4] =	ssyncset.s32 $0xFFFFF086  }
0x25: {  	[simem:s6], [sflag:s4] =	dma.local [hbm:s3], $0xF7A  }
0x26: {  	[smem:$0x3F9E] =	sst s1;
	(tag) =	ssettag s2;
	_ =	strace s9  }
0x27: {  	s1 =	sld [smem:$0x3FAE]  }
0x28: {  	s2 =	sld [smem:$0x3FAF]  }
0x29: {  	s4 =	sld [smem:$0x3FB1]  }
0x2a: {  	p0 =	seq.s32 s5, $0x0;
	s5 =	sld [smem:$0x3FB2]  }
0x2b: {  	s6 =	sld [smem:$0x3FB3]  }
0x2c: {  	s7 =	sld [smem:$0x3FB4]  }
0x2d: {  	s3 =	simm.s32 $0x108;
	s8 =	sld [smem:$0x3FB5]  }
0x2e: {  	s3 =	simm.s32 @!p0 $0x1082;
	s9 =	sld [smem:$0x3FB6]  }
0x2f: {  	lr =	sadd.s32 s0, s3;
	s0 =	sld [smem:$0x3FAD]  }
0x30: {  	s3 =	sld [smem:$0x3FB0]  }
0x31: {  	[smem:$0x3FB9] =	sst s10  }
0x32: {  	s10 =	sld [smem:$0x3FB7];
	_ =	sdelay $0x3  }
0x33: {  	p0 =	seq.s32 s10, $0x1;
	s10 =	sld [smem:$0x3FB9];
	_ =	sdelay $0x3  }
0x34: {  	[smem:$0x3FB9] =	sst s10  }
0x35: {  	s10 =	sld [smem:$0x3FB8];
	_ =	sdelay $0x3  }
0x36: {  	p1 =	seq.s32 s10, $0x1;
	s10 =	sld [smem:$0x3FB9];
	_ =	sdelay $0x3  }
0x37: {  	[smem:$0x3FB9] =	sst s10  }
0x38: {  	s10 =	sld [smem:$0x3FBA]  }
0x39: {  	_ = 	snop;
	(pc) =	sbr.ind lr, $3  }
0x3a: {  	_ = 	snop  }
0x3b: {  	_ = 	snop  }
0x3c: {  	p2 =	seq.s32 s10, $0x1;
	s10 =	sld [smem:$0x3FB9]  }
0x3d: {  	_ =	shalt  }
0x3e: {  	_ =	shalt  }
0x3f: {  	_ =	shalt  }
0x40: {  	_ =	shalt  }
0x41: {  	_ =	shalt  }
0x42: {  	_ =	shalt  }
0x43: {  	_ =	shalt  }
0x44: {  	_ =	shalt  }
0x45: {  	_ =	shalt  }
0x46: {  	_ =	shalt  }
0x47: {  	_ =	shalt  }
0x48: {  	_ =	shalt  }
0x49: {  	_ =	shalt  }
0x4a: {  	_ =	shalt  }
0x4b: {  	_ =	shalt  }
0x4c: {  	_ =	shalt  }
0x4d: {  	_ =	shalt  }
0x4e: {  	_ =	shalt  }
0x4f: {  	_ =	shalt  }
0x50: {  	_ =	shalt  }
0x51: {  	_ =	shalt  }
0x52: {  	_ =	shalt  }
0x53: {  	_ =	shalt  }
0x54: {  	_ =	shalt  }
0x55: {  	_ =	shalt  }
0x56: {  	_ =	shalt  }
0x57: {  	_ =	shalt  }
0x58: {  	_ =	shalt  }
0x59: {  	_ =	shalt  }
0x5a: {  	_ =	shalt  }
0x5b: {  	_ =	shalt  }
0x5c: {  	_ =	shalt  }
0x5d: {  	_ =	shalt  }
0x5e: {  	_ =	shalt  }
0x5f: {  	_ =	shalt  }
0x60: {  	_ =	shalt  }
0x61: {  	_ =	shalt  }
0x62: {  	_ =	shalt  }
0x63: {  	_ =	shalt  }
0x64: {  	_ =	shalt  }
0x65: {  	_ =	shalt  }
0x66: {  	_ =	shalt  }
0x67: {  	_ =	shalt  }
0x68: {  	_ =	shalt  }
0x69: {  	_ =	shalt  }
0x6a: {  	_ =	shalt  }
0x6b: {  	_ =	shalt  }
0x6c: {  	_ =	shalt  }
0x6d: {  	_ =	shalt  }
0x6e: {  	_ =	shalt  }
0x6f: {  	_ =	shalt  }
0x70: {  	_ =	shalt  }
0x71: {  	_ =	shalt  }
0x72: {  	_ =	shalt  }
0x73: {  	_ =	shalt  }
0x74: {  	_ =	shalt  }
0x75: {  	_ =	shalt  }
0x76: {  	_ =	shalt  }
0x77: {  	_ =	shalt  }
0x78: {  	_ =	shalt  }
0x79: {  	_ =	shalt  }
0x7a: {  	_ =	shalt  }
0x7b: {  	_ =	shalt  }
0x7c: {  	_ =	shalt  }
0x7d: {  	_ =	shalt  }
0x7e: {  	_ =	shalt  }
0x7f: {  	_ =	shalt  }
0x80: {  	_ =	shalt  }
0x81: {  	_ =	shalt  }
0x82: {  	_ =	shalt  }
0x83: {  	_ =	shalt  }
0x84: {  	_ =	shalt  }
0x85: {  	_ =	shalt  }
0x86: {  	_ =	shalt  }
0x87: {  	_ =	shalt  }
.Lfunc_end0:
.L_simem_size_0:
called_computation_lowered:
.L_overlay_start_0:
0x88: {  	s2 =	sld [smem:$0x3FD9]  }
0x89: {  	s3 =	sld [smem:$0x3FFE];
	_ =	sdelay $0x1  }
0x8a: {  	s1 =	srdreg.scid  }
0x8b: {  	s0 =	sand.u32 $0x1, s1  }
0x8c: {  	s18 =	sshll.u32 s0, $0xA;
	s2 =	sadd.s32 s3, s2  }
0x8d: {  	s2 =	sadd.s32 s2, s18  }
0x8e: {  	[smem:$0x3FC5] =	sst s2  }
0x8f: {  	_ = 	snop  }
0x90: {  	s2 =	sld [smem:$0x3FC9]  }
0x91: {  	s19 =	sld [smem:$0x3FC8]  }
0x92: {  	s4 =	sld [smem:$0x3FC7]  }
0x93: {  	s5 =	sld [smem:$0x3FD0];
	(tm) =	ssettm $0x1  }
0x94: {  	s6 =	sld [smem:$0x3FFB];
	_ =	sdelay $0x3  }
0x95: {  	_ =	strace s6  }
0x96: {  	s6 =	sld [smem:$0x3FFC];
	_ =	sdelay $0x3  }
0x97: {  	_ =	strace s6  }
0x98: {  	s6 =	sld [smem:$0x3FFD];
	_ =	sdelay $0x3  }
0x99: {  	_ =	strace s6  }
0x9a: {  	_ =	strace $0x8FFFFFFF  }
0x9b: {  	s20 =	sld [smem:$0x3FDB];
	_ =	sdelay $0x1  }
0x9c: {  	s7 =	simm.s32 $_scs_section_size  }
0x9d: {  	s8 =	simm.s32 $_size__tile_overlayer_lowered;
	s9 =	simm.s32 $_tile_overlayer_lowered  }
0x9e: {  	s23 =	simm.s32 $0x1BFF;
	s22 =	sshll.u32 s9, $0x1;
	s6 =	sadd.s32 s7, s20  }
0x9f: {  	s10 =	simm.s32 $0x0;
	s21 =	sshll.u32 s8, $0x1;
	s8 =	sadd.s32 s22, s6  }
0xa0: {  	[timem:s10], [sflag:s23] =	dma.local [hbm:s8], s21  }
0xa1: {  	_ =	swait.ge [sflag:s23], s21  }
0xa2: {  	s7 =	ssub.s32 $0x0, s21;
	[sflag:s23] =	ssyncset.done $0x0  }
0xa3: {  	[sflag:s23] =	ssyncadd.s32 s7;
	_ =	sdelay $0x1  }
0xa4: {  	s24 =	simm.s32 $0x1B8B  }
0xa5: {  	_ =	swait.ge [sflag:s24], $0x1  }
0xa6: {  	[sflag:s24] =	ssyncset.done $0x0  }
0xa7: {  	s25 =	simm.s32 $0x1B8E;
	[sflag:s24] =	ssyncadd.s32 $0xFFFFFFFF  }
0xa8: {  	s26 =	simm.s32 $execute0_lowered;
	[smem:$0x3FD2] =	sst s25  }
0xa9: {  	s7 =	sshll.u32 s26, $0x1;
	_ =	strace $0x80000046;
	[dreg:$0x1] =	wrdreg $0xFFFFFFFF  }
0xaa: {  	s28 =	simm.s32 $_size_execute0_lowered;
	s6 =	sadd.s32 s6, s7;
	[dreg:$0x0] =	wrdreg $0x0  }
0xab: {  	s7 =	sshll.u32 s28, $0x1;
	[dreg:$0x2] =	wrdreg s6  }
0xac: {  	[dreg:$0x3] =	wrdreg s7  }
0xad: {  	[dreg:$0x4] =	wrdreg $0xC0  }
0xae: {  	_ =	task [dreg:s10], $0x5FFFF  }
0xaf: {  	[dreg:$0x1] =	wrdreg $0xFFFFFFFF  }
0xb0: {  	[dreg:$0x0] =	wrdreg $0x60  }
0xb1: {  	[dreg:$0x2] =	wrdreg s2  }
0xb2: {  	[dreg:$0x3] =	wrdreg s19  }
0xb3: {  	[dreg:$0x4] =	wrdreg s4  }
0xb4: {  	[dreg:$0x5] =	wrdreg s5  }
0xb5: {  	[dreg:$0x6] =	wrdreg $0x9  }
0xb6: {  	_ =	task.clear_ibuf [dreg:s10], $0x7FFFF;
	_ =	strace $0x90000046  }
0xb7: {  	s29 =	simm.s32 $0x9;
	_ =	strace $0x80000048  }
0xb8: {  	_ =	swait.ge [sflag:s29], $0x1  }
0xb9: {  	[sflag:s29] =	ssyncadd.s32 $0xFFFFFFFF  }
0xba: {  	_ =	strace $0x90000048  }
0xbb: {  	_ =	sfence  }
0xbc: {  	s30 =	sld [smem:$0x0];
	_ =	sdelay $0x2  }
0xbd: {  	s31 =	sshll.u32 s1, $0xD;
	s1 =	sshrl.u32 s1, $0x2  }
0xbe: {  	s3 =	sand.u32 $0x4000, s31;
	s1 =	sadd.s32 s1, s30  }
0xbf: {  	s0 =	sor.u32 s3, s0;
	s1 =	sshll.u32 s1, $0x11  }
0xc0: {  	s0 =	sor.u32 s1, s0  }
0xc1: {  	s0 =	sadd.s32 $0x8F2B, s0  }
0xc2: {  	[sflag:s0] =	ssyncadd.remote.s32 $0x1  }
0xc3: {  	_ =	sfence.sel $0xFFFF  }
0xc4: {  	[dreg:$0x0] =	wrdreg $0xFFFFFFFF;
	(pc) =	sbr.abs _section_cstart, $3  }
0xc5: {  	[dreg:$0x1] =	wrdreg $0xFFFFFFFF  }
0xc6: {  	_ =	task.clear_ibuf [dreg:s10], $0x2FFFF;
	_ =	strace $0x9FFFFFFF  }
0xc7: {  	(tm) =	ssettm $0x7FFFFFFF  }
tec
execute0_lowered:
.L_overlay_start_1:
0x0: {  	(tag) =	ssettag $0x1  }
0x1: {  	s1 =	srdreg.scid  }
0x2: {  	s5 =	rddreg [dreg:$0x0];
	s3 =	stileid.u32;
	s1 =	sand.u32 $0x1, s1  }
0x3: {  	s6 =	rddreg [dreg:$0x1];
	s3 =	sshll.u32 s3, $0xA;
	s2 =	sshll.u32 s1, $0xE  }
0x4: {  	s0 =	rddreg [dreg:$0x3];
	s4 =	simm.s32 $0x0;
	s2 =	sor.u32 s3, s2  }
0x5: {  	s18 =	simm.s32 $0x2000;
	[smem:$0x7FF] =	sst s4;
	s26 =	sshll.u32 s2, $0x7  }
0x6: {  	s1 =	ssub.s32 $0x2, s1;
	_ =	strace $0x80000047;
	s28 =	sadd.s32 s5, s26  }
0x7: {  	s25 =	sshrl.u32 s1, $0x1;
	s7 =	sadd.s32 s6, s26;
	[dreg:$0x5] =	wrdreg s28  }
0x8: {  	s2 =	sshrl.u32 s2, $0x3;
	s4 =	sadd.s32 s0, s26;
	[dreg:$0x6] =	wrdreg s7  }
0x9: {  	s1 =	ssub.s32 s1, s25;
	s31 =	sor.u32 $0x2, s2;
	[dreg:$0x9] =	wrdreg s4  }
0xa: {  	s29 =	sor.u32 $0x400, s26;
	s2 =	sor.u32 $0x3, s2;
	[dreg:$0xa] =	wrdreg s31  }
.Ltmp0:
0xb: {  	s1 =	smax.u32 s1, $0x1;
	[dreg:$0xb] =	wrdreg s2;
	(pc) =	sbr.rel .LBB2_1-.Ltmp0, $4  }
0xc: {  	s20 =	simm.s32 $0x1;
	s5 =	sadd.s32 s5, s29;
	[dreg:$0xc] =	wrdreg s1  }
0xd: {  	s21 =	simm.s32 $0x3;
	s30 =	sadd.s32 s6, s29;
	[dreg:$0x7] =	wrdreg s5  }
0xe: {  	s24 =	simm.s32 $0x2;
	s0 =	sadd.s32 s0, s29;
	[dreg:$0x8] =	wrdreg s30  }
0xf: {  	s25 =	simm.s32 $0x4;
	s2 =	simm.s32 $0x0;
	[dreg:$0xd] =	wrdreg s0  }
.LBB2_8:
0x10: {  	s0 =	simm.s32 $0x5  }
0x11: {  	_ =	swait.ge [sflag:s0], $0x4000  }
0x12: {  	[sflag:s0] =	ssyncset.done $0x0  }
0x13: {  	s1 =	simm.s32 $0x6;
	[sflag:s0] =	ssyncadd.s32 $0xFFFFC000  }
0x14: {  	_ =	swait.ge [sflag:s1], $0x4000  }
0x15: {  	s2 =	rddreg [dreg:$0xe]  }
0x16: {  	s31 =	rddreg [dreg:$0xc];
	s2 =	sadd.s32 $0x1, s2  }
0x17: {  	p0 =	sne.s32 s2, s31  }
.Ltmp1:
0x18: {  	_ = 	snop;
	(pc) =	sbr.rel @!p0 .LBB2_9-.Ltmp1, $3  }
0x19: {  	_ =	sdelay $0x1  }
0x1a: {  	[sflag:s1] =	ssyncset.done $0x0  }
0x1b: {  	[sflag:s1] =	ssyncadd.s32 $0xFFFFC000  }
.LBB2_1:
0x1c: {  	[dreg:$0xe] =	wrdreg s2  }
0x1d: {  	s0 =	rddreg [dreg:$0x2]  }
0x1e: {  	s1 =	simm.s32 $0x0;
	s17 =	simm.s32 $0x10000;
	s19 =	simm.s32 $0x7  }
0x1f: {  	[tilespmem:s17], [sflag:$0x7] =	stream.linear.gather [hbm4b:s0+s1], $0x400, $0x38;
	[tilespmem:$0x10400] =	vst v63  }
0x20: {  	_ =	swait.ge [sflag:s19], $0x400  }
0x21: {  	[sflag:s19] =	ssyncset.done $0x0  }
0x22: {  	s22 =	rddreg [dreg:$0x5];
	[sflag:s19] =	ssyncadd.s32 $0xFFFFFC00  }
0x23: {  	[tilespmem:s1], [sflag:$0x1] =	stream.linear.gather [hbm4b:s22+s1], $0x2000, $0x38;
	[tilespmem:$0x10400] =	vst v63  }
0x24: {  	s26 =	simm.s32 $0x4000;
	s23 =	rddreg [dreg:$0x6]  }
0x25: {  	[tilespmem:s26], [sflag:$0x3] =	stream.linear.gather [hbm4b:s23+s1], $0x2000, $0x38;
	[tilespmem:$0x10400] =	vst v63  }
0x26: {  	s28 =	rddreg [dreg:$0x7]  }
0x27: {  	[tilespmem:s18], [sflag:$0x2] =	stream.linear.gather [hbm4b:s28+s1], $0x2000, $0x38;
	[tilespmem:$0x10400] =	vst v63  }
0x28: {  	s30 =	simm.s32 $0x6000;
	s31 =	simm.s32 $0x0;
	s29 =	rddreg [dreg:$0x8]  }
0x29: {  	[tilespmem:s30], [sflag:$0x4] =	stream.linear.gather [hbm4b:s29+s1], $0x2000, $0x38;
	[tilespmem:$0x10400] =	vst v63  }
.LBB2_2:
0x2a: {  	_ =	swait.ge [sflag:s20], $0x2000  }
0x2b: {  	[sflag:s20] =	ssyncset.done $0x0  }
0x2c: {  	[sflag:s20] =	ssyncadd.s32 $0xFFFFE000  }
0x2d: {  	_ =	swait.ge [sflag:s21], $0x2000  }
0x2e: {  	p0 =	seq.s32 s31, $0x0;
	[sflag:s21] =	ssyncset.done $0x0  }
0x2f: {  	s15 =	simm.s32 $0x0;
	s2 =	simm.s32 @!p0 $0x5;
	[sflag:s21] =	ssyncadd.s32 $0xFFFFE000  }
0x30: {  	s17 =	simm.s32 $0x0;
	s0 =	sand.u32 $0x60, s15;
	_ =	swait.ge @!p0 [sflag:s2], $0x4000  }
0x31: {  	s1 =	sand.u32 $0x1C00, s17;
	s4 =	sor.u32 $0x10, s0;
	[sflag:s2] =	ssyncset.done @!p0 $0x0  }
0x32: {  	s3 =	sor.u32 s4, s1;
	[sflag:s2] =	ssyncadd.s32 @!p0 $0xFFFFC000  }
0x33: {  	v0 =	vld [tilespmem:s3+$0x0]  }
0x34: {  	v2 =	vld [tilespmem:s3+$0x4000]  }
0x35: {  	v3 =	vld [tilespmem:s3+$0x80]  }
0x36: {  	v4 =	vld [tilespmem:s3+$0x4080]  }
0x37: {  	v5 =	vld [tilespmem:s3+$0x100]  }
0x38: {  	v6 =	vld [tilespmem:s3+$0x4100]  }
0x39: {  	v7 =	vld [tilespmem:s3+$0x180]  }
0x3a: {  	v8 =	vld [tilespmem:s3+$0x4180]  }
0x3b: {  	v9 =	vld [tilespmem:s3+$0x200]  }
0x3c: {  	v10 =	vld [tilespmem:s3+$0x4200]  }
0x3d: {  	s11 =	sand.u32 $0x380, s15;
	v11 =	vld [tilespmem:s3+$0x280]  }
0x3e: {  	s2 =	sor.u32 s4, s11;
	v14 =	vld [tilespmem:s3+$0x4280];
	v1 =	vmul.f32 v0, v0;
	v12 =	vmul.f32 v2, v2  }
0x3f: {  	v15 =	vld [tilespmem:s2+$0x10000];
	v13 =	vmul.f32 v3, v3;
	v16 =	vmul.f32 v4, v4  }
0x40: {  	v17 =	vmul.f32 v5, v5;
	v18 =	vmul.f32 v6, v6  }
0x41: {  	v19 =	vmul.f32 v7, v7;
	v20 =	vmul.f32 v8, v8  }
0x42: {  	v21 =	vmul.f32 v9, v9;
	v22 =	vmul.f32 v10, v10  }
0x43: {  	v23 =	vmul.f32 v11, v11;
	v24 =	vmul.f32 v14, v14;
	v12 =	vadd.f32 v12, v1  }
0x44: {  	v13 =	vadd.f32 v16, v13;
	v16 =	vadd.f32 v18, v17;
	v1 =	vmul.f32 $1.414213540e+00, v15  }
0x45: {  	v15 =	vadd.f32 v20, v19;
	v17 =	vadd.f32 v22, v21;
	v18 =	vshrl.u32 v12, $0x1  }
0x46: {  	v20 =	vadd.f32 v24, v23;
	v19 =	vshrl.u32 v13, $0x1;
	v18 =	vsub.s32 $0x5EF759DF, v18  }
0x47: {  	v21 =	vshrl.u32 v16, $0x1;
	v22 =	vshrl.u32 v15, $0x1;
	v12 =	vmul.f32 v18, v12  }
0x48: {  	v23 =	vshrl.u32 v17, $0x1;
	v24 =	vshrl.u32 v20, $0x1;
	v19 =	vsub.s32 $0x5EF759DF, v19  }
0x49: {  	v21 =	vsub.s32 $0x5EF759DF, v21;
	v13 =	vmul.f32 v19, v13;
	v12 =	vmul.f32 v18, v12  }
0x4a: {  	v22 =	vsub.s32 $0x5EF759DF, v22;
	v23 =	vsub.s32 $0x5EF759DF, v23;
	v16 =	vmul.f32 v21, v16  }
0x4b: {  	v15 =	vmul.f32 v22, v15;
	v13 =	vmul.f32 v19, v13;
	v12 =	vsub.f32 $1.500000000e+00, v12  }
0x4c: {  	v24 =	vsub.s32 $0x5EF759DF, v24;
	v17 =	vmul.f32 v23, v17;
	v16 =	vmul.f32 v21, v16  }
0x4d: {  	v15 =	vmul.f32 v22, v15;
	v13 =	vsub.f32 $1.500000000e+00, v13;
	v12 =	vmul.f32 v18, v12  }
0x4e: {  	v20 =	vmul.f32 v24, v20;
	v17 =	vmul.f32 v23, v17;
	v16 =	vsub.f32 $1.500000000e+00, v16  }
0x4f: {  	v15 =	vsub.f32 $1.500000000e+00, v15;
	v13 =	vmul.f32 v19, v13;
	v12 =	vmul.f32 v12, v1  }
0x50: {  	v17 =	vsub.f32 $1.500000000e+00, v17;
	v18 =	vmul.f32 v24, v20;
	v16 =	vmul.f32 v21, v16  }
0x51: {  	v15 =	vmul.f32 v22, v15;
	v13 =	vmul.f32 v13, v1;
	v12 =	vadd.f32 $1.000000000e+00, v12  }
0x52: {  	v17 =	vmul.f32 v23, v17;
	v18 =	vsub.f32 $1.500000000e+00, v18;
	v16 =	vmul.f32 v16, v1  }
0x53: {  	v15 =	vmul.f32 v15, v1;
	v13 =	vadd.f32 $1.000000000e+00, v13;
	v12 =	vmax.f32 v12, $0.0e+00  }
0x54: {  	v18 =	vmul.f32 v24, v18;
	v0 =	vmul.f32 v12, v0  }
0x55: {  	v2 =	vmul.f32 v12, v2;
	v12 =	vmax.f32 v13, $0.0e+00;
	v13 =	vadd.f32 $1.000000000e+00, v16  }
0x56: {  	[tilespmem:s3+$0x8000] =	vst v0;
	v0 =	vmul.f32 v12, v3;
	v3 =	vmul.f32 v17, v1  }
0x57: {  	[tilespmem:s3+$0xA000] =	vst v2;
	v2 =	vmul.f32 v12, v4;
	v4 =	vmax.f32 v13, $0.0e+00;
	v12 =	vadd.f32 $1.000000000e+00, v15  }
0x58: {  	[tilespmem:s3+$0x8080] =	vst v0;
	v0 =	vmul.f32 v4, v5;
	v5 =	vmul.f32 v18, v1  }
0x59: {  	[tilespmem:s3+$0xA080] =	vst v2;
	v2 =	vmul.f32 v4, v6;
	v4 =	vmax.f32 v12, $0.0e+00;
	v3 =	vadd.f32 $1.000000000e+00, v3  }
0x5a: {  	[tilespmem:s3+$0x8100] =	vst v0;
	v0 =	vmul.f32 v4, v7  }
0x5b: {  	[tilespmem:s3+$0xA100] =	vst v2;
	v2 =	vmul.f32 v4, v8;
	v3 =	vmax.f32 v3, $0.0e+00;
	v4 =	vadd.f32 $1.000000000e+00, v5  }
0x5c: {  	[tilespmem:s3+$0x8180] =	vst v0;
	v0 =	vmul.f32 v3, v9  }
0x5d: {  	s12 =	sand.u32 $0x3, s17;
	[tilespmem:s3+$0xA180] =	vst v2;
	v2 =	vmul.f32 v3, v10;
	v3 =	vmax.f32 v4, $0.0e+00  }
0x5e: {  	s2 =	sshll.u32 s12, $0x5;
	[tilespmem:s3+$0x8200] =	vst v0;
	v0 =	vmul.f32 v3, v11  }
0x5f: {  	s6 =	sor.u32 s0, s1;
	s2 =	sadd.s32 $0x0, s2;
	[tilespmem:s3+$0xA200] =	vst v2;
	v2 =	vmul.f32 v3, v14  }
0x60: {  	s13 =	sadd.s32 $0x10, s2;
	v15 =	vld [tilespmem:s6+$0x0];
	[tilespmem:s3+$0x8280] =	vst v0  }
0x61: {  	s5 =	sor.u32 $0x300, s13;
	v13 =	vld [tilespmem:s6+$0x4000];
	[tilespmem:s3+$0xA280] =	vst v2  }
0x62: {  	v2 =	vld [tilespmem:s5+$0x0]  }
0x63: {  	v6 =	vld [tilespmem:s5+$0x4000];
	_ =	sdelay $0x3  }
0x64: {  	v12 =	vld [tilespmem:s6+$0x4080];
	v16 =	vmul.f32 v15, v15;
	v17 =	vmul.f32 v13, v13  }
0x65: {  	v8 =	vld [tilespmem:s6+$0x100];
	v0 =	vmul.f32 v2, v2;
	v3 =	vmul.f32 v6, v6  }
0x66: {  	s0 =	simm.s32 $0x20;
	v7 =	vld [tilespmem:s6+$0x4200];
	v16 =	vadd.f32 v17, v16  }
0x67: {  	s7 =	sand.u32 $0x60, s0;
	v9 =	vld [tilespmem:s6+$0x4100];
	s3 =	simm.s32 $0x100;
	v0 =	vadd.f32 v3, v0  }
0x68: {  	s16 =	sor.u32 $0x10, s7;
	v10 =	vld [tilespmem:s6+$0x180];
	v22 =	vshrl.u32 v16, $0x1;
	s8 =	sand.u32 $0x1C00, s3  }
0x69: {  	v14 =	vld [tilespmem:s6+$0x80];
	v22 =	vsub.s32 $0x5EF759DF, v22;
	s9 =	sor.u32 s16, s8;
	v3 =	vshrl.u32 v0, $0x1  }
0x6a: {  	v16 =	vmul.f32 v22, v16;
	v29 =	vld [tilespmem:s9+$0x80];
	v3 =	vsub.s32 $0x5EF759DF, v3  }
0x6b: {  	v36 =	vld [tilespmem:s9+$0x280];
	v0 =	vmul.f32 v3, v0  }
0x6c: {  	v20 =	vmul.f32 v8, v8;
	v31 =	vmul.f32 v22, v16;
	v39 =	vld [tilespmem:s9+$0x4280]  }
0x6d: {  	v21 =	vmul.f32 v9, v9;
	v32 =	vld [tilespmem:s9+$0x100];
	v0 =	vmul.f32 v3, v0  }
0x6e: {  	v17 =	vmul.f32 v12, v12;
	v19 =	vmul.f32 v14, v14;
	v33 =	vld [tilespmem:s9+$0x180];
	v31 =	vsub.f32 $1.500000000e+00, v31  }
0x6f: {  	s14 =	simm.s32 $0x10000;
	v20 =	vadd.f32 v21, v20;
	v21 =	vmul.f32 v7, v7;
	v34 =	vld [tilespmem:s9+$0x4180];
	v0 =	vsub.f32 $1.500000000e+00, v0  }
0x70: {  	v5 =	vld [tilespmem:s14+$0x0];
	v22 =	vmul.f32 v22, v31;
	v48 =	vmul.f32 v36, v36  }
0x71: {  	v31 =	vld [tilespmem:s9+$0x200];
	v49 =	vmul.f32 v39, v39;
	v0 =	vmul.f32 v3, v0  }
0x72: {  	v17 =	vadd.f32 v17, v19;
	v19 =	vmul.f32 v10, v10;
	v38 =	vmul.f32 v29, v29;
	v3 =	vld [tilespmem:s6+$0x4180]  }
0x73: {  	v42 =	vmul.f32 v32, v32;
	v57 =	vadd.f32 v49, v48;
	v11 =	vmul.f32 v0, v1  }
0x74: {  	v4 =	vld [tilespmem:s6+$0x200];
	v44 =	vmul.f32 v33, v33;
	v45 =	vmul.f32 v34, v34  }
0x75: {  	v49 =	vshrl.u32 v57, $0x1;
	v0 =	vmul.f32 $1.414213540e+00, v5;
	v5 =	vld [tilespmem:s6+$0x280];
	v18 =	vadd.f32 $1.000000000e+00, v11  }
0x76: {  	v53 =	vadd.f32 v45, v44;
	v46 =	vmul.f32 v31, v31;
	v49 =	vsub.s32 $0x5EF759DF, v49;
	v11 =	vld [tilespmem:s6+$0x4280]  }
0x77: {  	v45 =	vmul.f32 v49, v57;
	v23 =	vmul.f32 v3, v3;
	v18 =	vmax.f32 v18, $0.0e+00  }
0x78: {  	v25 =	vshrl.u32 v17, $0x1;
	v2 =	vmul.f32 v18, v2;
	v6 =	vmul.f32 v18, v6  }
0x79: {  	v18 =	vmul.f32 v4, v4;
	v19 =	vadd.f32 v23, v19;
	v23 =	vshrl.u32 v20, $0x1  }
0x7a: {  	v61 =	vmul.f32 v49, v45;
	v24 =	vmul.f32 v5, v5;
	v23 =	vsub.s32 $0x5EF759DF, v23  }
0x7b: {  	[tilespmem:s5+$0xA000] =	vst v6;
	v6 =	vmul.f32 v11, v11;
	v18 =	vadd.f32 v21, v18;
	v21 =	vsub.s32 $0x5EF759DF, v25  }
0x7c: {  	v25 =	vshrl.u32 v19, $0x1;
	v20 =	vmul.f32 v23, v20;
	v28 =	vmul.f32 v21, v17  }
0x7d: {  	v6 =	vadd.f32 v6, v24;
	v24 =	vsub.s32 $0x5EF759DF, v25;
	v25 =	vld [tilespmem:s9+$0x4000];
	v27 =	vshrl.u32 v18, $0x1  }
0x7e: {  	s4 =	sor.u32 $0x380, s13;
	v26 =	vld [tilespmem:s9+$0x0];
	v22 =	vmul.f32 v22, v0;
	[tilespmem:s5+$0x8000] =	vst v2;
	v20 =	vmul.f32 v23, v20;
	v17 =	vsub.s32 $0x5EF759DF, v27  }
0x7f: {  	v2 =	vld [tilespmem:s4+$0x0];
	v19 =	vmul.f32 v24, v19;
	v28 =	vmul.f32 v21, v28;
	v30 =	vshrl.u32 v6, $0x1  }
0x80: {  	v27 =	vld [tilespmem:s9+$0x4080];
	v18 =	vmul.f32 v17, v18;
	v20 =	vsub.f32 $1.500000000e+00, v20;
	v16 =	vsub.s32 $0x5EF759DF, v30  }
0x81: {  	v30 =	vld [tilespmem:s9+$0x4100];
	v19 =	vmul.f32 v24, v19;
	v6 =	vmul.f32 v16, v6  }
0x82: {  	s19 =	sand.u32 $0x380, s0;
	v28 =	vsub.f32 $1.500000000e+00, v28;
	v20 =	vmul.f32 v23, v20;
	v37 =	vmul.f32 v25, v25  }
0x83: {  	s1 =	sor.u32 s16, s19;
	v23 =	vld [tilespmem:s9+$0x4200];
	v35 =	vmul.f32 v16, v6;
	v6 =	vmul.f32 v26, v26  }
0x84: {  	v40 =	vld [tilespmem:s1+$0x10000];
	v59 =	vshrl.u32 v53, $0x1;
	v18 =	vmul.f32 v17, v18;
	v21 =	vmul.f32 v21, v28  }
0x85: {  	v19 =	vsub.f32 $1.500000000e+00, v19;
	v41 =	vmul.f32 v27, v27;
	v37 =	vadd.f32 v37, v6  }
0x86: {  	v28 =	vmul.f32 v2, v2;
	v18 =	vsub.f32 $1.500000000e+00, v18;
	v43 =	vmul.f32 v30, v30  }
0x87: {  	v19 =	vmul.f32 v24, v19;
	v38 =	vadd.f32 v41, v38;
	v55 =	vshrl.u32 v37, $0x1  }
0x88: {  	v47 =	vmul.f32 v23, v23;
	v52 =	vadd.f32 v43, v42;
	v43 =	vsub.s32 $0x5EF759DF, v55  }
0x89: {  	v6 =	vmul.f32 $1.414213540e+00, v40;
	v56 =	vshrl.u32 v38, $0x1;
	v37 =	vmul.f32 v43, v37  }
0x8a: {  	v54 =	vadd.f32 v47, v46;
	v44 =	vsub.s32 $0x5EF759DF, v56;
	v47 =	vsub.s32 $0x5EF759DF, v59  }
0x8b: {  	v58 =	vshrl.u32 v52, $0x1;
	v38 =	vmul.f32 v44, v38;
	v37 =	vmul.f32 v43, v37  }
0x8c: {  	v40 =	vmul.f32 v47, v53;
	v60 =	vshrl.u32 v54, $0x1;
	v46 =	vsub.s32 $0x5EF759DF, v58  }
0x8d: {  	v41 =	vmul.f32 v46, v52;
	v38 =	vmul.f32 v44, v38;
	v37 =	vsub.f32 $1.500000000e+00, v37  }
0x8e: {  	v21 =	vmul.f32 v21, v0;
	v48 =	vsub.s32 $0x5EF759DF, v60;
	v40 =	vmul.f32 v47, v40  }
0x8f: {  	v41 =	vmul.f32 v46, v41;
	v38 =	vsub.f32 $1.500000000e+00, v38;
	v37 =	vmul.f32 v43, v37  }
0x90: {  	v17 =	vmul.f32 v17, v18;
	v42 =	vmul.f32 v48, v54;
	v40 =	vsub.f32 $1.500000000e+00, v40  }
0x91: {  	v41 =	vsub.f32 $1.500000000e+00, v41;
	v38 =	vmul.f32 v44, v38;
	v37 =	vmul.f32 v37, v6  }
0x92: {  	v42 =	vmul.f32 v48, v42;
	v40 =	vmul.f32 v47, v40  }
0x93: {  	v41 =	vmul.f32 v46, v41;
	v38 =	vmul.f32 v38, v6;
	v37 =	vadd.f32 $1.000000000e+00, v37  }
0x94: {  	v17 =	vmul.f32 v17, v0;
	v42 =	vsub.f32 $1.500000000e+00, v42;
	v40 =	vmul.f32 v40, v6  }
0x95: {  	v38 =	vadd.f32 $1.000000000e+00, v38;
	v41 =	vmul.f32 v41, v6;
	v37 =	vmax.f32 v37, $0.0e+00  }
0x96: {  	v43 =	vsub.f32 $1.500000000e+00, v61;
	v42 =	vmul.f32 v48, v42;
	v26 =	vmul.f32 v37, v26  }
0x97: {  	v63 =	vmax.f32 v38, $0.0e+00;
	v41 =	vadd.f32 $1.000000000e+00, v41;
	v25 =	vmul.f32 v37, v25  }
0x98: {  	v43 =	vmul.f32 v49, v43;
	v45 =	vadd.f32 $1.000000000e+00, v40;
	[tilespmem:s9+$0x8000] =	vst v26;
	v26 =	vmul.f32 v63, v29  }
0x99: {  	v62 =	vld [tilespmem:s4+$0x4000];
	v29 =	vmul.f32 v42, v6;
	[tilespmem:s9+$0xA000] =	vst v25;
	v25 =	vmul.f32 v63, v27;
	v27 =	vmax.f32 v41, $0.0e+00  }
0x9a: {  	v46 =	vmul.f32 v43, v6;
	[tilespmem:s9+$0x8080] =	vst v26;
	v26 =	vmul.f32 v27, v32  }
0x9b: {  	[tilespmem:s9+$0xA080] =	vst v25;
	v25 =	vmul.f32 v27, v30;
	v27 =	vmax.f32 v45, $0.0e+00;
	v29 =	vadd.f32 $1.000000000e+00, v29  }
0x9c: {  	v19 =	vmul.f32 v19, v0;
	v17 =	vadd.f32 $1.000000000e+00, v17;
	[tilespmem:s9+$0x8100] =	vst v26;
	v26 =	vmul.f32 v27, v33  }
0x9d: {  	[tilespmem:s9+$0xA100] =	vst v25;
	v25 =	vmul.f32 v27, v34;
	v27 =	vmax.f32 v29, $0.0e+00;
	v29 =	vadd.f32 $1.000000000e+00, v46  }
0x9e: {  	s22 =	simm.s32 $0x1;
	v21 =	vadd.f32 $1.000000000e+00, v21;
	v30 =	vmul.f32 v62, v62;
	v24 =	vmul.f32 v27, v31;
	[tilespmem:s9+$0x8180] =	vst v26  }
0x9f: {  	s1 =	sand.u32 $0x3, s22;
	v17 =	vmax.f32 v17, $0.0e+00;
	v23 =	vmul.f32 v27, v23;
	[tilespmem:s9+$0xA180] =	vst v25;
	v25 =	vmax.f32 v29, $0.0e+00  }
0xa0: {  	s1 =	sshll.u32 s1, $0x5;
	v27 =	vsub.f32 $1.500000000e+00, v35;
	v26 =	vadd.f32 v30, v28;
	[tilespmem:s9+$0x8200] =	vst v24;
	v18 =	vmul.f32 v25, v36  }
0xa1: {  	s1 =	sadd.s32 $0x100, s1;
	v21 =	vmax.f32 v21, $0.0e+00;
	v7 =	vmul.f32 v17, v7;
	[tilespmem:s9+$0xA200] =	vst v23;
	v23 =	vmul.f32 v25, v39  }
0xa2: {  	s23 =	sadd.s32 $0x10, s1;
	v28 =	vmul.f32 v21, v12;
	v16 =	vmul.f32 v16, v27;
	v24 =	vshrl.u32 v26, $0x1;
	[tilespmem:s9+$0x8280] =	vst v18  }
0xa3: {  	s26 =	sor.u32 $0x300, s23;
	v24 =	vsub.s32 $0x5EF759DF, v24;
	v18 =	vmul.f32 v20, v0;
	v20 =	vadd.f32 $1.000000000e+00, v22;
	[tilespmem:s9+$0xA280] =	vst v23  }
0xa4: {  	v27 =	vmul.f32 v21, v14;
	v22 =	vmul.f32 v24, v26;
	v26 =	vld [tilespmem:s26+$0x4000]  }
0xa5: {  	[tilespmem:s6+$0xA200] =	vst v7;
	v16 =	vmul.f32 v16, v0;
	v20 =	vmax.f32 v20, $0.0e+00;
	v18 =	vadd.f32 $1.000000000e+00, v18  }
0xa6: {  	s29 =	sor.u32 s7, s8;
	[tilespmem:s6+$0xA080] =	vst v28;
	v25 =	vld [tilespmem:s26+$0x0];
	v22 =	vmul.f32 v24, v22;
	v15 =	vmul.f32 v20, v15  }
0xa7: {  	s10 =	simm.s32 $0x10020;
	v21 =	vld [tilespmem:s29+$0x0];
	[tilespmem:s6+$0x8080] =	vst v27;
	v16 =	vadd.f32 $1.000000000e+00, v16;
	v20 =	vmul.f32 v20, v13;
	v18 =	vmax.f32 v18, $0.0e+00  }
0xa8: {  	v19 =	vadd.f32 $1.000000000e+00, v19;
	v14 =	vld [tilespmem:s10+$0x0];
	v22 =	vsub.f32 $1.500000000e+00, v22;
	v8 =	vmul.f32 v18, v8;
	[tilespmem:s6+$0x8000] =	vst v15  }
0xa9: {  	v23 =	vld [tilespmem:s29+$0x4000];
	v30 =	vmul.f32 v18, v9;
	v9 =	vmax.f32 v16, $0.0e+00;
	[tilespmem:s6+$0xA000] =	vst v20;
	v29 =	vmul.f32 v26, v26  }
0xaa: {  	v13 =	vld [tilespmem:s29+$0x4080];
	v5 =	vmul.f32 v9, v5;
	v12 =	vmul.f32 v24, v22;
	v22 =	vmax.f32 v19, $0.0e+00;
	[tilespmem:s6+$0x8100] =	vst v8  }
0xab: {  	v18 =	vld [tilespmem:s29+$0x100];
	v24 =	vmul.f32 v25, v25;
	[tilespmem:s6+$0xA100] =	vst v30;
	v31 =	vmul.f32 v22, v10  }
0xac: {  	v47 =	vmul.f32 v21, v21;
	v16 =	vld [tilespmem:s29+$0x4100];
	v3 =	vmul.f32 v22, v3;
	[tilespmem:s6+$0x8280] =	vst v5  }
0xad: {  	v15 =	vld [tilespmem:s29+$0x4280];
	v22 =	vmul.f32 v17, v4;
	v1 =	vmul.f32 v12, v1;
	v10 =	vadd.f32 v29, v24;
	[tilespmem:s6+$0x8180] =	vst v31  }
0xae: {  	v48 =	vmul.f32 v23, v23;
	v19 =	vld [tilespmem:s29+$0x80];
	v24 =	vmul.f32 v9, v11;
	[tilespmem:s6+$0xA180] =	vst v3  }
0xaf: {  	v17 =	vld [tilespmem:s29+$0x4180];
	[tilespmem:s6+$0x8200] =	vst v22;
	v4 =	vadd.f32 $1.000000000e+00, v1;
	v1 =	vshrl.u32 v10, $0x1  }
0xb0: {  	v20 =	vadd.f32 v48, v47;
	v51 =	vmul.f32 v13, v13;
	v11 =	vld [tilespmem:s29+$0x180];
	[tilespmem:s6+$0xA280] =	vst v24;
	s6 =	simm.s32 $0x40;
	v29 =	vsub.s32 $0x5EF759DF, v1  }
0xb1: {  	s7 =	simm.s32 $0x200;
	v12 =	vld [tilespmem:s29+$0x4200];
	v1 =	vmul.f32 $1.414213540e+00, v14;
	s9 =	sand.u32 $0x60, s6;
	v14 =	vmul.f32 v29, v10  }
0xb2: {  	s16 =	sand.u32 $0x1C00, s7;
	v28 =	vshrl.u32 v20, $0x1;
	v52 =	vmul.f32 v18, v18;
	v54 =	vmul.f32 v16, v16;
	v10 =	vld [tilespmem:s29+$0x200];
	s14 =	sor.u32 $0x10, s9  }
0xb3: {  	v59 =	vmul.f32 v15, v15;
	v28 =	vsub.s32 $0x5EF759DF, v28;
	s11 =	sor.u32 s14, s16;
	v49 =	vmul.f32 v29, v14;
	v14 =	vld [tilespmem:s29+$0x280]  }
0xb4: {  	v20 =	vmul.f32 v28, v20;
	v50 =	vmul.f32 v19, v19;
	v32 =	vadd.f32 v54, v52;
	v34 =	vld [tilespmem:s11+$0x0]  }
0xb5: {  	v9 =	vmax.f32 v4, $0.0e+00;
	v56 =	vmul.f32 v17, v17;
	v55 =	vmul.f32 v11, v11;
	v35 =	vld [tilespmem:s11+$0x80]  }
0xb6: {  	v20 =	vmul.f32 v28, v20;
	v4 =	vmul.f32 v9, v62;
	v37 =	vld [tilespmem:s11+$0x4180];
	v53 =	vsub.f32 $1.500000000e+00, v49  }
0xb7: {  	v27 =	vadd.f32 v51, v50;
	v3 =	vshrl.u32 v32, $0x1;
	v36 =	vld [tilespmem:s11+$0x4200];
	v31 =	vadd.f32 v56, v55  }
0xb8: {  	v57 =	vmul.f32 v12, v12;
	v7 =	vsub.s32 $0x5EF759DF, v3;
	v43 =	vld [tilespmem:s11+$0x4280];
	v29 =	vmul.f32 v29, v53  }
0xb9: {  	v58 =	vshrl.u32 v27, $0x1;
	v8 =	vmul.f32 v10, v10;
	v60 =	vshrl.u32 v31, $0x1  }
0xba: {  	v33 =	vsub.s32 $0x5EF759DF, v60;
	v30 =	vmul.f32 v14, v14;
	v29 =	vmul.f32 v29, v6  }
0xbb: {  	v8 =	vadd.f32 v57, v8;
	v31 =	vmul.f32 v33, v31;
	v63 =	vmul.f32 v34, v34  }
0xbc: {  	v57 =	vmul.f32 v35, v35;
	v50 =	vmul.f32 v37, v37;
	v29 =	vadd.f32 $1.000000000e+00, v29  }
0xbd: {  	v22 =	vsub.s32 $0x5EF759DF, v58;
	v52 =	vmul.f32 v36, v36;
	v53 =	vmul.f32 v43, v43  }
0xbe: {  	v30 =	vadd.f32 v59, v30;
	v5 =	vshrl.u32 v8, $0x1;
	v3 =	vmax.f32 v29, $0.0e+00  }
0xbf: {  	v29 =	vsub.s32 $0x5EF759DF, v5;
	v5 =	vmul.f32 v22, v27;
	v27 =	vmul.f32 v7, v32;
	v32 =	vld [tilespmem:s11+$0x4080]  }
0xc0: {  	s12 =	sor.u32 $0x300, s2;
	v25 =	vmul.f32 v3, v25;
	v8 =	vmul.f32 v29, v8  }
0xc1: {  	v24 =	vmul.f32 v3, v26;
	v26 =	vshrl.u32 v30, $0x1;
	v3 =	vld [tilespmem:s12+$0x0];
	v27 =	vmul.f32 v7, v27  }
0xc2: {  	[tilespmem:s26+$0x8000] =	vst v25;
	v25 =	vsub.s32 $0x5EF759DF, v26;
	v26 =	vmul.f32 v22, v5;
	v8 =	vmul.f32 v29, v8  }
0xc3: {  	s13 =	sand.u32 $0x380, s6;
	[tilespmem:s26+$0xA000] =	vst v24;
	v24 =	vmul.f32 v25, v30;
	v30 =	vmul.f32 v33, v31;
	v31 =	vsub.f32 $1.500000000e+00, v20  }
0xc4: {  	s5 =	sor.u32 s14, s13;
	v27 =	vsub.f32 $1.500000000e+00, v27;
	v26 =	vsub.f32 $1.500000000e+00, v26;
	v59 =	vmul.f32 v32, v32  }
0xc5: {  	s8 =	sor.u32 $0x380, s23;
	v58 =	vld [tilespmem:s5+$0x10000];
	v8 =	vsub.f32 $1.500000000e+00, v8;
	v61 =	vmul.f32 v25, v24;
	v28 =	vmul.f32 v28, v31  }
0xc6: {  	v20 =	vld [tilespmem:s8+$0x4000];
	v24 =	vmul.f32 v3, v3;
	v30 =	vsub.f32 $1.500000000e+00, v30;
	v7 =	vmul.f32 v7, v27  }
0xc7: {  	v31 =	vld [tilespmem:s11+$0x4000];
	v22 =	vmul.f32 v22, v26;
	v8 =	vmul.f32 v29, v8  }
0xc8: {  	v5 =	vld [tilespmem:s8+$0x0];
	v26 =	vsub.f32 $1.500000000e+00, v61;
	v28 =	vmul.f32 v28, v1;
	v27 =	vmul.f32 v33, v30  }
0xc9: {  	v42 =	vadd.f32 v59, v57;
	v30 =	vld [tilespmem:s11+$0x100];
	v7 =	vmul.f32 v7, v1;
	v29 =	vmul.f32 v22, v1  }
0xca: {  	v33 =	vld [tilespmem:s11+$0x180];
	v8 =	vmul.f32 v8, v1;
	v25 =	vmul.f32 v25, v26;
	v26 =	vadd.f32 $1.000000000e+00, v28  }
0xcb: {  	v40 =	vld [tilespmem:s11+$0x280];
	v38 =	vmul.f32 v20, v20;
	v27 =	vmul.f32 v27, v1;
	v49 =	vadd.f32 $1.000000000e+00, v7  }
0xcc: {  	v28 =	vld [tilespmem:s11+$0x4100];
	v7 =	vmul.f32 $1.414213540e+00, v58;
	v56 =	vmul.f32 v31, v31;
	v62 =	vmax.f32 v26, $0.0e+00  }
0xcd: {  	v29 =	vadd.f32 $1.000000000e+00, v29;
	v26 =	vmul.f32 v25, v1;
	v22 =	vmul.f32 v62, v21  }
0xce: {  	v25 =	vld [tilespmem:s11+$0x200];
	v27 =	vadd.f32 $1.000000000e+00, v27;
	v21 =	vmul.f32 v62, v23;
	v23 =	vmul.f32 v5, v5  }
0xcf: {  	v60 =	vmul.f32 v30, v30;
	v62 =	vmul.f32 v33, v33;
	v39 =	vadd.f32 v56, v63  }
0xd0: {  	v63 =	vmul.f32 v40, v40;
	v29 =	vmax.f32 v29, $0.0e+00;
	v27 =	vmax.f32 v27, $0.0e+00  }
0xd1: {  	v61 =	vmul.f32 v28, v28;
	v57 =	vadd.f32 v50, v62;
	v59 =	vshrl.u32 v39, $0x1  }
0xd2: {  	v41 =	vadd.f32 v53, v63;
	v23 =	vadd.f32 v38, v23;
	v11 =	vmul.f32 v27, v11  }
0xd3: {  	v27 =	vmul.f32 v27, v17;
	v47 =	vsub.s32 $0x5EF759DF, v59;
	v51 =	vmul.f32 v25, v25  }
0xd4: {  	v56 =	vadd.f32 v61, v60;
	v60 =	vshrl.u32 v42, $0x1;
	v62 =	vshrl.u32 v57, $0x1  }
0xd5: {  	v39 =	vmul.f32 v47, v39;
	v53 =	vshrl.u32 v41, $0x1;
	v38 =	vshrl.u32 v23, $0x1  }
0xd6: {  	v48 =	vsub.s32 $0x5EF759DF, v60;
	v53 =	vsub.s32 $0x5EF759DF, v53;
	v60 =	vsub.s32 $0x5EF759DF, v38  }
0xd7: {  	v58 =	vadd.f32 v52, v51;
	v39 =	vmul.f32 v47, v39;
	v42 =	vmul.f32 v48, v42  }
0xd8: {  	v61 =	vshrl.u32 v56, $0x1;
	v41 =	vmul.f32 v53, v41;
	v23 =	vmul.f32 v60, v23  }
0xd9: {  	v51 =	vsub.s32 $0x5EF759DF, v62;
	v62 =	vmul.f32 v29, v19;
	v29 =	vmul.f32 v29, v13  }
0xda: {  	v50 =	vsub.s32 $0x5EF759DF, v61;
	v44 =	vmul.f32 v51, v57;
	v52 =	vshrl.u32 v58, $0x1  }
0xdb: {  	v45 =	vmul.f32 v50, v56;
	v39 =	vsub.f32 $1.500000000e+00, v39;
	v42 =	vmul.f32 v48, v42  }
0xdc: {  	v41 =	vmul.f32 v53, v41;
	v52 =	vsub.s32 $0x5EF759DF, v52;
	v44 =	vmul.f32 v51, v44  }
0xdd: {  	v46 =	vmul.f32 v52, v58;
	v45 =	vmul.f32 v50, v45  }
0xde: {  	v39 =	vmul.f32 v47, v39;
	v42 =	vsub.f32 $1.500000000e+00, v42;
	v41 =	vsub.f32 $1.500000000e+00, v41  }
0xdf: {  	v47 =	vadd.f32 $1.000000000e+00, v8;
	v44 =	vsub.f32 $1.500000000e+00, v44;
	v46 =	vmul.f32 v52, v46  }
0xe0: {  	[tilespmem:s29+$0x8000] =	vst v22;
	v45 =	vsub.f32 $1.500000000e+00, v45;
	v39 =	vmul.f32 v39, v7;
	v42 =	vmul.f32 v48, v42  }
0xe1: {  	[tilespmem:s29+$0xA000] =	vst v21;
	v41 =	vmul.f32 v53, v41;
	v17 =	vmax.f32 v47, $0.0e+00;
	v44 =	vmul.f32 v51, v44  }
0xe2: {  	[tilespmem:s29+$0x8180] =	vst v11;
	v45 =	vmul.f32 v50, v45;
	v39 =	vadd.f32 $1.000000000e+00, v39;
	v42 =	vmul.f32 v42, v7  }
0xe3: {  	[tilespmem:s29+$0xA180] =	vst v27;
	v10 =	vmul.f32 v17, v10;
	v46 =	vsub.f32 $1.500000000e+00, v46;
	v44 =	vmul.f32 v44, v7  }
0xe4: {  	[tilespmem:s29+$0x8080] =	vst v62;
	v8 =	vld [tilespmem:s12+$0x4000];
	v39 =	vmax.f32 v39, $0.0e+00;
	v42 =	vadd.f32 $1.000000000e+00, v42;
	v45 =	vmul.f32 v45, v7  }
0xe5: {  	v26 =	vadd.f32 $1.000000000e+00, v26;
	[tilespmem:s29+$0xA080] =	vst v29;
	v46 =	vmul.f32 v52, v46;
	v34 =	vmul.f32 v39, v34  }
0xe6: {  	[tilespmem:s29+$0x8200] =	vst v10;
	v31 =	vmul.f32 v39, v31;
	v63 =	vmax.f32 v42, $0.0e+00;
	v48 =	vadd.f32 $1.000000000e+00, v45  }
0xe7: {  	v55 =	vmul.f32 v41, v7;
	v54 =	vadd.f32 $1.000000000e+00, v44;
	[tilespmem:s11+$0x8000] =	vst v34;
	v51 =	vmul.f32 v63, v35  }
0xe8: {  	s2 =	sor.u32 s9, s16;
	v52 =	vmul.f32 v46, v7;
	[tilespmem:s11+$0xA000] =	vst v31;
	v31 =	vmul.f32 v63, v32;
	v53 =	vmax.f32 v48, $0.0e+00  }
0xe9: {  	v19 =	vld [tilespmem:s2+$0x0];
	v50 =	vmax.f32 v49, $0.0e+00;
	v57 =	vmul.f32 v8, v8;
	[tilespmem:s11+$0x8080] =	vst v51;
	v30 =	vmul.f32 v53, v30  }
0xea: {  	s19 =	simm.s32 $0x10040;
	v56 =	vadd.f32 $1.000000000e+00, v52;
	[tilespmem:s11+$0xA080] =	vst v31;
	v28 =	vmul.f32 v53, v28;
	v31 =	vmax.f32 v54, $0.0e+00  }
0xeb: {  	v61 =	vld [tilespmem:s19+$0x0];
	v58 =	vadd.f32 $1.000000000e+00, v55;
	v34 =	vmul.f32 v17, v12;
	[tilespmem:s11+$0x8100] =	vst v30;
	v30 =	vmul.f32 v31, v33  }
0xec: {  	v12 =	vmul.f32 v9, v2;
	v32 =	vld [tilespmem:s2+$0x4180];
	[tilespmem:s11+$0xA100] =	vst v28;
	v28 =	vmul.f32 v31, v37;
	v31 =	vmax.f32 v56, $0.0e+00  }
0xed: {  	s22 =	simm.s32 $0x2;
	v59 =	vadd.f32 v57, v24;
	v9 =	vld [tilespmem:s2+$0x280];
	v24 =	vmul.f32 v31, v25;
	v25 =	vmul.f32 v31, v36;
	[tilespmem:s11+$0x8180] =	vst v30  }
0xee: {  	s23 =	sand.u32 $0x3, s22;
	v49 =	vmul.f32 v19, v19;
	v31 =	vmul.f32 v60, v23;
	v23 =	vld [tilespmem:s2+$0x4000];
	[tilespmem:s11+$0xA180] =	vst v28;
	v28 =	vmax.f32 v58, $0.0e+00  }
0xef: {  	s5 =	sshll.u32 s23, $0x5;
	v63 =	vmul.f32 v50, v18;
	v30 =	vmul.f32 v28, v40;
	[tilespmem:s11+$0xA200] =	vst v25;
	v25 =	vld [tilespmem:s2+$0x4080]  }
0xf0: {  	s9 =	sadd.s32 $0x200, s5;
	[tilespmem:s11+$0x8200] =	vst v24;
	v24 =	vshrl.u32 v59, $0x1;
	v18 =	vsub.f32 $1.500000000e+00, v31;
	v31 =	vmax.f32 v26, $0.0e+00;
	v26 =	vld [tilespmem:s2+$0x100]  }
0xf1: {  	v2 =	vmul.f32 $1.414213540e+00, v61;
	[tilespmem:s29+$0x8100] =	vst v63;
	v28 =	vmul.f32 v28, v43;
	v13 =	vsub.s32 $0x5EF759DF, v24;
	v24 =	vld [tilespmem:s2+$0x80]  }
0xf2: {  	s5 =	sadd.s32 $0x10, s9;
	v48 =	vmul.f32 v50, v16;
	v39 =	vmul.f32 v31, v15;
	v15 =	vld [tilespmem:s2+$0x180];
	[tilespmem:s11+$0x8280] =	vst v30  }
0xf3: {  	s26 =	sor.u32 $0x300, s5;
	v57 =	vmul.f32 v32, v32;
	v16 =	vmul.f32 v13, v59;
	[tilespmem:s11+$0xA280] =	vst v28;
	v30 =	vld [tilespmem:s2+$0x4100]  }
0xf4: {  	[tilespmem:s29+$0xA200] =	vst v34;
	v14 =	vmul.f32 v31, v14;
	v18 =	vmul.f32 v60, v18;
	v28 =	vld [tilespmem:s26+$0x0]  }
0xf5: {  	[tilespmem:s29+$0xA100] =	vst v48;
	v61 =	vmul.f32 v9, v9;
	v33 =	vld [tilespmem:s26+$0x4000];
	v16 =	vmul.f32 v13, v16  }
0xf6: {  	v31 =	vld [tilespmem:s2+$0x200];
	v50 =	vmul.f32 v23, v23;
	[tilespmem:s29+$0x8280] =	vst v14;
	v6 =	vmul.f32 v18, v6  }
0xf7: {  	[tilespmem:s29+$0xA280] =	vst v39;
	s29 =	simm.s32 $0x60;
	v52 =	vmul.f32 v25, v25;
	v54 =	vmul.f32 v26, v26;
	v16 =	vsub.f32 $1.500000000e+00, v16  }
0xf8: {  	s19 =	simm.s32 $0x300;
	s10 =	sand.u32 $0x60, s29;
	v51 =	vmul.f32 v24, v24;
	v21 =	vmul.f32 v15, v15  }
0xf9: {  	s16 =	sand.u32 $0x1C00, s19;
	s14 =	sor.u32 $0x10, s10;
	v55 =	vmul.f32 v30, v30;
	v18 =	vmul.f32 v13, v16  }
0xfa: {  	v6 =	vadd.f32 $1.000000000e+00, v6;
	s11 =	sor.u32 s14, s16;
	v13 =	vmul.f32 v28, v28;
	v17 =	vmul.f32 v33, v33  }
0xfb: {  	v59 =	vmul.f32 v31, v31;
	v39 =	vld [tilespmem:s11+$0x4080];
	v22 =	vadd.f32 v52, v51;
	v21 =	vadd.f32 v57, v21  }
0xfc: {  	v6 =	vmax.f32 v6, $0.0e+00;
	v16 =	vld [tilespmem:s2+$0x4200];
	v29 =	vadd.f32 v55, v54;
	v53 =	vadd.f32 v17, v13  }
0xfd: {  	v13 =	vmul.f32 v6, v20;
	v20 =	vadd.f32 v50, v49;
	v62 =	vshrl.u32 v22, $0x1  }
0xfe: {  	v27 =	vshrl.u32 v21, $0x1;
	v46 =	vshrl.u32 v29, $0x1;
	v47 =	vsub.s32 $0x5EF759DF, v62  }
0xff: {  	v17 =	vld [tilespmem:s2+$0x4280];
	v27 =	vsub.s32 $0x5EF759DF, v27;
	v56 =	vshrl.u32 v53, $0x1;
	v58 =	vshrl.u32 v20, $0x1  }
0x100: {  	v49 =	vsub.s32 $0x5EF759DF, v46;
	v22 =	vmul.f32 v47, v22;
	v21 =	vmul.f32 v27, v21  }
0x101: {  	v62 =	vmul.f32 v39, v39;
	v41 =	vsub.s32 $0x5EF759DF, v56;
	v60 =	vmul.f32 v16, v16  }
0x102: {  	v36 =	vsub.s32 $0x5EF759DF, v58;
	v14 =	vmul.f32 v49, v29;
	v43 =	vmul.f32 v41, v53  }
0x103: {  	v20 =	vmul.f32 v36, v20;
	v22 =	vmul.f32 v47, v22  }
0x104: {  	v34 =	vld [tilespmem:s11+$0x80];
	v21 =	vmul.f32 v27, v21;
	v45 =	vmul.f32 v17, v17  }
0x105: {  	v11 =	vadd.f32 v60, v59;
	v14 =	vmul.f32 v49, v14;
	v63 =	vmul.f32 v41, v43  }
0x106: {  	v20 =	vmul.f32 v36, v20;
	v53 =	vsub.f32 $1.500000000e+00, v22;
	v21 =	vsub.f32 $1.500000000e+00, v21  }
0x107: {  	v38 =	vadd.f32 v45, v61;
	v10 =	vshrl.u32 v11, $0x1;
	v48 =	vsub.f32 $1.500000000e+00, v63  }
0x108: {  	v14 =	vsub.f32 $1.500000000e+00, v14;
	v50 =	vsub.s32 $0x5EF759DF, v10;
	v35 =	vmul.f32 v47, v53  }
0x109: {  	v20 =	vsub.f32 $1.500000000e+00, v20;
	v47 =	vmul.f32 v34, v34;
	v37 =	vmul.f32 v41, v48  }
0x10a: {  	v27 =	vmul.f32 v27, v21;
	v10 =	vshrl.u32 v38, $0x1;
	v11 =	vmul.f32 v50, v11  }
0x10b: {  	v54 =	vmul.f32 v49, v14;
	v47 =	vadd.f32 v62, v47;
	v29 =	vmul.f32 v37, v7  }
0x10c: {  	v51 =	vsub.s32 $0x5EF759DF, v10;
	v20 =	vmul.f32 v36, v20;
	v55 =	vmul.f32 v35, v2  }
0x10d: {  	v27 =	vmul.f32 v27, v2;
	v53 =	vshrl.u32 v47, $0x1;
	v29 =	vadd.f32 $1.000000000e+00, v29  }
0x10e: {  	s23 =	sor.u32 $0x300, s1;
	v43 =	vld [tilespmem:s11+$0x100];
	v38 =	vmul.f32 v51, v38;
	v52 =	vmul.f32 v50, v11;
	v53 =	vsub.s32 $0x5EF759DF, v53  }
0x10f: {  	v10 =	vld [tilespmem:s23+$0x0];
	v20 =	vmul.f32 v20, v2;
	v47 =	vmul.f32 v53, v47;
	v11 =	vmax.f32 v29, $0.0e+00  }
0x110: {  	v36 =	vld [tilespmem:s11+$0x4000];
	v29 =	vmul.f32 v51, v38;
	v28 =	vmul.f32 v11, v28  }
0x111: {  	v47 =	vmul.f32 v53, v47;
	v33 =	vmul.f32 v11, v33  }
0x112: {  	v56 =	vmul.f32 v54, v2;
	v27 =	vadd.f32 $1.000000000e+00, v27;
	v20 =	vadd.f32 $1.000000000e+00, v20;
	[tilespmem:s26+$0x8000] =	vst v28  }
0x113: {  	v40 =	vld [tilespmem:s11+$0x4200];
	v63 =	vmul.f32 v43, v43;
	v29 =	vsub.f32 $1.500000000e+00, v29;
	v47 =	vsub.f32 $1.500000000e+00, v47;
	[tilespmem:s26+$0xA000] =	vst v33;
	s26 =	sor.u32 $0x380, s5  }
0x114: {  	v22 =	vmul.f32 v10, v10;
	v28 =	vsub.f32 $1.500000000e+00, v52;
	v33 =	vadd.f32 $1.000000000e+00, v55;
	v14 =	vld [tilespmem:s26+$0x0]  }
0x115: {  	v61 =	vmax.f32 v27, $0.0e+00;
	v46 =	vmul.f32 v36, v36;
	v21 =	vld [tilespmem:s26+$0x4000];
	v29 =	vmul.f32 v51, v29  }
0x116: {  	v47 =	vmul.f32 v53, v47;
	v28 =	vmul.f32 v50, v28;
	v33 =	vmax.f32 v33, $0.0e+00  }
0x117: {  	v42 =	vld [tilespmem:s11+$0x180];
	v37 =	vmul.f32 v29, v2;
	v29 =	vadd.f32 $1.000000000e+00, v56;
	v27 =	vmul.f32 v33, v24  }
0x118: {  	v44 =	vld [tilespmem:s11+$0x280];
	v20 =	vmax.f32 v20, $0.0e+00;
	v25 =	vmul.f32 v33, v25;
	v56 =	vmul.f32 v40, v40  }
0x119: {  	v48 =	vld [tilespmem:s11+$0x4280];
	v28 =	vmul.f32 v28, v2;
	v58 =	vmax.f32 v29, $0.0e+00;
	v29 =	vmul.f32 v20, v19  }
0x11a: {  	v45 =	vld [tilespmem:s11+$0x4100];
	v59 =	vmul.f32 v14, v14;
	v60 =	vmul.f32 v21, v21  }
0x11b: {  	v57 =	vadd.f32 $1.000000000e+00, v28;
	v28 =	vmul.f32 v20, v23;
	v26 =	vmul.f32 v58, v26  }
0x11c: {  	v11 =	vld [tilespmem:s23+$0x4000];
	v37 =	vadd.f32 $1.000000000e+00, v37;
	v24 =	vmul.f32 v58, v30;
	v23 =	vmul.f32 v61, v15  }
0x11d: {  	v35 =	vld [tilespmem:s11+$0x0];
	v20 =	vmul.f32 v61, v32;
	v61 =	vmul.f32 v42, v42  }
0x11e: {  	v30 =	vld [tilespmem:s11+$0x4180];
	v58 =	vmul.f32 v48, v48;
	v37 =	vmax.f32 v37, $0.0e+00;
	v41 =	vadd.f32 v60, v59  }
0x11f: {  	s22 =	sand.u32 $0x380, s29;
	v32 =	vld [tilespmem:s11+$0x200];
	v33 =	vmax.f32 v57, $0.0e+00;
	v60 =	vmul.f32 v45, v45;
	v57 =	vmul.f32 v44, v44  }
0x120: {  	s5 =	sor.u32 s14, s22;
	v9 =	vmul.f32 v37, v9;
	v19 =	vmul.f32 v33, v31  }
0x121: {  	v49 =	vld [tilespmem:s5+$0x10000];
	v31 =	vmul.f32 v11, v11;
	v33 =	vmul.f32 v33, v16  }
0x122: {  	v15 =	vshrl.u32 v41, $0x1;
	v50 =	vadd.f32 v60, v63;
	v63 =	vadd.f32 v58, v57  }
0x123: {  	v38 =	vsub.s32 $0x5EF759DF, v15;
	v15 =	vmul.f32 v35, v35;
	v54 =	vmul.f32 v30, v30  }
0x124: {  	v55 =	vmul.f32 v32, v32;
	v41 =	vmul.f32 v38, v41  }
0x125: {  	v60 =	vshrl.u32 v50, $0x1;
	v58 =	vshrl.u32 v63, $0x1;
	v46 =	vadd.f32 v46, v15  }
0x126: {  	v15 =	vmul.f32 $1.414213540e+00, v49;
	v51 =	vadd.f32 v56, v55;
	v55 =	vsub.s32 $0x5EF759DF, v60  }
0x127: {  	v49 =	vadd.f32 v54, v61;
	v58 =	vsub.s32 $0x5EF759DF, v58;
	v50 =	vmul.f32 v55, v50  }
0x128: {  	v22 =	vadd.f32 v31, v22;
	v54 =	vmul.f32 v58, v63;
	v31 =	vmul.f32 v38, v41  }
0x129: {  	v62 =	vshrl.u32 v46, $0x1;
	v61 =	vshrl.u32 v49, $0x1;
	v47 =	vmul.f32 v47, v15  }
0x12a: {  	v52 =	vsub.s32 $0x5EF759DF, v62;
	v62 =	vshrl.u32 v51, $0x1;
	v56 =	vsub.s32 $0x5EF759DF, v61  }
0x12b: {  	v50 =	vmul.f32 v55, v50;
	v46 =	vmul.f32 v52, v46;
	v57 =	vsub.s32 $0x5EF759DF, v62  }
0x12c: {  	v49 =	vmul.f32 v56, v49;
	v51 =	vmul.f32 v57, v51  }
0x12d: {  	v63 =	vmul.f32 v58, v54;
	v50 =	vsub.f32 $1.500000000e+00, v50;
	v46 =	vmul.f32 v52, v46  }
0x12e: {  	v31 =	vsub.f32 $1.500000000e+00, v31;
	v49 =	vmul.f32 v56, v49;
	v51 =	vmul.f32 v57, v51  }
0x12f: {  	v47 =	vadd.f32 $1.000000000e+00, v47;
	v50 =	vmul.f32 v55, v50;
	v46 =	vsub.f32 $1.500000000e+00, v46  }
0x130: {  	v38 =	vmul.f32 v38, v31;
	v49 =	vsub.f32 $1.500000000e+00, v49;
	v51 =	vsub.f32 $1.500000000e+00, v51  }
0x131: {  	v50 =	vmul.f32 v50, v15;
	v46 =	vmul.f32 v52, v46;
	v52 =	vsub.f32 $1.500000000e+00, v63  }
0x132: {  	v49 =	vmul.f32 v56, v49;
	v51 =	vmul.f32 v57, v51;
	v57 =	vmax.f32 v47, $0.0e+00  }
0x133: {  	v46 =	vmul.f32 v46, v15;
	v52 =	vmul.f32 v58, v52;
	v58 =	vadd.f32 $1.000000000e+00, v50  }
0x134: {  	v49 =	vmul.f32 v49, v15;
	v34 =	vmul.f32 v57, v34  }
0x135: {  	v60 =	vmul.f32 v57, v39;
	v46 =	vadd.f32 $1.000000000e+00, v46;
	v61 =	vmax.f32 v58, $0.0e+00  }
0x136: {  	v55 =	vmul.f32 v18, v0;
	v62 =	vadd.f32 $1.000000000e+00, v49;
	[tilespmem:s11+$0x8080] =	vst v34;
	v63 =	vmul.f32 v61, v43  }
0x137: {  	v47 =	vmul.f32 v52, v15;
	[tilespmem:s11+$0xA080] =	vst v60;
	v49 =	vmul.f32 v61, v45;
	v46 =	vmax.f32 v46, $0.0e+00  }
0x138: {  	s1 =	sor.u32 s10, s16;
	v56 =	vshrl.u32 v22, $0x1;
	v59 =	vmul.f32 v51, v15;
	v35 =	vmul.f32 v46, v35;
	[tilespmem:s11+$0x8100] =	vst v63  }
0x139: {  	v31 =	vld [tilespmem:s1+$0x80];
	v50 =	vmax.f32 v62, $0.0e+00;
	v54 =	vadd.f32 $1.000000000e+00, v47;
	v36 =	vmul.f32 v46, v36;
	[tilespmem:s11+$0xA100] =	vst v49  }
0x13a: {  	s14 =	simm.s32 $0x10060;
	v18 =	vld [tilespmem:s1+$0x0];
	v7 =	vmul.f32 v38, v7;
	v34 =	vsub.s32 $0x5EF759DF, v56;
	v51 =	vmul.f32 v50, v42;
	[tilespmem:s11+$0x8000] =	vst v35  }
0x13b: {  	v52 =	vld [tilespmem:s14+$0x0];
	v53 =	vmul.f32 v50, v30;
	v57 =	vmax.f32 v54, $0.0e+00;
	[tilespmem:s11+$0xA000] =	vst v36;
	v35 =	vadd.f32 $1.000000000e+00, v59  }
0x13c: {  	s16 =	simm.s32 $0x3;
	v22 =	vmul.f32 v34, v22;
	v30 =	vld [tilespmem:s1+$0x4000];
	[tilespmem:s11+$0x8180] =	vst v51;
	v39 =	vmul.f32 v57, v44  }
0x13d: {  	s5 =	sand.u32 $0x3, s16;
	v16 =	vadd.f32 $1.000000000e+00, v55;
	v60 =	vld [tilespmem:s1+$0x4180];
	[tilespmem:s11+$0xA180] =	vst v53;
	v58 =	vmul.f32 v57, v48;
	v35 =	vmax.f32 v35, $0.0e+00  }
0x13e: {  	s5 =	sshll.u32 s5, $0x5;
	v22 =	vmul.f32 v34, v22;
	v63 =	vld [tilespmem:s1+$0x280];
	[tilespmem:s11+$0x8280] =	vst v39;
	v32 =	vmul.f32 v35, v32  }
0x13f: {  	s10 =	sadd.s32 $0x300, s5;
	v7 =	vadd.f32 $1.000000000e+00, v7;
	v16 =	vmax.f32 v16, $0.0e+00;
	v59 =	vld [tilespmem:s1+$0x180];
	[tilespmem:s11+$0xA280] =	vst v58;
	v35 =	vmul.f32 v35, v40  }
0x140: {  	s5 =	sadd.s32 $0x10, s10;
	v46 =	vmul.f32 v16, v8;
	v54 =	vld [tilespmem:s1+$0x4280];
	v8 =	vsub.f32 $1.500000000e+00, v22;
	v22 =	vmul.f32 v6, v5;
	[tilespmem:s11+$0x8200] =	vst v32  }
0x141: {  	s22 =	sor.u32 $0x300, s5;
	v5 =	vmul.f32 v18, v18;
	v6 =	vmul.f32 v30, v30;
	v32 =	vld [tilespmem:s1+$0x4080];
	[tilespmem:s11+$0xA200] =	vst v35  }
0x142: {  	[tilespmem:s2+$0x8080] =	vst v27;
	v43 =	vmul.f32 v37, v17;
	v45 =	vmul.f32 v16, v3;
	v16 =	vmax.f32 v7, $0.0e+00;
	v44 =	vld [tilespmem:s22+$0x0]  }
0x143: {  	[tilespmem:s2+$0xA000] =	vst v28;
	v7 =	vmul.f32 v31, v31;
	v3 =	vmul.f32 $1.414213540e+00, v52;
	v5 =	vadd.f32 v6, v5;
	v47 =	vld [tilespmem:s22+$0x4000]  }
0x144: {  	[tilespmem:s2+$0x8100] =	vst v26;
	v55 =	vmul.f32 v60, v60;
	v35 =	vld [tilespmem:s1+$0x100];
	v28 =	vmul.f32 v59, v59  }
0x145: {  	[tilespmem:s2+$0xA100] =	vst v24;
	v36 =	vld [tilespmem:s1+$0x4100];
	v17 =	vmul.f32 v34, v8;
	v26 =	vmul.f32 v63, v63;
	v27 =	vshrl.u32 v5, $0x1  }
0x146: {  	[tilespmem:s2+$0x8180] =	vst v23;
	v61 =	vld [tilespmem:s1+$0x200];
	v24 =	vadd.f32 v55, v28;
	v28 =	vmul.f32 v54, v54;
	v23 =	vsub.s32 $0x5EF759DF, v27  }
0x147: {  	v5 =	vmul.f32 v23, v5;
	v8 =	vmul.f32 v32, v32  }
0x148: {  	v62 =	vld [tilespmem:s1+$0x4200];
	v52 =	vmul.f32 v44, v44;
	v53 =	vmul.f32 v47, v47  }
0x149: {  	v6 =	vmul.f32 v35, v35;
	v5 =	vmul.f32 v23, v5  }
0x14a: {  	[tilespmem:s2+$0x8000] =	vst v29;
	v7 =	vadd.f32 v8, v7;
	v8 =	vmul.f32 v36, v36;
	v29 =	vadd.f32 v53, v52  }
0x14b: {  	[tilespmem:s2+$0x8200] =	vst v19;
	v21 =	vmul.f32 v16, v21;
	v56 =	vmul.f32 v61, v61;
	v19 =	vadd.f32 v28, v26  }
0x14c: {  	[tilespmem:s2+$0xA080] =	vst v25;
	v5 =	vsub.f32 $1.500000000e+00, v5;
	v6 =	vadd.f32 v8, v6;
	v25 =	vshrl.u32 v29, $0x1  }
0x14d: {  	v8 =	vmul.f32 v62, v62;
	v57 =	vshrl.u32 v7, $0x1;
	v25 =	vsub.s32 $0x5EF759DF, v25  }
0x14e: {  	[tilespmem:s2+$0xA180] =	vst v20;
	v20 =	vsub.s32 $0x5EF759DF, v57;
	v5 =	vmul.f32 v23, v5;
	v29 =	vmul.f32 v25, v29  }
0x14f: {  	v27 =	vshrl.u32 v6, $0x1;
	v58 =	vadd.f32 v8, v56;
	v8 =	vshrl.u32 v24, $0x1  }
0x150: {  	[tilespmem:s2+$0x8280] =	vst v9;
	v7 =	vmul.f32 v20, v7;
	v26 =	vsub.s32 $0x5EF759DF, v27;
	v29 =	vmul.f32 v25, v29  }
0x151: {  	[tilespmem:s2+$0xA200] =	vst v33;
	v27 =	vsub.s32 $0x5EF759DF, v8;
	v8 =	vshrl.u32 v58, $0x1;
	v6 =	vmul.f32 v26, v6  }
0x152: {  	s16 =	sor.u32 $0x300, s9;
	[tilespmem:s2+$0xA280] =	vst v43;
	v24 =	vmul.f32 v27, v24;
	v7 =	vmul.f32 v20, v7;
	v28 =	vsub.f32 $1.500000000e+00, v29  }
0x153: {  	v5 =	vmul.f32 v5, v3;
	v9 =	vsub.s32 $0x5EF759DF, v8;
	v8 =	vld [tilespmem:s16+$0x0];
	v6 =	vmul.f32 v26, v6  }
0x154: {  	v24 =	vmul.f32 v27, v24;
	v7 =	vsub.f32 $1.500000000e+00, v7;
	v25 =	vmul.f32 v25, v28  }
0x155: {  	v5 =	vadd.f32 $1.000000000e+00, v5;
	v29 =	vshrl.u32 v19, $0x1;
	v6 =	vsub.f32 $1.500000000e+00, v6  }
0x156: {  	v24 =	vsub.f32 $1.500000000e+00, v24;
	v7 =	vmul.f32 v20, v7;
	v25 =	vmul.f32 v25, v15  }
0x157: {  	[tilespmem:s12+$0x8000] =	vst v45;
	s11 =	sor.u32 s17, s15;
	v28 =	vsub.s32 $0x5EF759DF, v29;
	v29 =	vmul.f32 v9, v58;
	v6 =	vmul.f32 v26, v6  }
0x158: {  	[tilespmem:s12+$0xA000] =	vst v46;
	s13 =	sor.u32 $0x380, s11;
	v19 =	vmul.f32 v28, v19;
	v43 =	vmul.f32 v8, v8;
	v25 =	vadd.f32 $1.000000000e+00, v25  }
0x159: {  	v24 =	vmul.f32 v27, v24;
	v26 =	vmax.f32 v5, $0.0e+00;
	v5 =	vld [tilespmem:s13+$0x0];
	v6 =	vmul.f32 v6, v3  }
0x15a: {  	v29 =	vmul.f32 v9, v29;
	v46 =	vmul.f32 v26, v18;
	v25 =	vmax.f32 v25, $0.0e+00  }
0x15b: {  	v24 =	vmul.f32 v24, v3;
	v6 =	vadd.f32 $1.000000000e+00, v6;
	v23 =	vmul.f32 v25, v44  }
0x15c: {  	v19 =	vmul.f32 v28, v19;
	v20 =	vmul.f32 v25, v47  }
0x15d: {  	s15 =	simm.s32 $0x80;
	v24 =	vadd.f32 $1.000000000e+00, v24;
	v25 =	vsub.f32 $1.500000000e+00, v29;
	v27 =	vmax.f32 v6, $0.0e+00;
	v6 =	vld [tilespmem:s13+$0x4000];
	[tilespmem:s22+$0x8000] =	vst v23  }
0x15e: {  	s9 =	sor.u32 $0x380, s5;
	s17 =	simm.s32 $0x400;
	s2 =	sand.u32 $0x60, s15;
	v19 =	vsub.f32 $1.500000000e+00, v19;
	v38 =	vmul.f32 v5, v5;
	v23 =	vmul.f32 v7, v3;
	[tilespmem:s22+$0xA000] =	vst v20  }
0x15f: {  	s11 =	sand.u32 $0x1C00, s17;
	s12 =	sor.u32 $0x10, s2;
	v47 =	vmul.f32 v26, v30;
	v18 =	vmax.f32 v24, $0.0e+00;
	v9 =	vmul.f32 v9, v25;
	v7 =	vld [tilespmem:s9+$0x0]  }
0x160: {  	v30 =	vmul.f32 v27, v36;
	v20 =	vmul.f32 v28, v19;
	s22 =	sor.u32 s12, s11;
	v19 =	vld [tilespmem:s9+$0x4000];
	v23 =	vadd.f32 $1.000000000e+00, v23  }
0x161: {  	v29 =	vmul.f32 v18, v60;
	v39 =	vld [tilespmem:s22+$0x100];
	v25 =	vmul.f32 v9, v3  }
0x162: {  	v41 =	vld [tilespmem:s22+$0x4100];
	v20 =	vmul.f32 v20, v3;
	v40 =	vmul.f32 v6, v6;
	v23 =	vmax.f32 v23, $0.0e+00  }
0x163: {  	v45 =	vld [tilespmem:s22+$0x280];
	v25 =	vadd.f32 $1.000000000e+00, v25;
	v34 =	vmul.f32 v23, v31;
	v33 =	vmul.f32 v23, v32  }
0x164: {  	v51 =	vld [tilespmem:s22+$0x4180];
	v20 =	vadd.f32 $1.000000000e+00, v20;
	v32 =	vmul.f32 v27, v35;
	v31 =	vmul.f32 v18, v59  }
0x165: {  	v48 =	vld [tilespmem:s22+$0x0];
	v18 =	vmul.f32 v17, v1;
	v24 =	vmul.f32 v7, v7  }
0x166: {  	v52 =	vld [tilespmem:s22+$0x200];
	v26 =	vmul.f32 v19, v19;
	v25 =	vmax.f32 v25, $0.0e+00;
	v20 =	vmax.f32 v20, $0.0e+00  }
0x167: {  	v49 =	vld [tilespmem:s22+$0x4000];
	v35 =	vmul.f32 v39, v39;
	v60 =	vmul.f32 v41, v41;
	v18 =	vadd.f32 $1.000000000e+00, v18  }
0x168: {  	v42 =	vld [tilespmem:s22+$0x180];
	v58 =	vmul.f32 v45, v45;
	v27 =	vmul.f32 v25, v61;
	v23 =	vadd.f32 v26, v24  }
0x169: {  	v50 =	vld [tilespmem:s22+$0x80];
	v28 =	vmul.f32 v25, v62;
	v61 =	vmul.f32 v51, v51;
	v18 =	vmax.f32 v18, $0.0e+00  }
0x16a: {  	v17 =	vshrl.u32 v23, $0x1;
	v25 =	vmul.f32 v18, v10;
	v24 =	vmul.f32 v18, v11;
	v18 =	vld [tilespmem:s22+$0x4200]  }
0x16b: {  	v9 =	vld [tilespmem:s16+$0x4000];
	v62 =	vmul.f32 v52, v52;
	v26 =	vmul.f32 v20, v63;
	v59 =	vsub.s32 $0x5EF759DF, v17  }
0x16c: {  	v17 =	vmul.f32 v20, v54;
	v20 =	vmul.f32 v59, v23  }
0x16d: {  	v37 =	vld [tilespmem:s22+$0x4080];
	v11 =	vmul.f32 v48, v48;
	v54 =	vmul.f32 v42, v42  }
0x16e: {  	v23 =	vmul.f32 v16, v14;
	v20 =	vmul.f32 v59, v20  }
0x16f: {  	v14 =	vmul.f32 v49, v49;
	v44 =	vadd.f32 v61, v54;
	v63 =	vmul.f32 v18, v18  }
0x170: {  	v36 =	vmul.f32 v9, v9;
	v16 =	vmul.f32 v50, v50;
	v10 =	vsub.f32 $1.500000000e+00, v20;
	v20 =	vld [tilespmem:s22+$0x4280]  }
0x171: {  	v11 =	vadd.f32 v14, v11;
	v54 =	vadd.f32 v63, v62;
	v63 =	vshrl.u32 v44, $0x1  }
0x172: {  	v53 =	vmul.f32 v59, v10;
	v10 =	vmul.f32 v37, v37;
	v56 =	vsub.s32 $0x5EF759DF, v63  }
0x173: {  	v14 =	vadd.f32 v36, v43;
	v57 =	vshrl.u32 v54, $0x1;
	v44 =	vmul.f32 v56, v44  }
0x174: {  	v10 =	vadd.f32 v10, v16;
	v16 =	vadd.f32 v60, v35;
	v60 =	vshrl.u32 v11, $0x1  }
0x175: {  	v57 =	vsub.s32 $0x5EF759DF, v57;
	v15 =	vmul.f32 v53, v15;
	v59 =	vmul.f32 v20, v20  }
0x176: {  	v35 =	vsub.s32 $0x5EF759DF, v60;
	v54 =	vmul.f32 v57, v54;
	v44 =	vmul.f32 v56, v44  }
0x177: {  	v61 =	vshrl.u32 v10, $0x1;
	v11 =	vmul.f32 v35, v11;
	v62 =	vshrl.u32 v16, $0x1  }
0x178: {  	v15 =	vadd.f32 $1.000000000e+00, v15;
	v36 =	vadd.f32 v59, v58;
	v55 =	vsub.s32 $0x5EF759DF, v61  }
0x179: {  	v43 =	vsub.s32 $0x5EF759DF, v62;
	v62 =	vmul.f32 v57, v54;
	v10 =	vmul.f32 v55, v10  }
0x17a: {  	s14 =	sand.u32 $0x380, s15;
	v38 =	vadd.f32 v40, v38;
	v11 =	vmul.f32 v35, v11;
	v16 =	vmul.f32 v43, v16  }
0x17b: {  	s5 =	sor.u32 s12, s14;
	v15 =	vmax.f32 v15, $0.0e+00;
	v60 =	vshrl.u32 v36, $0x1;
	v10 =	vmul.f32 v55, v10  }
0x17c: {  	[tilespmem:s1+$0x8000] =	vst v46;
	v61 =	vld [tilespmem:s5+$0x10000];
	v40 =	vsub.f32 $1.500000000e+00, v62;
	v46 =	vmul.f32 v15, v19;
	v16 =	vmul.f32 v43, v16  }
0x17d: {  	v11 =	vsub.f32 $1.500000000e+00, v11;
	v58 =	vsub.s32 $0x5EF759DF, v60;
	v10 =	vsub.f32 $1.500000000e+00, v10  }
0x17e: {  	v36 =	vmul.f32 v58, v36;
	v40 =	vmul.f32 v57, v40;
	v16 =	vsub.f32 $1.500000000e+00, v16  }
0x17f: {  	v11 =	vmul.f32 v35, v11;
	v54 =	vmul.f32 v55, v10;
	v10 =	vsub.f32 $1.500000000e+00, v44  }
0x180: {  	v36 =	vmul.f32 v58, v36;
	v16 =	vmul.f32 v43, v16  }
0x181: {  	s28 =	simm.s32 $0x10080;
	v63 =	vshrl.u32 v14, $0x1;
	v55 =	vmul.f32 v56, v10;
	v10 =	vmul.f32 $1.414213540e+00, v61  }
0x182: {  	v60 =	vld [tilespmem:s28+$0x0];
	v43 =	vsub.s32 $0x5EF759DF, v63;
	v36 =	vsub.f32 $1.500000000e+00, v36;
	v61 =	vshrl.u32 v38, $0x1  }
0x183: {  	v62 =	vmul.f32 v43, v14;
	v14 =	vsub.s32 $0x5EF759DF, v61;
	v11 =	vmul.f32 v11, v10  }
0x184: {  	v57 =	vmul.f32 v58, v36;
	v35 =	vmul.f32 v14, v38  }
0x185: {  	v58 =	vmul.f32 v43, v62;
	v54 =	vmul.f32 v54, v10;
	v63 =	vadd.f32 $1.000000000e+00, v11  }
0x186: {  	v16 =	vmul.f32 v16, v10;
	v44 =	vmul.f32 v14, v35  }
0x187: {  	v11 =	vmul.f32 $1.414213540e+00, v60;
	v38 =	vadd.f32 $1.000000000e+00, v54;
	v36 =	vmax.f32 v63, $0.0e+00  }
0x188: {  	v60 =	vmul.f32 v55, v10;
	v59 =	vmul.f32 v36, v48  }
0x189: {  	s30 =	sor.u32 s2, s11;
	[tilespmem:s1+$0xA000] =	vst v47;
	v16 =	vadd.f32 $1.000000000e+00, v16;
	v62 =	vmax.f32 v38, $0.0e+00;
	v61 =	vmul.f32 v36, v49  }
0x18a: {  	v19 =	vld [tilespmem:s30+$0x280];
	v54 =	vmul.f32 v40, v10;
	v63 =	vmul.f32 v62, v50;
	[tilespmem:s22+$0x8000] =	vst v59  }
0x18b: {  	v35 =	vld [tilespmem:s30+$0x0];
	v16 =	vmax.f32 v16, $0.0e+00;
	v55 =	vmul.f32 v62, v37;
	v48 =	vadd.f32 $1.000000000e+00, v60;
	[tilespmem:s22+$0xA000] =	vst v61  }
0x18c: {  	v40 =	vld [tilespmem:s30+$0x100];
	v56 =	vmul.f32 v16, v39;
	v16 =	vmul.f32 v16, v41;
	[tilespmem:s22+$0x8080] =	vst v63  }
0x18d: {  	v38 =	vld [tilespmem:s30+$0x80];
	v59 =	vmul.f32 v57, v10;
	[tilespmem:s22+$0xA080] =	vst v55;
	v60 =	vmax.f32 v48, $0.0e+00;
	v61 =	vadd.f32 $1.000000000e+00, v54  }
0x18e: {  	v36 =	vld [tilespmem:s30+$0x4000];
	v62 =	vsub.f32 $1.500000000e+00, v58;
	[tilespmem:s22+$0x8100] =	vst v56;
	v63 =	vmul.f32 v60, v42  }
0x18f: {  	v37 =	vld [tilespmem:s30+$0x4080];
	[tilespmem:s22+$0xA100] =	vst v16;
	v47 =	vmul.f32 v60, v51;
	v48 =	vmax.f32 v61, $0.0e+00;
	v49 =	vadd.f32 $1.000000000e+00, v59  }
0x190: {  	s2 =	simm.s32 $0x4;
	v39 =	vld [tilespmem:s30+$0x4100];
	[tilespmem:s22+$0x8180] =	vst v63;
	v52 =	vmul.f32 v48, v52  }
0x191: {  	s14 =	sand.u32 $0x3, s2;
	v41 =	vld [tilespmem:s30+$0x180];
	v16 =	vmul.f32 v43, v62;
	[tilespmem:s22+$0xA180] =	vst v47;
	v54 =	vmul.f32 v48, v18;
	v55 =	vmax.f32 v49, $0.0e+00  }
0x192: {  	s5 =	sshll.u32 s14, $0x5;
	v43 =	vld [tilespmem:s30+$0x200];
	v53 =	vmul.f32 v35, v35;
	[tilespmem:s22+$0x8200] =	vst v52;
	v45 =	vmul.f32 v55, v45  }
0x193: {  	s14 =	sadd.s32 $0x400, s5;
	v42 =	vld [tilespmem:s30+$0x4180];
	v56 =	vmul.f32 v36, v36;
	[tilespmem:s22+$0xA200] =	vst v54;
	v57 =	vmul.f32 v55, v20  }
0x194: {  	s5 =	sadd.s32 $0x10, s14;
	v60 =	vmul.f32 v40, v40;
	v18 =	vld [tilespmem:s30+$0x4200];
	[tilespmem:s22+$0x8280] =	vst v45  }
0x195: {  	v58 =	vmul.f32 v38, v38;
	v59 =	vmul.f32 v37, v37;
	v20 =	vld [tilespmem:s30+$0x4280];
	v49 =	vadd.f32 v56, v53;
	[tilespmem:s22+$0xA280] =	vst v57;
	s22 =	sor.u32 $0x300, s5  }
0x196: {  	v61 =	vmul.f32 v39, v39;
	v62 =	vmul.f32 v41, v41;
	v50 =	vld [tilespmem:s22+$0x0]  }
0x197: {  	[tilespmem:s1+$0x8080] =	vst v34;
	v34 =	vadd.f32 v59, v58;
	v58 =	vmul.f32 v43, v43;
	v63 =	vshrl.u32 v49, $0x1;
	v51 =	vld [tilespmem:s22+$0x4000]  }
0x198: {  	v57 =	vmul.f32 v42, v42;
	v45 =	vadd.f32 v61, v60;
	v60 =	vmul.f32 v19, v19  }
0x199: {  	[tilespmem:s1+$0xA100] =	vst v30;
	v61 =	vshrl.u32 v34, $0x1;
	v59 =	vmul.f32 v18, v18;
	v63 =	vsub.s32 $0x5EF759DF, v63  }
0x19a: {  	[tilespmem:s1+$0x8180] =	vst v31;
	v56 =	vsub.s32 $0x5EF759DF, v61;
	v30 =	vadd.f32 v57, v62;
	v31 =	vshrl.u32 v45, $0x1  }
0x19b: {  	[tilespmem:s1+$0x8100] =	vst v32;
	v34 =	vmul.f32 v56, v34;
	v62 =	vmul.f32 v20, v20;
	v32 =	vadd.f32 v59, v58  }
0x19c: {  	[tilespmem:s1+$0xA180] =	vst v29;
	v57 =	vsub.s32 $0x5EF759DF, v31;
	v31 =	vmul.f32 v50, v50;
	v58 =	vmul.f32 v51, v51  }
0x19d: {  	[tilespmem:s1+$0xA080] =	vst v33;
	v29 =	vshrl.u32 v30, $0x1;
	v45 =	vmul.f32 v57, v45;
	v34 =	vmul.f32 v56, v34  }
0x19e: {  	[tilespmem:s1+$0x8200] =	vst v27;
	v33 =	vadd.f32 v62, v60;
	v27 =	vshrl.u32 v32, $0x1;
	v31 =	vadd.f32 v58, v31  }
0x19f: {  	[tilespmem:s1+$0xA200] =	vst v28;
	v28 =	vsub.s32 $0x5EF759DF, v29;
	v29 =	vmul.f32 v63, v49;
	v27 =	vsub.s32 $0x5EF759DF, v27  }
0x1a0: {  	v30 =	vmul.f32 v28, v30;
	v45 =	vmul.f32 v57, v45;
	v59 =	vshrl.u32 v31, $0x1  }
0x1a1: {  	v34 =	vsub.f32 $1.500000000e+00, v34;
	v32 =	vmul.f32 v27, v32;
	v49 =	vsub.s32 $0x5EF759DF, v59  }
0x1a2: {  	[tilespmem:s1+$0x8280] =	vst v26;
	v26 =	vshrl.u32 v33, $0x1;
	v29 =	vmul.f32 v63, v29;
	v31 =	vmul.f32 v49, v31  }
0x1a3: {  	v26 =	vsub.s32 $0x5EF759DF, v26;
	v30 =	vmul.f32 v28, v30;
	v34 =	vmul.f32 v56, v34  }
0x1a4: {  	v45 =	vsub.f32 $1.500000000e+00, v45;
	v33 =	vmul.f32 v26, v33;
	v60 =	vmul.f32 v49, v31  }
0x1a5: {  	s12 =	sor.u32 $0x300, s10;
	[tilespmem:s1+$0xA280] =	vst v17;
	v32 =	vmul.f32 v27, v32;
	v29 =	vsub.f32 $1.500000000e+00, v29;
	v30 =	vsub.f32 $1.500000000e+00, v30  }
0x1a6: {  	v17 =	vld [tilespmem:s12+$0x0];
	v45 =	vmul.f32 v57, v45;
	v33 =	vmul.f32 v26, v33;
	v61 =	vsub.f32 $1.500000000e+00, v60  }
0x1a7: {  	[tilespmem:s4+$0xA000] =	vst v4;
	v29 =	vmul.f32 v63, v29;
	v32 =	vsub.f32 $1.500000000e+00, v32;
	v4 =	vmul.f32 v28, v30  }
0x1a8: {  	[tilespmem:s8+$0xA000] =	vst v13;
	v30 =	vmul.f32 v34, v11;
	v28 =	vmul.f32 v49, v61  }
0x1a9: {  	[tilespmem:s8+$0x8000] =	vst v22;
	v13 =	vsub.f32 $1.500000000e+00, v44;
	v22 =	vmul.f32 v45, v11;
	v27 =	vmul.f32 v27, v32  }
0x1aa: {  	[tilespmem:s4+$0x8000] =	vst v12;
	v12 =	vsub.f32 $1.500000000e+00, v33;
	v29 =	vmul.f32 v29, v11;
	v28 =	vmul.f32 v28, v10  }
0x1ab: {  	[tilespmem:s23+$0x8000] =	vst v25;
	v31 =	vmul.f32 v17, v17;
	v4 =	vmul.f32 v4, v11;
	v25 =	vadd.f32 $1.000000000e+00, v30  }
0x1ac: {  	v22 =	vadd.f32 $1.000000000e+00, v22;
	v12 =	vmul.f32 v26, v12;
	v28 =	vadd.f32 $1.000000000e+00, v28  }
0x1ad: {  	[tilespmem:s23+$0xA000] =	vst v24;
	v26 =	vadd.f32 $1.000000000e+00, v29;
	v24 =	vmul.f32 v27, v11;
	v25 =	vmax.f32 v25, $0.0e+00  }
0x1ae: {  	[tilespmem:s26+$0x8000] =	vst v23;
	v23 =	vadd.f32 $1.000000000e+00, v4;
	v12 =	vmul.f32 v12, v11;
	v27 =	vmax.f32 v28, $0.0e+00  }
0x1af: {  	s0 =	sor.u32 s3, s0;
	[tilespmem:s26+$0xA000] =	vst v21;
	v26 =	vmax.f32 v26, $0.0e+00;
	v33 =	vmul.f32 v25, v38;
	v28 =	vmul.f32 v27, v50  }
0x1b0: {  	s1 =	sor.u32 $0x380, s0;
	v21 =	vld [tilespmem:s12+$0x4000];
	[tilespmem:s9+$0xA000] =	vst v46;
	v24 =	vadd.f32 $1.000000000e+00, v24;
	v29 =	vmul.f32 v26, v35;
	v30 =	vmul.f32 v27, v51  }
0x1b1: {  	v4 =	vld [tilespmem:s1+$0x0];
	v26 =	vmul.f32 v26, v36;
	v63 =	vmax.f32 v23, $0.0e+00;
	v35 =	vmul.f32 v25, v37;
	[tilespmem:s22+$0x8000] =	vst v28  }
0x1b2: {  	s23 =	sor.u32 s7, s6;
	s0 =	sshll.u32 s31, $0x1;
	s10 =	sor.u32 $0x380, s5;
	v62 =	vadd.f32 $1.000000000e+00, v12;
	v12 =	vld [tilespmem:s1+$0x4000];
	v32 =	vmax.f32 v24, $0.0e+00;
	v25 =	vmul.f32 v63, v41;
	[tilespmem:s22+$0xA000] =	vst v30  }
0x1b3: {  	s3 =	sor.u32 $0x380, s23;
	s26 =	sor.u32 s19, s29;
	s29 =	sor.u32 s17, s15;
	v22 =	vmax.f32 v22, $0.0e+00;
	[tilespmem:s30+$0xA000] =	vst v26;
	v26 =	vmul.f32 v63, v42;
	v24 =	vmul.f32 v32, v43;
	v23 =	vld [tilespmem:s10+$0x0]  }
0x1b4: {  	s6 =	sor.u32 $0x380, s26;
	s4 =	sor.u32 $0x380, s29;
	s7 =	sor.u32 $0x300, s14;
	[tilespmem:s30+$0x8000] =	vst v29;
	v34 =	vmax.f32 v62, $0.0e+00;
	v27 =	vmul.f32 v22, v40;
	v28 =	vmul.f32 v22, v39;
	v22 =	vld [tilespmem:s10+$0x4000]  }
.LBB2_3:
0x1b5: {  	s15 =	sadd.s32 $0x20, s15;
	[tilespmem:s30+$0x8080] =	vst v33;
	v18 =	vmul.f32 v32, v18;
	v19 =	vmul.f32 v34, v19  }
0x1b6: {  	v20 =	vmul.f32 v34, v20;
	s28 =	sadd.s32 $0x20, s28;
	v29 =	vmul.f32 v21, v21;
	s5 =	sand.u32 $0x60, s15;
	p1 =	slt.u32 s15, $0x3E0;
	[tilespmem:s30+$0xA080] =	vst v35  }
0x1b7: {  	s17 =	sadd.s32 $0x100, s17;
	v16 =	vmul.f32 v16, v2;
	s11 =	sand.u32 $0x380, s15;
	s8 =	sor.u32 $0x10, s5;
	[tilespmem:s30+$0x8100] =	vst v27;
	v27 =	vmul.f32 v4, v4  }
0x1b8: {  	v13 =	vmul.f32 v14, v13;
	s14 =	sand.u32 $0x1C00, s17;
	s19 =	sor.u32 s17, s15;
	v30 =	vld [tilespmem:s28+$0x0];
	s11 =	sor.u32 s8, s11;
	[tilespmem:s30+$0xA100] =	vst v28;
	v28 =	vadd.f32 v29, v31;
	v29 =	vmul.f32 v12, v12  }
0x1b9: {  	s22 =	sor.u32 s5, s14;
	s5 =	sor.u32 $0x380, s19;
	v16 =	vadd.f32 $1.000000000e+00, v16;
	s8 =	sor.u32 s8, s14;
	v14 =	vmul.f32 v23, v23;
	v40 =	vld [tilespmem:s11+$0x10000];
	[tilespmem:s30+$0x8180] =	vst v25;
	v25 =	vmul.f32 v22, v22  }
0x1ba: {  	v13 =	vmul.f32 v13, v0;
	v0 =	vmovc v1;
	v31 =	vld [tilespmem:s8+$0x0];
	[tilespmem:s30+$0xA180] =	vst v26;
	v26 =	vshrl.u32 v28, $0x1;
	v27 =	vadd.f32 v29, v27  }
0x1bb: {  	v1 =	vmovc v2;
	v2 =	vmovc v3;
	v32 =	vld [tilespmem:s8+$0x4000];
	[tilespmem:s30+$0x8200] =	vst v24;
	v24 =	vadd.f32 v25, v14;
	v25 =	vsub.s32 $0x5EF759DF, v26;
	v14 =	vmax.f32 v16, $0.0e+00  }
0x1bc: {  	v3 =	vmovc v11;
	v33 =	vld [tilespmem:s8+$0x80];
	[tilespmem:s30+$0xA200] =	vst v18;
	v16 =	vmul.f32 v25, v28;
	v18 =	vmul.f32 v14, v8;
	v26 =	vshrl.u32 v27, $0x1  }
0x1bd: {  	v8 =	vmovc v17;
	v34 =	vld [tilespmem:s8+$0x4080];
	[tilespmem:s30+$0x8280] =	vst v19;
	v11 =	vshrl.u32 v24, $0x1;
	v19 =	vmul.f32 v14, v9;
	v14 =	vsub.s32 $0x5EF759DF, v26;
	v9 =	vmovc v21  }
0x1be: {  	v35 =	vld [tilespmem:s8+$0x100];
	[tilespmem:s30+$0xA280] =	vst v20;
	v17 =	vsub.s32 $0x5EF759DF, v11;
	v11 =	vmul.f32 v25, v16;
	v16 =	vmul.f32 v14, v27;
	s30 =	smov.u32 s22  }
0x1bf: {  	v15 =	vmul.f32 v15, v7;
	v7 =	vmovc v23;
	v13 =	vadd.f32 $1.000000000e+00, v13;
	v36 =	vld [tilespmem:s8+$0x4100];
	v20 =	vmul.f32 v17, v24;
	[tilespmem:s16+$0x8000] =	vst v18  }
0x1c0: {  	v37 =	vld [tilespmem:s8+$0x180];
	v18 =	vsub.f32 $1.500000000e+00, v11;
	[tilespmem:s16+$0xA000] =	vst v19;
	v19 =	vmul.f32 v14, v16;
	s16 =	smov.u32 s12;
	s12 =	smov.u32 s7  }
0x1c1: {  	v11 =	vmul.f32 $1.414213540e+00, v30;
	v38 =	vld [tilespmem:s8+$0x4180];
	v20 =	vmul.f32 v17, v20;
	[tilespmem:s9+$0x8000] =	vst v15;
	v15 =	vmax.f32 v13, $0.0e+00;
	s9 =	smov.u32 s10  }
0x1c2: {  	v39 =	vld [tilespmem:s8+$0x200];
	v16 =	vmul.f32 v25, v18;
	v13 =	vsub.f32 $1.500000000e+00, v19;
	v18 =	vmul.f32 v15, v5;
	v5 =	vmovc v4  }
0x1c3: {  	v4 =	vmul.f32 $1.414213540e+00, v40;
	v15 =	vmul.f32 v15, v6;
	v6 =	vmovc v12;
	v41 =	vld [tilespmem:s8+$0x4200];
	v19 =	vsub.f32 $1.500000000e+00, v20  }
0x1c4: {  	v12 =	vmul.f32 v31, v31;
	v20 =	vmul.f32 v32, v32;
	v42 =	vld [tilespmem:s8+$0x280];
	[tilespmem:s13+$0x8000] =	vst v18  }
0x1c5: {  	v18 =	vmul.f32 v33, v33;
	v40 =	vld [tilespmem:s8+$0x4280];
	v17 =	vmul.f32 v17, v19;
	[tilespmem:s13+$0xA000] =	vst v15;
	s13 =	smov.u32 s1;
	s1 =	smov.u32 s3;
	s3 =	smov.u32 s6  }
0x1c6: {  	v15 =	vmul.f32 v34, v34;
	v19 =	vmul.f32 v35, v35;
	s6 =	smov.u32 s4;
	s4 =	smov.u32 s5;
	v23 =	vld [tilespmem:s30+$0x0]  }
0x1c7: {  	v21 =	vmul.f32 v36, v36;
	v24 =	vld [tilespmem:s30+$0x4000];
	v17 =	vmul.f32 v17, v10;
	v10 =	vmov v4  }
0x1c8: {  	v30 =	vmul.f32 v38, v38;
	v4 =	vmul.f32 v37, v37;
	v25 =	vld [tilespmem:s30+$0x80]  }
0x1c9: {  	v43 =	vmul.f32 v39, v39;
	v44 =	vmul.f32 v41, v41;
	v26 =	vld [tilespmem:s30+$0x4080];
	v17 =	vadd.f32 $1.000000000e+00, v17  }
0x1ca: {  	v12 =	vadd.f32 v20, v12;
	v20 =	vmul.f32 v42, v42;
	v27 =	vld [tilespmem:s30+$0x100];
	v45 =	vmul.f32 v40, v40  }
0x1cb: {  	v46 =	vadd.f32 v15, v18;
	v21 =	vadd.f32 v21, v19;
	v28 =	vld [tilespmem:s30+$0x4100];
	v15 =	vmax.f32 v17, $0.0e+00  }
0x1cc: {  	v4 =	vadd.f32 v30, v4;
	v43 =	vadd.f32 v44, v43;
	v29 =	vld [tilespmem:s30+$0x180];
	v17 =	vmul.f32 v15, v22  }
0x1cd: {  	v18 =	vshrl.u32 v12, $0x1;
	v44 =	vshrl.u32 v46, $0x1;
	v45 =	vadd.f32 v45, v20;
	v22 =	vld [tilespmem:s30+$0x4180]  }
0x1ce: {  	v47 =	vsub.s32 $0x5EF759DF, v18;
	v48 =	vshrl.u32 v4, $0x1;
	v20 =	vshrl.u32 v21, $0x1;
	v30 =	vld [tilespmem:s30+$0x200];
	[tilespmem:s9+$0xA000] =	vst v17  }
0x1cf: {  	v12 =	vmul.f32 v47, v12;
	v17 =	vshrl.u32 v43, $0x1;
	v49 =	vshrl.u32 v45, $0x1;
	v18 =	vld [tilespmem:s30+$0x4200]  }
0x1d0: {  	v44 =	vsub.s32 $0x5EF759DF, v44;
	v48 =	vsub.s32 $0x5EF759DF, v48;
	v50 =	vsub.s32 $0x5EF759DF, v20;
	v19 =	vld [tilespmem:s30+$0x280]  }
0x1d1: {  	v12 =	vmul.f32 v47, v12;
	v46 =	vmul.f32 v44, v46;
	v51 =	vsub.s32 $0x5EF759DF, v17;
	v20 =	vld [tilespmem:s30+$0x4280]  }
0x1d2: {  	v53 =	vmul.f32 v48, v4;
	v52 =	vmul.f32 v50, v21;
	v49 =	vsub.s32 $0x5EF759DF, v49;
	v17 =	vld [tilespmem:s12+$0x0]  }
0x1d3: {  	v12 =	vsub.f32 $1.500000000e+00, v12;
	v46 =	vmul.f32 v44, v46;
	v43 =	vmul.f32 v51, v43;
	v21 =	vld [tilespmem:s12+$0x4000]  }
0x1d4: {  	v52 =	vmul.f32 v50, v52;
	v45 =	vmul.f32 v49, v45;
	v4 =	vld [tilespmem:s1+$0x0]  }
0x1d5: {  	v47 =	vmul.f32 v47, v12;
	v53 =	vmul.f32 v48, v53;
	v46 =	vsub.f32 $1.500000000e+00, v46;
	v12 =	vld [tilespmem:s1+$0x4000]  }
0x1d6: {  	v52 =	vsub.f32 $1.500000000e+00, v52;
	v43 =	vmul.f32 v51, v43;
	v45 =	vmul.f32 v49, v45  }
0x1d7: {  	v47 =	vmul.f32 v47, v10;
	v44 =	vmul.f32 v44, v46;
	v46 =	vsub.f32 $1.500000000e+00, v53  }
0x1d8: {  	v50 =	vmul.f32 v50, v52;
	v43 =	vsub.f32 $1.500000000e+00, v43;
	v45 =	vsub.f32 $1.500000000e+00, v45  }
0x1d9: {  	v47 =	vadd.f32 $1.000000000e+00, v47;
	v44 =	vmul.f32 v44, v10;
	v46 =	vmul.f32 v48, v46  }
0x1da: {  	v43 =	vmul.f32 v51, v43;
	v45 =	vmul.f32 v49, v45  }
0x1db: {  	v47 =	vmax.f32 v47, $0.0e+00;
	v44 =	vadd.f32 $1.000000000e+00, v44;
	v48 =	vmul.f32 v50, v10  }
0x1dc: {  	v31 =	vmul.f32 v47, v31;
	v46 =	vmul.f32 v46, v10  }
0x1dd: {  	v32 =	vmul.f32 v47, v32;
	v44 =	vmax.f32 v44, $0.0e+00;
	v47 =	vadd.f32 $1.000000000e+00, v48  }
0x1de: {  	[tilespmem:s8+$0x8000] =	vst v31;
	v31 =	vmul.f32 v44, v33;
	v33 =	vmul.f32 v43, v10  }
0x1df: {  	v43 =	vadd.f32 $1.000000000e+00, v46;
	[tilespmem:s8+$0xA000] =	vst v32;
	v32 =	vmul.f32 v44, v34;
	v34 =	vmax.f32 v47, $0.0e+00  }
0x1e0: {  	[tilespmem:s8+$0x8080] =	vst v31;
	v31 =	vmul.f32 v34, v35;
	v35 =	vmul.f32 v45, v10  }
0x1e1: {  	v33 =	vadd.f32 $1.000000000e+00, v33;
	[tilespmem:s8+$0xA080] =	vst v32;
	v32 =	vmul.f32 v34, v36;
	v34 =	vmax.f32 v43, $0.0e+00  }
0x1e2: {  	v36 =	vmul.f32 v23, v23;
	[tilespmem:s8+$0x8100] =	vst v31;
	v31 =	vmul.f32 v34, v37  }
0x1e3: {  	v33 =	vmax.f32 v33, $0.0e+00;
	[tilespmem:s8+$0xA100] =	vst v32;
	v32 =	vmul.f32 v34, v38;
	v34 =	vadd.f32 $1.000000000e+00, v35  }
0x1e4: {  	s2 =	sadd.s32 $0x1, s2;
	v35 =	vmul.f32 v24, v24;
	[tilespmem:s8+$0x8180] =	vst v31;
	v31 =	vmul.f32 v33, v39  }
0x1e5: {  	s5 =	sand.u32 $0x3, s2;
	v37 =	vmul.f32 v25, v25;
	[tilespmem:s8+$0xA180] =	vst v32;
	v32 =	vmul.f32 v33, v41;
	v33 =	vmax.f32 v34, $0.0e+00  }
0x1e6: {  	s5 =	sshll.u32 s5, $0x5;
	v34 =	vadd.f32 v35, v36;
	v35 =	vmul.f32 v26, v26;
	[tilespmem:s8+$0x8200] =	vst v31;
	v31 =	vmul.f32 v33, v42  }
0x1e7: {  	s5 =	sadd.s32 s5, s17;
	v36 =	vmul.f32 v27, v27;
	[tilespmem:s8+$0xA200] =	vst v32;
	v32 =	vmul.f32 v33, v40  }
0x1e8: {  	s7 =	sor.u32 $0x300, s5;
	s5 =	sadd.s32 $0x10, s5;
	v33 =	vadd.f32 v35, v37;
	v35 =	vmul.f32 v28, v28;
	v37 =	vmul.f32 v29, v29;
	[tilespmem:s8+$0x8280] =	vst v31  }
0x1e9: {  	v38 =	vmul.f32 v22, v22;
	v39 =	vmul.f32 v30, v30;
	v31 =	vshrl.u32 v34, $0x1;
	[tilespmem:s8+$0xA280] =	vst v32;
	s8 =	sor.u32 $0x300, s5  }
0x1ea: {  	v32 =	vadd.f32 v35, v36;
	v35 =	vmul.f32 v18, v18;
	v36 =	vmul.f32 v19, v19;
	v40 =	vld [tilespmem:s8+$0x0]  }
0x1eb: {  	v41 =	vshrl.u32 v33, $0x1;
	v37 =	vadd.f32 v38, v37;
	v38 =	vmul.f32 v20, v20;
	v42 =	vld [tilespmem:s8+$0x4000]  }
0x1ec: {  	v43 =	vsub.s32 $0x5EF759DF, v31;
	v31 =	vshrl.u32 v32, $0x1;
	v35 =	vadd.f32 v35, v39  }
0x1ed: {  	v39 =	vsub.s32 $0x5EF759DF, v41;
	v41 =	vshrl.u32 v37, $0x1;
	v36 =	vadd.f32 v38, v36  }
0x1ee: {  	v38 =	vsub.s32 $0x5EF759DF, v31;
	v41 =	vsub.s32 $0x5EF759DF, v41;
	v31 =	vshrl.u32 v35, $0x1  }
0x1ef: {  	v34 =	vmul.f32 v43, v34;
	v44 =	vsub.s32 $0x5EF759DF, v31;
	v31 =	vshrl.u32 v36, $0x1  }
0x1f0: {  	v45 =	vsub.s32 $0x5EF759DF, v31;
	v31 =	vmul.f32 v40, v40;
	v46 =	vmul.f32 v42, v42  }
0x1f1: {  	v33 =	vmul.f32 v39, v33;
	v32 =	vmul.f32 v38, v32  }
0x1f2: {  	v37 =	vmul.f32 v41, v37;
	v35 =	vmul.f32 v44, v35;
	v31 =	vadd.f32 v46, v31  }
0x1f3: {  	v34 =	vmul.f32 v43, v34;
	v36 =	vmul.f32 v45, v36  }
0x1f4: {  	v33 =	vmul.f32 v39, v33;
	v32 =	vmul.f32 v38, v32;
	v46 =	vshrl.u32 v31, $0x1  }
0x1f5: {  	v37 =	vmul.f32 v41, v37;
	v35 =	vmul.f32 v44, v35;
	v46 =	vsub.s32 $0x5EF759DF, v46  }
0x1f6: {  	v34 =	vsub.f32 $1.500000000e+00, v34;
	v36 =	vmul.f32 v45, v36;
	v47 =	vmul.f32 v46, v31  }
0x1f7: {  	v33 =	vsub.f32 $1.500000000e+00, v33;
	v32 =	vsub.f32 $1.500000000e+00, v32;
	v31 =	vmul.f32 v17, v17  }
0x1f8: {  	v37 =	vsub.f32 $1.500000000e+00, v37;
	v35 =	vsub.f32 $1.500000000e+00, v35;
	v47 =	vmul.f32 v46, v47  }
0x1f9: {  	v34 =	vmul.f32 v43, v34;
	v33 =	vmul.f32 v39, v33;
	v36 =	vsub.f32 $1.500000000e+00, v36  }
0x1fa: {  	v32 =	vmul.f32 v38, v32;
	v37 =	vmul.f32 v41, v37;
	v38 =	vsub.f32 $1.500000000e+00, v47  }
0x1fb: {  	v35 =	vmul.f32 v44, v35;
	v36 =	vmul.f32 v45, v36  }
0x1fc: {  	v34 =	vmul.f32 v34, v11;
	v38 =	vmul.f32 v46, v38  }
0x1fd: {  	v33 =	vmul.f32 v33, v11;
	v32 =	vmul.f32 v32, v11  }
0x1fe: {  	v34 =	vadd.f32 $1.000000000e+00, v34;
	v37 =	vmul.f32 v37, v11;
	v38 =	vmul.f32 v38, v10  }
0x1ff: {  	v33 =	vadd.f32 $1.000000000e+00, v33;
	v35 =	vmul.f32 v35, v11;
	v36 =	vmul.f32 v36, v11  }
0x200: {  	v39 =	vmax.f32 v34, $0.0e+00;
	v32 =	vadd.f32 $1.000000000e+00, v32;
	v34 =	vadd.f32 $1.000000000e+00, v38  }
0x201: {  	v35 =	vadd.f32 $1.000000000e+00, v35;
	v38 =	vmax.f32 v33, $0.0e+00;
	v33 =	vadd.f32 $1.000000000e+00, v37  }
0x202: {  	v36 =	vadd.f32 $1.000000000e+00, v36;
	v37 =	vmax.f32 v32, $0.0e+00;
	v41 =	vmax.f32 v34, $0.0e+00  }
0x203: {  	v32 =	vmax.f32 v35, $0.0e+00;
	v43 =	vmax.f32 v33, $0.0e+00;
	v35 =	vmul.f32 v41, v40  }
.Ltmp2:
0x204: {  	v23 =	vmul.f32 v39, v23;
	v34 =	vmax.f32 v36, $0.0e+00;
	v36 =	vmul.f32 v41, v42;
	(pc) =	sbr.rel @p1 .LBB2_3-.Ltmp2, $4  }
0x205: {  	v24 =	vmul.f32 v39, v24;
	v33 =	vmul.f32 v38, v25;
	[tilespmem:s8+$0x8000] =	vst v35  }
0x206: {  	s10 =	sor.u32 $0x380, s5;
	v27 =	vmul.f32 v37, v27;
	v35 =	vmul.f32 v38, v26;
	[tilespmem:s8+$0xA000] =	vst v36  }
0x207: {  	v28 =	vmul.f32 v37, v28;
	v25 =	vmul.f32 v43, v29;
	[tilespmem:s30+$0x8000] =	vst v23;
	v23 =	vld [tilespmem:s10+$0x0]  }
0x208: {  	v26 =	vmul.f32 v43, v22;
	[tilespmem:s30+$0xA000] =	vst v24;
	v24 =	vmul.f32 v32, v30;
	v22 =	vld [tilespmem:s10+$0x4000]  }
0x209: {  	[tilespmem:s30+$0x8080] =	vst v33  }
0x20a: {  	[tilespmem:s30+$0xA080] =	vst v35  }
0x20b: {  	[tilespmem:s30+$0x8100] =	vst v27  }
0x20c: {  	[tilespmem:s30+$0xA100] =	vst v28  }
0x20d: {  	[tilespmem:s30+$0x8180] =	vst v25  }
0x20e: {  	v18 =	vmul.f32 v32, v18;
	[tilespmem:s30+$0xA180] =	vst v26  }
0x20f: {  	v19 =	vmul.f32 v34, v19;
	[tilespmem:s30+$0x8200] =	vst v24  }
0x210: {  	v20 =	vmul.f32 v34, v20;
	[tilespmem:s30+$0xA200] =	vst v18  }
0x211: {  	[tilespmem:s30+$0x8280] =	vst v19  }
0x212: {  	[tilespmem:s30+$0xA280] =	vst v20  }
0x213: {  	v18 =	vld [tilespmem:s7+$0x0]  }
0x214: {  	v19 =	vld [tilespmem:s7+$0x4000];
	_ =	sdelay $0x2  }
0x215: {  	v20 =	vmul.f32 v21, v21;
	_ =	sdelay $0x1  }
0x216: {  	v20 =	vadd.f32 v20, v31;
	v24 =	vmul.f32 v18, v18;
	v25 =	vmul.f32 v19, v19;
	_ =	sdelay $0x1  }
0x217: {  	v26 =	vshrl.u32 v20, $0x1;
	v24 =	vadd.f32 v25, v24  }
0x218: {  	v25 =	vsub.s32 $0x5EF759DF, v26  }
0x219: {  	v20 =	vmul.f32 v25, v20;
	v26 =	vshrl.u32 v24, $0x1  }
0x21a: {  	v16 =	vmul.f32 v16, v2;
	v26 =	vsub.s32 $0x5EF759DF, v26  }
0x21b: {  	v20 =	vmul.f32 v25, v20;
	v24 =	vmul.f32 v26, v24;
	_ =	sdelay $0x1  }
0x21c: {  	v16 =	vadd.f32 $1.000000000e+00, v16;
	v20 =	vsub.f32 $1.500000000e+00, v20;
	v24 =	vmul.f32 v26, v24;
	_ =	sdelay $0x1  }
0x21d: {  	v16 =	vmax.f32 v16, $0.0e+00;
	v20 =	vmul.f32 v25, v20;
	v24 =	vsub.f32 $1.500000000e+00, v24  }
0x21e: {  	v8 =	vmul.f32 v16, v8  }
0x21f: {  	v20 =	vmul.f32 v20, v3;
	v24 =	vmul.f32 v26, v24  }
0x220: {  	v9 =	vmul.f32 v16, v9  }
0x221: {  	[tilespmem:s16+$0x8000] =	vst v8;
	v20 =	vadd.f32 $1.000000000e+00, v20;
	v24 =	vmul.f32 v24, v11  }
0x222: {  	[tilespmem:s16+$0xA000] =	vst v9  }
0x223: {  	v25 =	vld [tilespmem:s3+$0x0];
	v8 =	vmax.f32 v20, $0.0e+00;
	v20 =	vadd.f32 $1.000000000e+00, v24  }
0x224: {  	v16 =	vmul.f32 v4, v4;
	v26 =	vld [tilespmem:s3+$0x4000];
	v9 =	vmul.f32 v8, v17  }
0x225: {  	v24 =	vmul.f32 v12, v12;
	v8 =	vmul.f32 v8, v21;
	v20 =	vmax.f32 v20, $0.0e+00  }
0x226: {  	v17 =	vmul.f32 v23, v23;
	[tilespmem:s12+$0x8000] =	vst v9;
	v9 =	vmul.f32 v20, v18  }
0x227: {  	v21 =	vmul.f32 v22, v22;
	[tilespmem:s12+$0xA000] =	vst v8;
	v8 =	vmul.f32 v20, v19  }
0x228: {  	v16 =	vadd.f32 v24, v16;
	v18 =	vld [tilespmem:s6+$0x0];
	[tilespmem:s7+$0x8000] =	vst v9  }
0x229: {  	v17 =	vadd.f32 v21, v17;
	v21 =	vmul.f32 v26, v26;
	v20 =	vmul.f32 v25, v25;
	v9 =	vld [tilespmem:s6+$0x4000];
	[tilespmem:s7+$0xA000] =	vst v8  }
0x22a: {  	v7 =	vmul.f32 v15, v7;
	v8 =	vmul.f32 v14, v13;
	v19 =	vld [tilespmem:s4+$0x0]  }
0x22b: {  	v13 =	vshrl.u32 v16, $0x1;
	v14 =	vshrl.u32 v17, $0x1;
	v15 =	vadd.f32 v21, v20;
	v24 =	vld [tilespmem:s4+$0x4000]  }
0x22c: {  	v13 =	vsub.s32 $0x5EF759DF, v13;
	v0 =	vmul.f32 v8, v0;
	v8 =	vsub.s32 $0x5EF759DF, v14  }
0x22d: {  	v14 =	vmul.f32 v13, v16;
	v16 =	vmul.f32 v8, v17  }
0x22e: {  	v21 =	vshrl.u32 v15, $0x1;
	v17 =	vmul.f32 v18, v18;
	v20 =	vmul.f32 v9, v9  }
0x22f: {  	v21 =	vsub.s32 $0x5EF759DF, v21;
	v0 =	vadd.f32 $1.000000000e+00, v0;
	v16 =	vmul.f32 v8, v16  }
0x230: {  	v27 =	vmul.f32 v24, v24;
	v17 =	vadd.f32 v20, v17;
	v20 =	vmul.f32 v19, v19  }
0x231: {  	v14 =	vmul.f32 v13, v14;
	v15 =	vmul.f32 v21, v15;
	v16 =	vsub.f32 $1.500000000e+00, v16  }
0x232: {  	v0 =	vmax.f32 v0, $0.0e+00;
	v28 =	vshrl.u32 v17, $0x1;
	v20 =	vadd.f32 v27, v20  }
0x233: {  	v14 =	vsub.f32 $1.500000000e+00, v14;
	v8 =	vmul.f32 v8, v16;
	v16 =	vsub.s32 $0x5EF759DF, v28  }
0x234: {  	v15 =	vmul.f32 v21, v15;
	v17 =	vmul.f32 v16, v17;
	v27 =	vshrl.u32 v20, $0x1  }
0x235: {  	v8 =	vmul.f32 v8, v10;
	v10 =	vmul.f32 v13, v14;
	v13 =	vsub.s32 $0x5EF759DF, v27  }
0x236: {  	v14 =	vsub.f32 $1.500000000e+00, v15;
	v15 =	vmul.f32 v16, v17;
	v17 =	vmul.f32 v13, v20  }
0x237: {  	v5 =	vmul.f32 v0, v5;
	v8 =	vadd.f32 $1.000000000e+00, v8;
	v1 =	vmul.f32 v10, v1  }
0x238: {  	v10 =	vmul.f32 v21, v14;
	v14 =	vsub.f32 $1.500000000e+00, v15;
	v15 =	vmul.f32 v13, v17  }
0x239: {  	v0 =	vmul.f32 v0, v6;
	v6 =	vmax.f32 v8, $0.0e+00;
	v1 =	vadd.f32 $1.000000000e+00, v1  }
0x23a: {  	[tilespmem:s9+$0x8000] =	vst v7;
	v2 =	vmul.f32 v10, v2;
	v7 =	vmul.f32 v16, v14;
	v8 =	vsub.f32 $1.500000000e+00, v15  }
0x23b: {  	[tilespmem:s13+$0x8000] =	vst v5;
	v5 =	vmul.f32 v6, v22;
	v6 =	vmul.f32 v6, v23;
	v1 =	vmax.f32 v1, $0.0e+00  }
0x23c: {  	[tilespmem:s13+$0xA000] =	vst v0;
	v0 =	vadd.f32 $1.000000000e+00, v2;
	v2 =	vmul.f32 v7, v3;
	v3 =	vmul.f32 v13, v8  }
0x23d: {  	[tilespmem:s10+$0xA000] =	vst v5;
	v4 =	vmul.f32 v1, v4;
	v1 =	vmul.f32 v1, v12  }
0x23e: {  	[tilespmem:s10+$0x8000] =	vst v6;
	v0 =	vmax.f32 v0, $0.0e+00;
	v2 =	vadd.f32 $1.000000000e+00, v2;
	v3 =	vmul.f32 v3, v11  }
0x23f: {  	[tilespmem:s1+$0x8000] =	vst v4;
	v4 =	vmul.f32 v0, v25  }
0x240: {  	[tilespmem:s1+$0xA000] =	vst v1;
	v0 =	vmul.f32 v0, v26;
	v1 =	vmax.f32 v2, $0.0e+00;
	v2 =	vadd.f32 $1.000000000e+00, v3  }
0x241: {  	[tilespmem:s3+$0x8000] =	vst v4;
	v3 =	vmul.f32 v1, v18  }
0x242: {  	[tilespmem:s3+$0xA000] =	vst v0;
	v0 =	vmul.f32 v1, v9;
	v1 =	vmax.f32 v2, $0.0e+00  }
0x243: {  	[tilespmem:s6+$0x8000] =	vst v3;
	v2 =	vmul.f32 v1, v19  }
0x244: {  	[tilespmem:s6+$0xA000] =	vst v0;
	v0 =	vmul.f32 v1, v24  }
0x245: {  	[tilespmem:s4+$0x8000] =	vst v2  }
0x246: {  	[tilespmem:s4+$0xA000] =	vst v0  }
0x247: {  	s3 =	sshll.u32 s31, $0xB;
	s1 =	rddreg [dreg:$0x9]  }
0x248: {  	s2 =	simm.s32 $0x2000000;
	s14 =	simm.s32 $0x8000;
	s1 =	sadd.s32 s3, s1  }
0x249: {  	[hbm4b:s1+s18] =	stream.strided.scatter [tilespmem:s14], [sflag:$0x5], $0x4000, s2, s18, $0x38;
	[tilespmem:$0x10400] =	vst v63  }
0x24a: {  	p1 =	seq.s32 s31, $0x3F;
	s1 =	rddreg [dreg:$0xa]  }
0x24b: {  	s1 =	sadd.s32 @!p1 s0, s1  }
0x24c: {  	s2 =	rddreg [dreg:$0x0];
	s1 =	sshll.u32 @!p1 s1, $0xA  }
0x24d: {  	s4 =	simm.s32 @!p1 $0x0;
	s2 =	sadd.s32 @!p1 s2, s1  }
0x24e: {  	[tilespmem:s4], [sflag:$0x1] =	stream.linear.gather @!p1 [hbm4b:s2+s4], $0x2000, $0x38;
	[tilespmem:$0x10400] =	vst v63  }
0x24f: {  	s2 =	rddreg [dreg:$0x1]  }
0x250: {  	s1 =	sadd.s32 @!p1 s2, s1;
	s2 =	simm.s32 @!p1 $0x4000  }
0x251: {  	[tilespmem:s2], [sflag:$0x3] =	stream.linear.gather @!p1 [hbm4b:s1+s4], $0x2000, $0x38;
	[tilespmem:$0x10400] =	vst v63  }
0x252: {  	_ =	swait.ge [sflag:s24], $0x2000  }
0x253: {  	[sflag:s24] =	ssyncset.done $0x0  }
0x254: {  	[sflag:s24] =	ssyncadd.s32 $0xFFFFE000  }
0x255: {  	_ =	swait.ge [sflag:s25], $0x2000  }
0x256: {  	[sflag:s25] =	ssyncset.done $0x0  }
0x257: {  	s6 =	simm.s32 $0x0;
	s2 =	simm.s32 @!p0 $0x6;
	[sflag:s25] =	ssyncadd.s32 $0xFFFFE000  }
0x258: {  	s7 =	simm.s32 $0x0;
	s15 =	sand.u32 $0x60, s6;
	_ =	swait.ge @!p0 [sflag:s2], $0x4000  }
0x259: {  	s16 =	sand.u32 $0x1C00, s7;
	s8 =	sor.u32 $0x10, s15;
	[sflag:s2] =	ssyncset.done @!p0 $0x0  }
0x25a: {  	s5 =	sor.u32 s8, s16;
	[sflag:s2] =	ssyncadd.s32 @!p0 $0xFFFFC000  }
0x25b: {  	v0 =	vld [tilespmem:s5+$0x2000]  }
0x25c: {  	v2 =	vld [tilespmem:s5+$0x6000]  }
0x25d: {  	v3 =	vld [tilespmem:s5+$0x2080]  }
0x25e: {  	v4 =	vld [tilespmem:s5+$0x6080]  }
0x25f: {  	v5 =	vld [tilespmem:s5+$0x2100]  }
0x260: {  	v6 =	vld [tilespmem:s5+$0x6100]  }
0x261: {  	v7 =	vld [tilespmem:s5+$0x2180]  }
0x262: {  	v8 =	vld [tilespmem:s5+$0x6180]  }
0x263: {  	v9 =	vld [tilespmem:s5+$0x2200]  }
0x264: {  	v10 =	vld [tilespmem:s5+$0x6200]  }
0x265: {  	s17 =	sand.u32 $0x380, s6;
	v11 =	vld [tilespmem:s5+$0x2280]  }
0x266: {  	s2 =	sor.u32 s8, s17;
	v14 =	vld [tilespmem:s5+$0x6280];
	v1 =	vmul.f32 v0, v0;
	v12 =	vmul.f32 v2, v2  }
0x267: {  	v15 =	vld [tilespmem:s2+$0x10000];
	v13 =	vmul.f32 v3, v3;
	v16 =	vmul.f32 v4, v4  }
0x268: {  	v17 =	vmul.f32 v5, v5;
	v18 =	vmul.f32 v6, v6  }
0x269: {  	v19 =	vmul.f32 v7, v7;
	v20 =	vmul.f32 v8, v8  }
0x26a: {  	v21 =	vmul.f32 v9, v9;
	v22 =	vmul.f32 v10, v10  }
0x26b: {  	v23 =	vmul.f32 v11, v11;
	v24 =	vmul.f32 v14, v14;
	v12 =	vadd.f32 v12, v1  }
0x26c: {  	v13 =	vadd.f32 v16, v13;
	v16 =	vadd.f32 v18, v17;
	v1 =	vmul.f32 $1.414213540e+00, v15  }
0x26d: {  	v15 =	vadd.f32 v20, v19;
	v17 =	vadd.f32 v22, v21;
	v18 =	vshrl.u32 v12, $0x1  }
0x26e: {  	v20 =	vadd.f32 v24, v23;
	v19 =	vshrl.u32 v13, $0x1;
	v18 =	vsub.s32 $0x5EF759DF, v18  }
0x26f: {  	v21 =	vshrl.u32 v16, $0x1;
	v22 =	vshrl.u32 v15, $0x1;
	v12 =	vmul.f32 v18, v12  }
0x270: {  	v23 =	vshrl.u32 v17, $0x1;
	v24 =	vshrl.u32 v20, $0x1;
	v19 =	vsub.s32 $0x5EF759DF, v19  }
0x271: {  	v21 =	vsub.s32 $0x5EF759DF, v21;
	v13 =	vmul.f32 v19, v13;
	v12 =	vmul.f32 v18, v12  }
0x272: {  	v22 =	vsub.s32 $0x5EF759DF, v22;
	v23 =	vsub.s32 $0x5EF759DF, v23;
	v16 =	vmul.f32 v21, v16  }
0x273: {  	v15 =	vmul.f32 v22, v15;
	v13 =	vmul.f32 v19, v13;
	v12 =	vsub.f32 $1.500000000e+00, v12  }
0x274: {  	v24 =	vsub.s32 $0x5EF759DF, v24;
	v17 =	vmul.f32 v23, v17;
	v16 =	vmul.f32 v21, v16  }
0x275: {  	v15 =	vmul.f32 v22, v15;
	v13 =	vsub.f32 $1.500000000e+00, v13;
	v12 =	vmul.f32 v18, v12  }
0x276: {  	v20 =	vmul.f32 v24, v20;
	v17 =	vmul.f32 v23, v17;
	v16 =	vsub.f32 $1.500000000e+00, v16  }
0x277: {  	v15 =	vsub.f32 $1.500000000e+00, v15;
	v13 =	vmul.f32 v19, v13;
	v12 =	vmul.f32 v12, v1  }
0x278: {  	v17 =	vsub.f32 $1.500000000e+00, v17;
	v18 =	vmul.f32 v24, v20;
	v16 =	vmul.f32 v21, v16  }
0x279: {  	v15 =	vmul.f32 v22, v15;
	v13 =	vmul.f32 v13, v1;
	v12 =	vadd.f32 $1.000000000e+00, v12  }
0x27a: {  	v17 =	vmul.f32 v23, v17;
	v18 =	vsub.f32 $1.500000000e+00, v18;
	v16 =	vmul.f32 v16, v1  }
0x27b: {  	v15 =	vmul.f32 v15, v1;
	v13 =	vadd.f32 $1.000000000e+00, v13;
	v12 =	vmax.f32 v12, $0.0e+00  }
0x27c: {  	v18 =	vmul.f32 v24, v18;
	v0 =	vmul.f32 v12, v0  }
0x27d: {  	v2 =	vmul.f32 v12, v2;
	v12 =	vmax.f32 v13, $0.0e+00;
	v13 =	vadd.f32 $1.000000000e+00, v16  }
0x27e: {  	[tilespmem:s5+$0xC000] =	vst v0;
	v0 =	vmul.f32 v12, v3;
	v3 =	vmul.f32 v17, v1  }
0x27f: {  	[tilespmem:s5+$0xE000] =	vst v2;
	v2 =	vmul.f32 v12, v4;
	v4 =	vmax.f32 v13, $0.0e+00;
	v12 =	vadd.f32 $1.000000000e+00, v15  }
0x280: {  	[tilespmem:s5+$0xC080] =	vst v0;
	v0 =	vmul.f32 v4, v5;
	v5 =	vmul.f32 v18, v1  }
0x281: {  	[tilespmem:s5+$0xE080] =	vst v2;
	v2 =	vmul.f32 v4, v6;
	v4 =	vmax.f32 v12, $0.0e+00;
	v3 =	vadd.f32 $1.000000000e+00, v3  }
0x282: {  	[tilespmem:s5+$0xC100] =	vst v0;
	v0 =	vmul.f32 v4, v7  }
0x283: {  	[tilespmem:s5+$0xE100] =	vst v2;
	v2 =	vmul.f32 v4, v8;
	v3 =	vmax.f32 v3, $0.0e+00;
	v4 =	vadd.f32 $1.000000000e+00, v5  }
0x284: {  	[tilespmem:s5+$0xC180] =	vst v0;
	v0 =	vmul.f32 v3, v9  }
0x285: {  	s19 =	sand.u32 $0x3, s7;
	[tilespmem:s5+$0xE180] =	vst v2;
	v2 =	vmul.f32 v3, v10;
	v3 =	vmax.f32 v4, $0.0e+00  }
0x286: {  	s2 =	sshll.u32 s19, $0x5;
	[tilespmem:s5+$0xC200] =	vst v0;
	v0 =	vmul.f32 v3, v11  }
0x287: {  	s4 =	simm.s32 $0x20;
	s2 =	sadd.s32 $0x0, s2;
	[tilespmem:s5+$0xE200] =	vst v2;
	v2 =	vmul.f32 v3, v14  }
0x288: {  	s10 =	sand.u32 $0x60, s4;
	s22 =	sadd.s32 $0x10, s2;
	[tilespmem:s5+$0xC280] =	vst v0  }
0x289: {  	s8 =	sor.u32 s15, s16;
	s15 =	simm.s32 $0x100;
	s23 =	sor.u32 $0x300, s22;
	[tilespmem:s5+$0xE280] =	vst v2  }
0x28a: {  	s12 =	sor.u32 $0x10, s10;
	s13 =	sand.u32 $0x1C00, s15;
	v2 =	vld [tilespmem:s23+$0x2000]  }
0x28b: {  	s11 =	sor.u32 s12, s13;
	v6 =	vld [tilespmem:s23+$0x6000]  }
0x28c: {  	v29 =	vld [tilespmem:s11+$0x6000]  }
0x28d: {  	v30 =	vld [tilespmem:s11+$0x2080]  }
0x28e: {  	v31 =	vld [tilespmem:s11+$0x6080]  }
0x28f: {  	v32 =	vld [tilespmem:s11+$0x2100]  }
0x290: {  	v15 =	vld [tilespmem:s8+$0x2000];
	v0 =	vmul.f32 v2, v2;
	v3 =	vmul.f32 v6, v6  }
0x291: {  	v13 =	vld [tilespmem:s8+$0x6000]  }
0x292: {  	v33 =	vld [tilespmem:s11+$0x6100];
	v0 =	vadd.f32 v3, v0  }
0x293: {  	v35 =	vld [tilespmem:s11+$0x2280]  }
0x294: {  	s26 =	simm.s32 $0x10000;
	v12 =	vld [tilespmem:s8+$0x6080];
	v3 =	vshrl.u32 v0, $0x1  }
0x295: {  	v8 =	vld [tilespmem:s26+$0x0];
	v16 =	vmul.f32 v15, v15;
	v5 =	vsub.s32 $0x5EF759DF, v3  }
0x296: {  	v7 =	vld [tilespmem:s8+$0x6200];
	v17 =	vmul.f32 v13, v13;
	v0 =	vmul.f32 v5, v0  }
0x297: {  	v36 =	vmul.f32 v29, v29;
	v37 =	vmul.f32 v30, v30;
	v10 =	vld [tilespmem:s8+$0x2100]  }
0x298: {  	v40 =	vmul.f32 v31, v31;
	v16 =	vadd.f32 v17, v16;
	v14 =	vld [tilespmem:s8+$0x2080];
	v0 =	vmul.f32 v5, v0  }
0x299: {  	v41 =	vmul.f32 v32, v32;
	v42 =	vmul.f32 v33, v33;
	v9 =	vld [tilespmem:s8+$0x2180]  }
0x29a: {  	v47 =	vmul.f32 v35, v35;
	v11 =	vld [tilespmem:s8+$0x6100];
	v22 =	vshrl.u32 v16, $0x1;
	v0 =	vsub.f32 $1.500000000e+00, v0  }
0x29b: {  	v19 =	vmul.f32 v12, v12;
	v25 =	vmul.f32 v7, v7;
	v22 =	vsub.s32 $0x5EF759DF, v22;
	v3 =	vld [tilespmem:s8+$0x6180]  }
0x29c: {  	v4 =	vld [tilespmem:s8+$0x2200];
	v16 =	vmul.f32 v22, v16;
	v0 =	vmul.f32 v5, v0  }
0x29d: {  	v17 =	vmul.f32 v10, v10;
	v18 =	vmul.f32 v14, v14  }
0x29e: {  	v16 =	vmul.f32 v22, v16;
	v5 =	vld [tilespmem:s8+$0x2280];
	v20 =	vmul.f32 v0, v1  }
0x29f: {  	v18 =	vadd.f32 v19, v18;
	v19 =	vmul.f32 v11, v11;
	v0 =	vmul.f32 $1.414213540e+00, v8;
	v8 =	vld [tilespmem:s8+$0x6280]  }
0x2a0: {  	v38 =	vld [tilespmem:s11+$0x6280];
	v21 =	vmul.f32 v9, v9;
	v23 =	vmul.f32 v3, v3;
	v20 =	vadd.f32 $1.000000000e+00, v20  }
0x2a1: {  	v24 =	vmul.f32 v4, v4;
	v16 =	vsub.f32 $1.500000000e+00, v16;
	v19 =	vadd.f32 v19, v17  }
0x2a2: {  	v26 =	vshrl.u32 v18, $0x1;
	v21 =	vadd.f32 v23, v21;
	v20 =	vmax.f32 v20, $0.0e+00  }
0x2a3: {  	v23 =	vadd.f32 v25, v24;
	v17 =	vmul.f32 v5, v5;
	v2 =	vmul.f32 v20, v2  }
0x2a4: {  	v24 =	vsub.s32 $0x5EF759DF, v26;
	v6 =	vmul.f32 v20, v6;
	v20 =	vmul.f32 v8, v8  }
0x2a5: {  	v48 =	vmul.f32 v38, v38;
	v18 =	vmul.f32 v24, v18  }
0x2a6: {  	v16 =	vmul.f32 v22, v16;
	v25 =	vshrl.u32 v21, $0x1;
	[tilespmem:s23+$0xE000] =	vst v6;
	v6 =	vadd.f32 v20, v17  }
0x2a7: {  	v25 =	vsub.s32 $0x5EF759DF, v25;
	v18 =	vmul.f32 v24, v18;
	[tilespmem:s23+$0xC000] =	vst v2;
	v2 =	vshrl.u32 v19, $0x1  }
0x2a8: {  	v21 =	vmul.f32 v25, v21;
	v20 =	vsub.s32 $0x5EF759DF, v2;
	v27 =	vshrl.u32 v6, $0x1  }
0x2a9: {  	v22 =	vld [tilespmem:s11+$0x2180];
	v18 =	vsub.f32 $1.500000000e+00, v18;
	v19 =	vmul.f32 v20, v19;
	v27 =	vsub.s32 $0x5EF759DF, v27  }
0x2aa: {  	v21 =	vmul.f32 v25, v21;
	v6 =	vmul.f32 v27, v6  }
0x2ab: {  	v28 =	vld [tilespmem:s11+$0x2000];
	v18 =	vmul.f32 v24, v18;
	v17 =	vshrl.u32 v23, $0x1;
	v19 =	vmul.f32 v20, v19  }
0x2ac: {  	s17 =	sor.u32 $0x380, s22;
	v24 =	vld [tilespmem:s11+$0x2200];
	v21 =	vsub.f32 $1.500000000e+00, v21;
	v26 =	vsub.s32 $0x5EF759DF, v17;
	v6 =	vmul.f32 v27, v6  }
0x2ad: {  	v37 =	vadd.f32 v40, v37;
	v2 =	vld [tilespmem:s17+$0x2000];
	v23 =	vmul.f32 v26, v23;
	v19 =	vsub.f32 $1.500000000e+00, v19  }
0x2ae: {  	v43 =	vmul.f32 v22, v22;
	v17 =	vld [tilespmem:s17+$0x6000];
	v21 =	vmul.f32 v25, v21;
	v6 =	vsub.f32 $1.500000000e+00, v6  }
0x2af: {  	v52 =	vadd.f32 v42, v41;
	v23 =	vmul.f32 v26, v23;
	v19 =	vmul.f32 v20, v19;
	v20 =	vld [tilespmem:s11+$0x6180]  }
0x2b0: {  	s14 =	sand.u32 $0x380, s4;
	v57 =	vadd.f32 v48, v47;
	v25 =	vmul.f32 v27, v6;
	v27 =	vld [tilespmem:s11+$0x6200];
	v6 =	vmul.f32 v28, v28  }
0x2b1: {  	s1 =	sor.u32 s12, s14;
	v56 =	vshrl.u32 v37, $0x1;
	v16 =	vmul.f32 v16, v0;
	v18 =	vmul.f32 v18, v0  }
0x2b2: {  	v39 =	vld [tilespmem:s1+$0x10000];
	v45 =	vmul.f32 v24, v24;
	v23 =	vsub.f32 $1.500000000e+00, v23;
	v36 =	vadd.f32 v36, v6  }
0x2b3: {  	v58 =	vshrl.u32 v52, $0x1;
	v21 =	vmul.f32 v21, v0;
	v34 =	vmul.f32 v17, v17  }
0x2b4: {  	v23 =	vmul.f32 v26, v23;
	v44 =	vmul.f32 v20, v20;
	v55 =	vshrl.u32 v36, $0x1  }
0x2b5: {  	v26 =	vmul.f32 v2, v2;
	v46 =	vmul.f32 v27, v27;
	v42 =	vsub.s32 $0x5EF759DF, v55  }
0x2b6: {  	v53 =	vadd.f32 v44, v43;
	v43 =	vsub.s32 $0x5EF759DF, v56;
	v36 =	vmul.f32 v42, v36  }
0x2b7: {  	v6 =	vmul.f32 $1.414213540e+00, v39;
	v37 =	vmul.f32 v43, v37;
	v54 =	vadd.f32 v46, v45  }
0x2b8: {  	v59 =	vshrl.u32 v53, $0x1;
	v45 =	vsub.s32 $0x5EF759DF, v58;
	v36 =	vmul.f32 v42, v36  }
0x2b9: {  	v46 =	vsub.s32 $0x5EF759DF, v59;
	v40 =	vmul.f32 v45, v52;
	v37 =	vmul.f32 v43, v37  }
0x2ba: {  	v60 =	vshrl.u32 v54, $0x1;
	v39 =	vmul.f32 v46, v53;
	v36 =	vsub.f32 $1.500000000e+00, v36  }
0x2bb: {  	v47 =	vsub.s32 $0x5EF759DF, v60;
	v40 =	vmul.f32 v45, v40;
	v37 =	vsub.f32 $1.500000000e+00, v37  }
0x2bc: {  	v48 =	vshrl.u32 v57, $0x1;
	v41 =	vmul.f32 v47, v54;
	v36 =	vmul.f32 v42, v36  }
0x2bd: {  	v48 =	vsub.s32 $0x5EF759DF, v48;
	v39 =	vmul.f32 v46, v39;
	v37 =	vmul.f32 v43, v37  }
0x2be: {  	v40 =	vsub.f32 $1.500000000e+00, v40;
	v41 =	vmul.f32 v47, v41;
	v36 =	vmul.f32 v36, v6  }
0x2bf: {  	v44 =	vmul.f32 v48, v57;
	v39 =	vsub.f32 $1.500000000e+00, v39;
	v37 =	vmul.f32 v37, v6  }
0x2c0: {  	v40 =	vmul.f32 v45, v40;
	v41 =	vsub.f32 $1.500000000e+00, v41;
	v36 =	vadd.f32 $1.000000000e+00, v36  }
0x2c1: {  	v61 =	vmul.f32 v48, v44;
	v39 =	vmul.f32 v46, v39;
	v37 =	vadd.f32 $1.000000000e+00, v37  }
0x2c2: {  	v40 =	vmul.f32 v40, v6;
	v41 =	vmul.f32 v47, v41;
	v36 =	vmax.f32 v36, $0.0e+00  }
0x2c3: {  	v42 =	vsub.f32 $1.500000000e+00, v61;
	v39 =	vmul.f32 v39, v6;
	v28 =	vmul.f32 v36, v28  }
0x2c4: {  	v62 =	vmax.f32 v37, $0.0e+00;
	v63 =	vadd.f32 $1.000000000e+00, v40;
	v29 =	vmul.f32 v36, v29  }
0x2c5: {  	v42 =	vmul.f32 v48, v42;
	v40 =	vadd.f32 $1.000000000e+00, v39;
	[tilespmem:s11+$0xC000] =	vst v28;
	v28 =	vmul.f32 v62, v30  }
0x2c6: {  	v30 =	vmul.f32 v41, v6;
	[tilespmem:s11+$0xE000] =	vst v29;
	v29 =	vmul.f32 v62, v31;
	v31 =	vmax.f32 v63, $0.0e+00  }
0x2c7: {  	v18 =	vadd.f32 $1.000000000e+00, v18;
	v41 =	vmul.f32 v42, v6;
	[tilespmem:s11+$0xC080] =	vst v28;
	v28 =	vmul.f32 v31, v32  }
0x2c8: {  	[tilespmem:s11+$0xE080] =	vst v29;
	v29 =	vmul.f32 v31, v33;
	v31 =	vmax.f32 v40, $0.0e+00;
	v30 =	vadd.f32 $1.000000000e+00, v30  }
0x2c9: {  	v26 =	vadd.f32 v34, v26;
	v19 =	vmul.f32 v19, v0;
	v22 =	vmul.f32 v31, v22;
	[tilespmem:s11+$0xC100] =	vst v28  }
0x2ca: {  	v20 =	vmul.f32 v31, v20;
	[tilespmem:s11+$0xE100] =	vst v29;
	v28 =	vmax.f32 v30, $0.0e+00;
	v29 =	vadd.f32 $1.000000000e+00, v41  }
0x2cb: {  	s16 =	simm.s32 $0x1;
	v18 =	vmax.f32 v18, $0.0e+00;
	v19 =	vadd.f32 $1.000000000e+00, v19;
	[tilespmem:s11+$0xC180] =	vst v22;
	v22 =	vmul.f32 v28, v24  }
0x2cc: {  	s1 =	sand.u32 $0x3, s16;
	v24 =	vshrl.u32 v26, $0x1;
	[tilespmem:s11+$0xE180] =	vst v20;
	v20 =	vmul.f32 v28, v27;
	v27 =	vmax.f32 v29, $0.0e+00  }
0x2cd: {  	s1 =	sshll.u32 s1, $0x5;
	v24 =	vsub.s32 $0x5EF759DF, v24;
	v29 =	vmul.f32 v18, v14;
	[tilespmem:s11+$0xC200] =	vst v22;
	v22 =	vmul.f32 v27, v35  }
0x2ce: {  	s10 =	sor.u32 s10, s13;
	s1 =	sadd.s32 $0x100, s1;
	v14 =	vmax.f32 v19, $0.0e+00;
	v26 =	vmul.f32 v24, v26;
	[tilespmem:s11+$0xE200] =	vst v20;
	v20 =	vmul.f32 v27, v38  }
0x2cf: {  	s19 =	sadd.s32 $0x10, s1;
	v16 =	vadd.f32 $1.000000000e+00, v16;
	v19 =	vld [tilespmem:s10+$0x6000];
	v31 =	vmul.f32 v14, v10;
	v42 =	vmul.f32 v14, v11;
	[tilespmem:s11+$0xC280] =	vst v22  }
0x2d0: {  	s22 =	sor.u32 $0x300, s19;
	v14 =	vld [tilespmem:s10+$0x6180];
	v22 =	vmul.f32 v25, v0;
	v25 =	vmul.f32 v24, v26;
	[tilespmem:s11+$0xE280] =	vst v20  }
0x2d1: {  	v16 =	vmax.f32 v16, $0.0e+00;
	v26 =	vld [tilespmem:s22+$0x2000]  }
0x2d2: {  	v20 =	vadd.f32 $1.000000000e+00, v21;
	v21 =	vmul.f32 v16, v15;
	v27 =	vld [tilespmem:s22+$0x6000];
	v15 =	vsub.f32 $1.500000000e+00, v25  }
0x2d3: {  	v23 =	vmul.f32 v23, v0;
	v30 =	vmul.f32 v18, v12  }
0x2d4: {  	s26 =	simm.s32 $0x10020;
	v28 =	vmul.f32 v16, v13;
	v16 =	vld [tilespmem:s10+$0x6100];
	v10 =	vadd.f32 $1.000000000e+00, v22;
	v12 =	vmul.f32 v24, v15  }
0x2d5: {  	v13 =	vld [tilespmem:s26+$0x0];
	v44 =	vmul.f32 v19, v19;
	v51 =	vmul.f32 v14, v14;
	v15 =	vmax.f32 v20, $0.0e+00  }
0x2d6: {  	v23 =	vadd.f32 $1.000000000e+00, v23;
	v25 =	vld [tilespmem:s10+$0x2100];
	v22 =	vmul.f32 v15, v9;
	v1 =	vmul.f32 v12, v1  }
0x2d7: {  	v20 =	vld [tilespmem:s10+$0x2080];
	v10 =	vmax.f32 v10, $0.0e+00;
	v11 =	vmul.f32 v26, v26;
	v12 =	vmul.f32 v27, v27  }
0x2d8: {  	v24 =	vld [tilespmem:s10+$0x6080];
	v9 =	vmax.f32 v23, $0.0e+00;
	v3 =	vmul.f32 v15, v3;
	v5 =	vmul.f32 v10, v5  }
0x2d9: {  	v8 =	vmul.f32 v10, v8;
	v15 =	vld [tilespmem:s10+$0x2180];
	v49 =	vmul.f32 v16, v16;
	v11 =	vadd.f32 v12, v11  }
0x2da: {  	v23 =	vmul.f32 v9, v4;
	v7 =	vmul.f32 v9, v7  }
0x2db: {  	v18 =	vld [tilespmem:s10+$0x2000];
	[tilespmem:s8+$0xC000] =	vst v21;
	v21 =	vmul.f32 v25, v25;
	v4 =	vadd.f32 $1.000000000e+00, v1;
	v10 =	vshrl.u32 v11, $0x1  }
0x2dc: {  	v1 =	vmul.f32 $1.414213540e+00, v13;
	v12 =	vld [tilespmem:s10+$0x2200];
	v46 =	vmul.f32 v20, v20;
	v43 =	vsub.s32 $0x5EF759DF, v10  }
0x2dd: {  	v13 =	vld [tilespmem:s10+$0x6200];
	v47 =	vmul.f32 v24, v24;
	v45 =	vmul.f32 v43, v11  }
0x2de: {  	v21 =	vadd.f32 v49, v21;
	v9 =	vmax.f32 v4, $0.0e+00;
	v50 =	vmul.f32 v15, v15  }
0x2df: {  	[tilespmem:s8+$0xE000] =	vst v28;
	v4 =	vmul.f32 v9, v17;
	v48 =	vmul.f32 v43, v45  }
0x2e0: {  	[tilespmem:s8+$0xC180] =	vst v22;
	v17 =	vmul.f32 v18, v18;
	v28 =	vadd.f32 v47, v46;
	v22 =	vshrl.u32 v21, $0x1  }
0x2e1: {  	[tilespmem:s8+$0xE080] =	vst v30;
	v10 =	vld [tilespmem:s10+$0x2280];
	v54 =	vadd.f32 v51, v50;
	v22 =	vsub.s32 $0x5EF759DF, v22;
	v34 =	vsub.f32 $1.500000000e+00, v48  }
0x2e2: {  	[tilespmem:s8+$0xC080] =	vst v29;
	v11 =	vld [tilespmem:s10+$0x6280];
	v17 =	vadd.f32 v44, v17;
	v30 =	vmul.f32 v12, v12;
	v52 =	vmul.f32 v13, v13  }
0x2e3: {  	[tilespmem:s8+$0xC100] =	vst v31;
	v53 =	vshrl.u32 v28, $0x1;
	v21 =	vmul.f32 v22, v21;
	v33 =	vmul.f32 v43, v34  }
0x2e4: {  	[tilespmem:s8+$0xE180] =	vst v3;
	v56 =	vsub.s32 $0x5EF759DF, v53;
	v3 =	vshrl.u32 v54, $0x1;
	v29 =	vshrl.u32 v17, $0x1  }
0x2e5: {  	[tilespmem:s8+$0xC280] =	vst v5;
	v30 =	vadd.f32 v52, v30;
	v5 =	vmul.f32 v56, v28;
	v33 =	vmul.f32 v33, v6  }
0x2e6: {  	[tilespmem:s8+$0xE200] =	vst v7;
	v7 =	vsub.s32 $0x5EF759DF, v3;
	v21 =	vmul.f32 v22, v21;
	v31 =	vmul.f32 v10, v10  }
0x2e7: {  	v29 =	vsub.s32 $0x5EF759DF, v29;
	v55 =	vmul.f32 v11, v11;
	v33 =	vadd.f32 $1.000000000e+00, v33  }
0x2e8: {  	[tilespmem:s8+$0xC200] =	vst v23;
	v28 =	vmul.f32 v7, v54;
	v23 =	vshrl.u32 v30, $0x1;
	v17 =	vmul.f32 v29, v17  }
0x2e9: {  	v57 =	vsub.s32 $0x5EF759DF, v23;
	v31 =	vadd.f32 v55, v31;
	v23 =	vmax.f32 v33, $0.0e+00  }
0x2ea: {  	[tilespmem:s8+$0xE100] =	vst v42;
	v28 =	vmul.f32 v7, v28;
	v26 =	vmul.f32 v23, v26  }
0x2eb: {  	[tilespmem:s8+$0xE280] =	vst v8;
	s8 =	simm.s32 $0x40;
	v21 =	vsub.f32 $1.500000000e+00, v21;
	v8 =	vshrl.u32 v31, $0x1;
	v23 =	vmul.f32 v23, v27  }
0x2ec: {  	s9 =	simm.s32 $0x200;
	s23 =	sor.u32 $0x300, s2;
	s12 =	sand.u32 $0x60, s8;
	v17 =	vmul.f32 v29, v17;
	v28 =	vsub.f32 $1.500000000e+00, v28;
	v8 =	vsub.s32 $0x5EF759DF, v8;
	[tilespmem:s22+$0xC000] =	vst v26  }
0x2ed: {  	s13 =	sor.u32 $0x380, s19;
	s19 =	sand.u32 $0x1C00, s9;
	s16 =	sor.u32 $0x10, s12;
	v3 =	vld [tilespmem:s23+$0x2000];
	v30 =	vmul.f32 v57, v30;
	v27 =	vmul.f32 v8, v31;
	[tilespmem:s22+$0xE000] =	vst v23  }
0x2ee: {  	v21 =	vmul.f32 v22, v21;
	v7 =	vmul.f32 v7, v28;
	v31 =	vsub.f32 $1.500000000e+00, v17;
	s22 =	sor.u32 s16, s19;
	v17 =	vld [tilespmem:s13+$0x6000]  }
0x2ef: {  	v26 =	vmul.f32 v56, v5;
	v27 =	vmul.f32 v8, v27;
	v32 =	vld [tilespmem:s22+$0x6000]  }
0x2f0: {  	v30 =	vmul.f32 v57, v30;
	v21 =	vmul.f32 v21, v1;
	v28 =	vld [tilespmem:s22+$0x2080]  }
0x2f1: {  	v33 =	vmul.f32 v7, v1;
	v34 =	vld [tilespmem:s22+$0x6180];
	v26 =	vsub.f32 $1.500000000e+00, v26;
	v22 =	vsub.f32 $1.500000000e+00, v27  }
0x2f2: {  	v30 =	vsub.f32 $1.500000000e+00, v30;
	v23 =	vmul.f32 v3, v3;
	v29 =	vmul.f32 v29, v31;
	v37 =	vld [tilespmem:s22+$0x6200]  }
0x2f3: {  	v39 =	vld [tilespmem:s22+$0x2280];
	v26 =	vmul.f32 v56, v26;
	v8 =	vmul.f32 v8, v22  }
0x2f4: {  	s14 =	sand.u32 $0x380, s8;
	v42 =	vld [tilespmem:s22+$0x6280];
	v27 =	vmul.f32 v29, v1;
	v29 =	vmul.f32 v57, v30  }
0x2f5: {  	s5 =	sor.u32 s16, s14;
	v59 =	vadd.f32 $1.000000000e+00, v21;
	v30 =	vld [tilespmem:s22+$0x6080];
	v26 =	vmul.f32 v26, v1;
	v8 =	vmul.f32 v8, v1  }
0x2f6: {  	v62 =	vld [tilespmem:s5+$0x10000];
	v22 =	vadd.f32 $1.000000000e+00, v27;
	v38 =	vmul.f32 v17, v17;
	v60 =	vmul.f32 v32, v32  }
0x2f7: {  	v35 =	vmax.f32 v59, $0.0e+00;
	v5 =	vld [tilespmem:s13+$0x2000];
	v61 =	vmul.f32 v28, v28;
	v59 =	vmul.f32 v34, v34  }
0x2f8: {  	v36 =	vld [tilespmem:s22+$0x2180];
	v58 =	vmax.f32 v22, $0.0e+00;
	v50 =	vmul.f32 v37, v37;
	v51 =	vmul.f32 v39, v39  }
0x2f9: {  	v31 =	vld [tilespmem:s22+$0x2000];
	v52 =	vmul.f32 v42, v42;
	v22 =	vmul.f32 v58, v18  }
0x2fa: {  	v27 =	vld [tilespmem:s22+$0x2100];
	v21 =	vmul.f32 v58, v19;
	v63 =	vmul.f32 v30, v30;
	v7 =	vadd.f32 $1.000000000e+00, v26  }
0x2fb: {  	v18 =	vmul.f32 v35, v25;
	v26 =	vmul.f32 v29, v1;
	v29 =	vld [tilespmem:s22+$0x6100]  }
0x2fc: {  	v25 =	vmul.f32 v5, v5;
	v41 =	vadd.f32 v63, v61;
	v7 =	vmax.f32 v7, $0.0e+00  }
0x2fd: {  	v58 =	vmul.f32 v36, v36;
	v26 =	vadd.f32 $1.000000000e+00, v26;
	v20 =	vmul.f32 v7, v20  }
0x2fe: {  	v19 =	vmul.f32 v7, v24;
	v7 =	vmul.f32 v31, v31;
	v63 =	vshrl.u32 v41, $0x1  }
0x2ff: {  	v56 =	vmul.f32 v27, v27;
	v24 =	vld [tilespmem:s22+$0x2200];
	v47 =	vsub.s32 $0x5EF759DF, v63;
	v26 =	vmax.f32 v26, $0.0e+00  }
0x300: {  	v57 =	vmul.f32 v29, v29;
	v40 =	vadd.f32 v60, v7;
	v7 =	vmul.f32 $1.414213540e+00, v62  }
0x301: {  	v60 =	vadd.f32 v59, v58;
	v41 =	vmul.f32 v47, v41;
	v53 =	vmul.f32 v26, v12  }
0x302: {  	v54 =	vmul.f32 v26, v13;
	v44 =	vadd.f32 v57, v56;
	v62 =	vshrl.u32 v40, $0x1  }
0x303: {  	v56 =	vadd.f32 v52, v51;
	v58 =	vshrl.u32 v60, $0x1;
	v41 =	vmul.f32 v47, v41  }
0x304: {  	v49 =	vmul.f32 v24, v24;
	v46 =	vsub.s32 $0x5EF759DF, v62;
	v57 =	vshrl.u32 v44, $0x1  }
0x305: {  	v40 =	vmul.f32 v46, v40;
	v52 =	vshrl.u32 v56, $0x1;
	v41 =	vsub.f32 $1.500000000e+00, v41  }
0x306: {  	v61 =	vadd.f32 v50, v49;
	v49 =	vsub.s32 $0x5EF759DF, v57;
	v50 =	vsub.s32 $0x5EF759DF, v58  }
0x307: {  	s2 =	sor.u32 s12, s19;
	v52 =	vsub.s32 $0x5EF759DF, v52;
	v40 =	vmul.f32 v46, v40;
	v44 =	vmul.f32 v49, v44  }
0x308: {  	v26 =	vld [tilespmem:s2+$0x2100];
	v43 =	vmul.f32 v50, v60;
	v48 =	vmul.f32 v52, v56;
	v59 =	vshrl.u32 v61, $0x1  }
0x309: {  	v41 =	vmul.f32 v47, v41;
	v51 =	vsub.s32 $0x5EF759DF, v59;
	v44 =	vmul.f32 v49, v44  }
0x30a: {  	v40 =	vsub.f32 $1.500000000e+00, v40;
	v43 =	vmul.f32 v50, v43;
	v60 =	vmul.f32 v52, v48  }
0x30b: {  	v25 =	vadd.f32 v38, v25;
	v41 =	vmul.f32 v41, v7;
	v45 =	vmul.f32 v51, v61  }
0x30c: {  	v61 =	vadd.f32 $1.000000000e+00, v8;
	v40 =	vmul.f32 v46, v40;
	v44 =	vsub.f32 $1.500000000e+00, v44  }
0x30d: {  	[tilespmem:s10+$0xC000] =	vst v22;
	v22 =	vmul.f32 v26, v26;
	v43 =	vsub.f32 $1.500000000e+00, v43;
	v46 =	vsub.f32 $1.500000000e+00, v60  }
0x30e: {  	v41 =	vadd.f32 $1.000000000e+00, v41;
	v45 =	vmul.f32 v51, v45;
	v40 =	vmul.f32 v40, v7  }
0x30f: {  	v12 =	vmax.f32 v61, $0.0e+00;
	v44 =	vmul.f32 v49, v44;
	v43 =	vmul.f32 v50, v43  }
0x310: {  	v46 =	vmul.f32 v52, v46;
	v62 =	vmax.f32 v41, $0.0e+00;
	v55 =	vmul.f32 v12, v11  }
0x311: {  	v28 =	vmul.f32 v62, v28;
	v40 =	vadd.f32 $1.000000000e+00, v40;
	v44 =	vmul.f32 v44, v7  }
0x312: {  	[tilespmem:s10+$0xE000] =	vst v21;
	v45 =	vsub.f32 $1.500000000e+00, v45;
	v30 =	vmul.f32 v62, v30;
	v43 =	vmul.f32 v43, v7  }
0x313: {  	[tilespmem:s22+$0xC080] =	vst v28;
	v28 =	vmul.f32 v46, v7;
	v40 =	vmax.f32 v40, $0.0e+00;
	v63 =	vadd.f32 $1.000000000e+00, v44  }
0x314: {  	[tilespmem:s10+$0xE080] =	vst v19;
	v48 =	vshrl.u32 v25, $0x1;
	v45 =	vmul.f32 v51, v45;
	v31 =	vmul.f32 v40, v31  }
0x315: {  	v8 =	vld [tilespmem:s23+$0x6000];
	[tilespmem:s22+$0xE080] =	vst v30;
	v32 =	vmul.f32 v40, v32;
	v28 =	vadd.f32 $1.000000000e+00, v28;
	v44 =	vmax.f32 v63, $0.0e+00  }
0x316: {  	v50 =	vsub.s32 $0x5EF759DF, v48;
	[tilespmem:s22+$0xC000] =	vst v31;
	v31 =	vmul.f32 v45, v7;
	v27 =	vmul.f32 v44, v27  }
0x317: {  	v11 =	vld [tilespmem:s2+$0x6100];
	[tilespmem:s22+$0xE000] =	vst v32;
	v45 =	vadd.f32 $1.000000000e+00, v43;
	v29 =	vmul.f32 v44, v29;
	v28 =	vmax.f32 v28, $0.0e+00  }
0x318: {  	s26 =	simm.s32 $0x10040;
	v25 =	vmul.f32 v50, v25;
	v52 =	vmul.f32 v28, v39;
	[tilespmem:s22+$0xC100] =	vst v27  }
0x319: {  	v51 =	vld [tilespmem:s26+$0x0];
	v28 =	vmul.f32 v28, v42;
	v30 =	vmax.f32 v45, $0.0e+00;
	v31 =	vadd.f32 $1.000000000e+00, v31;
	[tilespmem:s22+$0xE100] =	vst v29  }
0x31a: {  	s12 =	simm.s32 $0x2;
	v33 =	vadd.f32 $1.000000000e+00, v33;
	v49 =	vmul.f32 v8, v8;
	v32 =	vld [tilespmem:s2+$0x6180];
	v27 =	vmul.f32 v30, v36;
	[tilespmem:s22+$0xC280] =	vst v52  }
0x31b: {  	s5 =	sand.u32 $0x3, s12;
	v25 =	vmul.f32 v50, v25;
	v29 =	vmul.f32 v30, v34;
	[tilespmem:s22+$0xE280] =	vst v28;
	v34 =	vld [tilespmem:s2+$0x6200];
	v30 =	vmax.f32 v31, $0.0e+00  }
0x31c: {  	s5 =	sshll.u32 s5, $0x5;
	v21 =	vmul.f32 v11, v11;
	v31 =	vmax.f32 v33, $0.0e+00;
	v33 =	vld [tilespmem:s2+$0x2200];
	[tilespmem:s22+$0xC180] =	vst v27;
	v24 =	vmul.f32 v30, v24  }
0x31d: {  	s16 =	sadd.s32 $0x200, s5;
	v27 =	vmul.f32 v35, v16;
	v16 =	vld [tilespmem:s2+$0x2000];
	[tilespmem:s22+$0xE180] =	vst v29;
	v29 =	vmul.f32 v30, v37;
	v30 =	vadd.f32 v49, v23  }
0x31e: {  	s5 =	sadd.s32 $0x10, s16;
	v10 =	vmul.f32 v12, v10;
	v19 =	vadd.f32 v21, v22;
	v23 =	vld [tilespmem:s2+$0x6000];
	v15 =	vmul.f32 v31, v15;
	[tilespmem:s22+$0xC200] =	vst v24  }
0x31f: {  	s14 =	sor.u32 $0x300, s5;
	v14 =	vmul.f32 v31, v14;
	v31 =	vsub.f32 $1.500000000e+00, v25;
	v25 =	vld [tilespmem:s2+$0x6080];
	[tilespmem:s22+$0xE200] =	vst v29;
	v29 =	vshrl.u32 v30, $0x1  }
0x320: {  	[tilespmem:s10+$0xC080] =	vst v20;
	v12 =	vmul.f32 v9, v2;
	v2 =	vmul.f32 $1.414213540e+00, v51;
	v13 =	vsub.s32 $0x5EF759DF, v29;
	v39 =	vld [tilespmem:s14+$0x6000]  }
0x321: {  	v20 =	vmul.f32 v32, v32;
	[tilespmem:s10+$0xC180] =	vst v15;
	v15 =	vshrl.u32 v19, $0x1;
	v28 =	vmul.f32 v13, v30;
	v30 =	vld [tilespmem:s14+$0x2000]  }
0x322: {  	v35 =	vld [tilespmem:s2+$0x2280];
	v29 =	vmul.f32 v50, v31;
	v21 =	vmul.f32 v34, v34;
	v15 =	vsub.s32 $0x5EF759DF, v15  }
0x323: {  	v48 =	vmul.f32 v33, v33;
	v19 =	vmul.f32 v15, v19  }
0x324: {  	v24 =	vld [tilespmem:s2+$0x2080];
	v6 =	vmul.f32 v29, v6;
	v9 =	vmul.f32 v16, v16  }
0x325: {  	v56 =	vmul.f32 v23, v23;
	v58 =	vmul.f32 v25, v25  }
0x326: {  	v60 =	vmul.f32 v39, v39;
	v59 =	vmul.f32 v30, v30  }
0x327: {  	[tilespmem:s10+$0xC100] =	vst v18;
	v18 =	vmul.f32 v35, v35;
	v28 =	vmul.f32 v13, v28;
	v21 =	vadd.f32 v21, v48  }
0x328: {  	v29 =	vld [tilespmem:s2+$0x2180];
	v19 =	vmul.f32 v15, v19;
	v6 =	vadd.f32 $1.000000000e+00, v6;
	v61 =	vadd.f32 v60, v59  }
0x329: {  	[tilespmem:s10+$0xC200] =	vst v53;
	v57 =	vmul.f32 v24, v24;
	v28 =	vsub.f32 $1.500000000e+00, v28;
	v53 =	vshrl.u32 v21, $0x1  }
0x32a: {  	v19 =	vsub.f32 $1.500000000e+00, v19;
	v6 =	vmax.f32 v6, $0.0e+00;
	v44 =	vshrl.u32 v61, $0x1  }
0x32b: {  	v37 =	vsub.s32 $0x5EF759DF, v53;
	v31 =	vmul.f32 v13, v28;
	v22 =	vsub.s32 $0x5EF759DF, v44  }
0x32c: {  	v13 =	vmul.f32 v6, v17;
	v17 =	vadd.f32 v56, v9;
	v40 =	vmul.f32 v22, v61  }
0x32d: {  	v9 =	vld [tilespmem:s2+$0x6280];
	v28 =	vadd.f32 v58, v57;
	v62 =	vmul.f32 v29, v29;
	v21 =	vmul.f32 v37, v21  }
0x32e: {  	v15 =	vmul.f32 v15, v19;
	v63 =	vshrl.u32 v17, $0x1;
	v40 =	vmul.f32 v22, v40  }
0x32f: {  	v49 =	vshrl.u32 v28, $0x1;
	v20 =	vadd.f32 v20, v62;
	v21 =	vmul.f32 v37, v21  }
0x330: {  	[tilespmem:s10+$0xE180] =	vst v14;
	v50 =	vsub.s32 $0x5EF759DF, v63;
	v14 =	vsub.s32 $0x5EF759DF, v49;
	v52 =	vsub.f32 $1.500000000e+00, v40  }
0x331: {  	v17 =	vmul.f32 v50, v17;
	v28 =	vmul.f32 v14, v28  }
0x332: {  	[tilespmem:s10+$0xE100] =	vst v27;
	v51 =	vshrl.u32 v20, $0x1;
	v27 =	vmul.f32 v9, v9;
	v22 =	vmul.f32 v22, v52  }
0x333: {  	v21 =	vsub.f32 $1.500000000e+00, v21;
	v17 =	vmul.f32 v50, v17;
	v28 =	vmul.f32 v14, v28  }
0x334: {  	v18 =	vadd.f32 v27, v18;
	v27 =	vsub.s32 $0x5EF759DF, v51;
	v22 =	vmul.f32 v22, v7  }
0x335: {  	v21 =	vmul.f32 v37, v21;
	v20 =	vmul.f32 v27, v20;
	v17 =	vsub.f32 $1.500000000e+00, v17  }
0x336: {  	[tilespmem:s10+$0xE200] =	vst v54;
	v28 =	vsub.f32 $1.500000000e+00, v28;
	v54 =	vshrl.u32 v18, $0x1;
	v22 =	vadd.f32 $1.000000000e+00, v22  }
0x337: {  	v36 =	vsub.s32 $0x5EF759DF, v54;
	v20 =	vmul.f32 v27, v20;
	v17 =	vmul.f32 v50, v17  }
0x338: {  	[tilespmem:s10+$0xE280] =	vst v55;
	v14 =	vmul.f32 v14, v28;
	v28 =	vmul.f32 v15, v2;
	v55 =	vmax.f32 v22, $0.0e+00  }
0x339: {  	s19 =	sor.u32 $0x300, s1;
	[tilespmem:s10+$0xC280] =	vst v10;
	v18 =	vmul.f32 v36, v18;
	v30 =	vmul.f32 v55, v30  }
0x33a: {  	v10 =	vld [tilespmem:s19+$0x2000];
	v21 =	vmul.f32 v21, v2;
	v20 =	vsub.f32 $1.500000000e+00, v20;
	v38 =	vmul.f32 v55, v39  }
0x33b: {  	s26 =	simm.s32 $0x60;
	v17 =	vmul.f32 v17, v2;
	v28 =	vadd.f32 $1.000000000e+00, v28;
	v18 =	vmul.f32 v36, v18;
	[tilespmem:s14+$0xC000] =	vst v30  }
0x33c: {  	s12 =	simm.s32 $0x300;
	s1 =	sor.u32 $0x380, s5;
	s10 =	sand.u32 $0x60, s26;
	v15 =	vld [tilespmem:s19+$0x6000];
	v20 =	vmul.f32 v27, v20;
	v27 =	vmul.f32 v14, v2;
	[tilespmem:s14+$0xE000] =	vst v38  }
0x33d: {  	s5 =	sand.u32 $0x1C00, s12;
	s11 =	sor.u32 $0x10, s10;
	v17 =	vadd.f32 $1.000000000e+00, v17;
	v57 =	vmax.f32 v28, $0.0e+00;
	v18 =	vsub.f32 $1.500000000e+00, v18;
	v14 =	vld [tilespmem:s1+$0x2000]  }
0x33e: {  	v26 =	vmul.f32 v57, v26;
	v20 =	vmul.f32 v20, v2;
	v27 =	vadd.f32 $1.000000000e+00, v27;
	s14 =	sor.u32 s11, s5;
	v19 =	vld [tilespmem:s1+$0x6000]  }
0x33f: {  	v17 =	vmax.f32 v17, $0.0e+00;
	v22 =	vmul.f32 v10, v10;
	v18 =	vmul.f32 v36, v18;
	v39 =	vld [tilespmem:s14+$0x6000]  }
0x340: {  	v21 =	vadd.f32 $1.000000000e+00, v21;
	v28 =	vmul.f32 v17, v23;
	v36 =	vmul.f32 v31, v0;
	v44 =	vld [tilespmem:s14+$0x6080]  }
0x341: {  	v56 =	vmax.f32 v27, $0.0e+00;
	v20 =	vadd.f32 $1.000000000e+00, v20;
	v18 =	vmul.f32 v18, v2;
	v41 =	vld [tilespmem:s14+$0x2100]  }
0x342: {  	v60 =	vmax.f32 v21, $0.0e+00;
	v27 =	vmul.f32 v56, v24;
	v25 =	vmul.f32 v56, v25;
	v43 =	vld [tilespmem:s14+$0x6180]  }
0x343: {  	v24 =	vmul.f32 v57, v11;
	v58 =	vmax.f32 v20, $0.0e+00;
	v30 =	vmul.f32 v17, v16;
	v45 =	vld [tilespmem:s14+$0x6200]  }
0x344: {  	v17 =	vmul.f32 v60, v34;
	v23 =	vmul.f32 v58, v29;
	v46 =	vld [tilespmem:s14+$0x2280]  }
0x345: {  	v42 =	vld [tilespmem:s14+$0x2080];
	v21 =	vmul.f32 v58, v32;
	v29 =	vmul.f32 v15, v15  }
0x346: {  	v38 =	vld [tilespmem:s14+$0x6100];
	v20 =	vmul.f32 v14, v14;
	v59 =	vmul.f32 v19, v19  }
0x347: {  	v47 =	vld [tilespmem:s14+$0x6280];
	v31 =	vmul.f32 v39, v39;
	v62 =	vmul.f32 v44, v44  }
0x348: {  	v18 =	vadd.f32 $1.000000000e+00, v18;
	v63 =	vmul.f32 v41, v41;
	v53 =	vmul.f32 v43, v43  }
0x349: {  	v55 =	vmul.f32 v45, v45;
	v56 =	vmul.f32 v46, v46  }
0x34a: {  	v40 =	vld [tilespmem:s14+$0x2180];
	v61 =	vadd.f32 v59, v20;
	v20 =	vmax.f32 v18, $0.0e+00;
	v18 =	vmul.f32 v60, v33  }
0x34b: {  	s22 =	sand.u32 $0x380, s26;
	v36 =	vadd.f32 $1.000000000e+00, v36;
	v37 =	vld [tilespmem:s14+$0x2000];
	v33 =	vmul.f32 v42, v42;
	v60 =	vmul.f32 v38, v38  }
0x34c: {  	s11 =	sor.u32 s11, s22;
	v57 =	vmul.f32 v47, v47;
	v16 =	vmul.f32 v20, v35;
	v35 =	vld [tilespmem:s14+$0x2200];
	v11 =	vshrl.u32 v61, $0x1  }
0x34d: {  	v48 =	vld [tilespmem:s11+$0x10000];
	v33 =	vadd.f32 v62, v33;
	v49 =	vadd.f32 v60, v63;
	v34 =	vsub.s32 $0x5EF759DF, v11  }
0x34e: {  	v9 =	vmul.f32 v20, v9;
	v63 =	vadd.f32 v57, v56;
	v11 =	vmul.f32 v34, v61  }
0x34f: {  	v61 =	vmul.f32 v40, v40;
	v52 =	vshrl.u32 v33, $0x1;
	v60 =	vshrl.u32 v49, $0x1  }
0x350: {  	v57 =	vshrl.u32 v63, $0x1;
	v32 =	vmul.f32 v34, v11;
	v11 =	vmul.f32 v37, v37  }
0x351: {  	v52 =	vsub.s32 $0x5EF759DF, v52;
	v57 =	vsub.s32 $0x5EF759DF, v57;
	v54 =	vmul.f32 v35, v35  }
0x352: {  	v33 =	vmul.f32 v52, v33;
	v31 =	vadd.f32 v31, v11;
	v11 =	vmul.f32 $1.414213540e+00, v48  }
0x353: {  	v48 =	vadd.f32 v53, v61;
	v50 =	vadd.f32 v55, v54;
	v54 =	vsub.s32 $0x5EF759DF, v60  }
0x354: {  	v33 =	vmul.f32 v52, v33;
	v53 =	vmul.f32 v57, v63;
	v62 =	vshrl.u32 v31, $0x1  }
0x355: {  	v49 =	vmul.f32 v54, v49;
	v61 =	vshrl.u32 v48, $0x1;
	v51 =	vsub.s32 $0x5EF759DF, v62  }
0x356: {  	v33 =	vsub.f32 $1.500000000e+00, v33;
	v63 =	vmul.f32 v57, v53;
	v31 =	vmul.f32 v51, v31  }
0x357: {  	v62 =	vshrl.u32 v50, $0x1;
	v55 =	vsub.s32 $0x5EF759DF, v61;
	v49 =	vmul.f32 v54, v49  }
0x358: {  	v56 =	vsub.s32 $0x5EF759DF, v62;
	v48 =	vmul.f32 v55, v48;
	v31 =	vmul.f32 v51, v31  }
0x359: {  	v22 =	vadd.f32 v29, v22;
	v33 =	vmul.f32 v52, v33;
	v50 =	vmul.f32 v56, v50  }
0x35a: {  	v49 =	vsub.f32 $1.500000000e+00, v49;
	v48 =	vmul.f32 v55, v48;
	v31 =	vsub.f32 $1.500000000e+00, v31  }
0x35b: {  	v58 =	vshrl.u32 v22, $0x1;
	v33 =	vmul.f32 v33, v11;
	v50 =	vmul.f32 v56, v50  }
0x35c: {  	v61 =	vsub.s32 $0x5EF759DF, v58;
	v49 =	vmul.f32 v54, v49;
	v31 =	vmul.f32 v51, v31  }
0x35d: {  	v22 =	vmul.f32 v61, v22;
	v48 =	vsub.f32 $1.500000000e+00, v48;
	v33 =	vadd.f32 $1.000000000e+00, v33  }
0x35e: {  	v50 =	vsub.f32 $1.500000000e+00, v50;
	v49 =	vmul.f32 v49, v11;
	v31 =	vmul.f32 v31, v11  }
0x35f: {  	v51 =	vsub.f32 $1.500000000e+00, v63;
	v48 =	vmul.f32 v55, v48;
	v33 =	vmax.f32 v33, $0.0e+00  }
0x360: {  	v50 =	vmul.f32 v56, v50;
	v42 =	vmul.f32 v33, v42;
	v31 =	vadd.f32 $1.000000000e+00, v31  }
0x361: {  	s22 =	simm.s32 $0x10060;
	v20 =	vmax.f32 v36, $0.0e+00;
	v33 =	vmul.f32 v33, v44;
	v51 =	vmul.f32 v57, v51  }
0x362: {  	s10 =	sor.u32 s10, s5;
	v60 =	vld [tilespmem:s22+$0x0];
	v57 =	vadd.f32 $1.000000000e+00, v49;
	v59 =	vmul.f32 v50, v11;
	v31 =	vmax.f32 v31, $0.0e+00  }
0x363: {  	v52 =	vsub.f32 $1.500000000e+00, v32;
	v32 =	vld [tilespmem:s10+$0x2080];
	[tilespmem:s14+$0xC080] =	vst v42;
	v62 =	vmul.f32 v51, v11;
	v29 =	vmul.f32 v31, v37  }
0x364: {  	[tilespmem:s14+$0xE080] =	vst v33;
	v33 =	vld [tilespmem:s10+$0x6080];
	v63 =	vadd.f32 $1.000000000e+00, v59;
	v31 =	vmul.f32 v31, v39;
	v39 =	vmax.f32 v57, $0.0e+00  }
0x365: {  	v56 =	vmul.f32 v48, v11;
	v42 =	vadd.f32 $1.000000000e+00, v62;
	v62 =	vld [tilespmem:s10+$0x6280];
	v41 =	vmul.f32 v39, v41;
	[tilespmem:s14+$0xC000] =	vst v29  }
0x366: {  	v34 =	vmul.f32 v34, v52;
	v54 =	vmax.f32 v63, $0.0e+00;
	v38 =	vmul.f32 v39, v38;
	v39 =	vld [tilespmem:s10+$0x6100];
	[tilespmem:s14+$0xE000] =	vst v31  }
0x367: {  	v22 =	vmul.f32 v61, v22;
	v37 =	vadd.f32 $1.000000000e+00, v56;
	v35 =	vmul.f32 v54, v35;
	v29 =	vld [tilespmem:s10+$0x2000];
	[tilespmem:s14+$0xC100] =	vst v41  }
0x368: {  	v7 =	vmul.f32 v34, v7;
	v55 =	vmul.f32 v54, v45;
	v42 =	vmax.f32 v42, $0.0e+00;
	v31 =	vld [tilespmem:s10+$0x6000];
	[tilespmem:s14+$0xE100] =	vst v38  }
0x369: {  	s11 =	simm.s32 $0x3;
	v37 =	vmax.f32 v37, $0.0e+00;
	v56 =	vmul.f32 v42, v46;
	v57 =	vmul.f32 v42, v47;
	v42 =	vld [tilespmem:s10+$0x2200];
	[tilespmem:s14+$0xC200] =	vst v35  }
0x36a: {  	s5 =	sand.u32 $0x3, s11;
	v7 =	vadd.f32 $1.000000000e+00, v7;
	v40 =	vmul.f32 v37, v40;
	v53 =	vmul.f32 v37, v43;
	v37 =	vld [tilespmem:s10+$0x2100];
	[tilespmem:s14+$0xE200] =	vst v55  }
0x36b: {  	s5 =	sshll.u32 s5, $0x5;
	v36 =	vmul.f32 v20, v3;
	v41 =	vld [tilespmem:s10+$0x6180];
	[tilespmem:s14+$0xC280] =	vst v56  }
0x36c: {  	s11 =	sadd.s32 $0x300, s5;
	v8 =	vmul.f32 v20, v8;
	v58 =	vsub.f32 $1.500000000e+00, v22;
	v43 =	vld [tilespmem:s10+$0x6200];
	v38 =	vmax.f32 v7, $0.0e+00;
	[tilespmem:s14+$0xE280] =	vst v57  }
0x36d: {  	s5 =	sadd.s32 $0x10, s11;
	v3 =	vmul.f32 $1.414213540e+00, v60;
	v20 =	vmul.f32 v38, v19;
	v19 =	vld [tilespmem:s10+$0x2280];
	[tilespmem:s14+$0xC180] =	vst v40  }
0x36e: {  	s22 =	sor.u32 $0x300, s5;
	v22 =	vmul.f32 v6, v5;
	v44 =	vmul.f32 v61, v58;
	[tilespmem:s14+$0xE180] =	vst v53;
	v40 =	vld [tilespmem:s10+$0x2180]  }
0x36f: {  	v59 =	vmul.f32 v32, v32;
	v60 =	vmul.f32 v33, v33;
	v5 =	vld [tilespmem:s22+$0x2000]  }
0x370: {  	[tilespmem:s2+$0xE100] =	vst v24;
	v24 =	vmul.f32 v62, v62;
	v34 =	vld [tilespmem:s22+$0x6000];
	v6 =	vmul.f32 v29, v29  }
0x371: {  	v7 =	vmul.f32 v31, v31;
	v52 =	vmul.f32 v42, v42  }
0x372: {  	[tilespmem:s2+$0xE000] =	vst v28;
	v28 =	vadd.f32 v60, v59;
	v61 =	vmul.f32 v37, v37;
	v63 =	vmul.f32 v41, v41  }
0x373: {  	[tilespmem:s2+$0xE080] =	vst v25;
	v25 =	vmul.f32 v43, v43;
	v6 =	vadd.f32 v7, v6;
	v7 =	vmul.f32 v39, v39  }
0x374: {  	[tilespmem:s2+$0xC000] =	vst v30;
	v55 =	vmul.f32 v19, v19;
	v30 =	vmul.f32 v40, v40  }
0x375: {  	[tilespmem:s2+$0xC100] =	vst v26;
	v26 =	vshrl.u32 v28, $0x1;
	v53 =	vmul.f32 v5, v5;
	v54 =	vmul.f32 v34, v34  }
0x376: {  	[tilespmem:s2+$0xC180] =	vst v23;
	v23 =	vadd.f32 v25, v52;
	v25 =	vsub.s32 $0x5EF759DF, v26;
	v7 =	vadd.f32 v7, v61  }
0x377: {  	[tilespmem:s2+$0xC080] =	vst v27;
	v27 =	vshrl.u32 v6, $0x1;
	v24 =	vadd.f32 v24, v55;
	v56 =	vadd.f32 v54, v53  }
0x378: {  	v28 =	vmul.f32 v25, v28;
	v30 =	vadd.f32 v63, v30;
	v27 =	vsub.s32 $0x5EF759DF, v27  }
0x379: {  	[tilespmem:s2+$0xE200] =	vst v17;
	v46 =	vshrl.u32 v23, $0x1;
	v57 =	vshrl.u32 v7, $0x1;
	v26 =	vshrl.u32 v56, $0x1  }
0x37a: {  	[tilespmem:s2+$0xC280] =	vst v16;
	v6 =	vmul.f32 v27, v6;
	v16 =	vshrl.u32 v24, $0x1;
	v26 =	vsub.s32 $0x5EF759DF, v26  }
0x37b: {  	[tilespmem:s2+$0xE180] =	vst v21;
	v28 =	vmul.f32 v25, v28;
	v21 =	vshrl.u32 v30, $0x1;
	v35 =	vmul.f32 v26, v56  }
0x37c: {  	[tilespmem:s2+$0xC200] =	vst v18;
	v18 =	vsub.s32 $0x5EF759DF, v57;
	v16 =	vsub.s32 $0x5EF759DF, v16;
	v17 =	vsub.s32 $0x5EF759DF, v21  }
0x37d: {  	[tilespmem:s2+$0xE280] =	vst v9;
	v21 =	vsub.s32 $0x5EF759DF, v46;
	v9 =	vmul.f32 v18, v7;
	v35 =	vmul.f32 v26, v35  }
0x37e: {  	v6 =	vmul.f32 v27, v6;
	v24 =	vmul.f32 v16, v24;
	v28 =	vsub.f32 $1.500000000e+00, v28  }
0x37f: {  	v30 =	vmul.f32 v17, v30;
	v23 =	vmul.f32 v21, v23;
	v35 =	vsub.f32 $1.500000000e+00, v35  }
0x380: {  	v9 =	vmul.f32 v18, v9;
	v24 =	vmul.f32 v16, v24  }
0x381: {  	v6 =	vsub.f32 $1.500000000e+00, v6;
	v25 =	vmul.f32 v25, v28;
	v26 =	vmul.f32 v26, v35  }
0x382: {  	v30 =	vmul.f32 v17, v30;
	v23 =	vmul.f32 v21, v23;
	v9 =	vsub.f32 $1.500000000e+00, v9  }
0x383: {  	v6 =	vmul.f32 v27, v6;
	v24 =	vsub.f32 $1.500000000e+00, v24;
	v26 =	vmul.f32 v26, v11  }
0x384: {  	s16 =	sor.u32 $0x300, s16;
	[tilespmem:s23+$0xE000] =	vst v8;
	v8 =	vmul.f32 v25, v3;
	v30 =	vsub.f32 $1.500000000e+00, v30;
	v23 =	vsub.f32 $1.500000000e+00, v23  }
0x385: {  	v7 =	vld [tilespmem:s16+$0x2000];
	v18 =	vmul.f32 v18, v9;
	v16 =	vmul.f32 v16, v24;
	v26 =	vadd.f32 $1.000000000e+00, v26  }
0x386: {  	v6 =	vmul.f32 v6, v3;
	v17 =	vmul.f32 v17, v30  }
0x387: {  	v9 =	vld [tilespmem:s16+$0x6000];
	v21 =	vmul.f32 v21, v23;
	v16 =	vmul.f32 v16, v3;
	v23 =	vmax.f32 v26, $0.0e+00  }
0x388: {  	s7 =	sor.u32 s7, s6;
	v17 =	vmul.f32 v17, v3;
	v26 =	vmul.f32 v23, v5  }
0x389: {  	s6 =	sor.u32 $0x380, s7;
	[tilespmem:s23+$0xC000] =	vst v36;
	v18 =	vmul.f32 v18, v3;
	v24 =	vadd.f32 $1.000000000e+00, v6;
	v23 =	vmul.f32 v23, v34  }
0x38a: {  	s28 =	simm.s32 $0x80;
	v58 =	vmul.f32 v7, v7;
	v6 =	vld [tilespmem:s6+$0x6000];
	v16 =	vadd.f32 $1.000000000e+00, v16;
	v17 =	vadd.f32 $1.000000000e+00, v17;
	[tilespmem:s22+$0xC000] =	vst v26  }
0x38b: {  	s29 =	simm.s32 $0x400;
	s7 =	sor.u32 $0x380, s5;
	s2 =	sand.u32 $0x60, s28;
	v25 =	vadd.f32 $1.000000000e+00, v8;
	v21 =	vmul.f32 v21, v3;
	v18 =	vadd.f32 $1.000000000e+00, v18;
	v5 =	vld [tilespmem:s6+$0x2000];
	[tilespmem:s22+$0xE000] =	vst v23  }
0x38c: {  	s5 =	sor.u32 $0x10, s2;
	v59 =	vmul.f32 v9, v9;
	v16 =	vmax.f32 v16, $0.0e+00;
	v17 =	vmax.f32 v17, $0.0e+00;
	s22 =	sand.u32 $0x1C00, s29;
	v8 =	vld [tilespmem:s7+$0x2000]  }
0x38d: {  	v23 =	vmax.f32 v24, $0.0e+00;
	v24 =	vmax.f32 v25, $0.0e+00;
	v25 =	vadd.f32 $1.000000000e+00, v21;
	v21 =	vld [tilespmem:s7+$0x6000];
	s14 =	sor.u32 s5, s22  }
0x38e: {  	v30 =	vmul.f32 v17, v40;
	v26 =	vmul.f32 v16, v19;
	v47 =	vld [tilespmem:s14+$0x2000]  }
0x38f: {  	v18 =	vmax.f32 v18, $0.0e+00;
	v36 =	vmul.f32 v23, v29;
	v35 =	vmul.f32 v23, v31;
	v48 =	vld [tilespmem:s14+$0x6000]  }
0x390: {  	v34 =	vmul.f32 v24, v32;
	v32 =	vmul.f32 v18, v37;
	v37 =	vld [tilespmem:s14+$0x2080]  }
0x391: {  	v33 =	vmul.f32 v24, v33;
	v31 =	vmul.f32 v18, v39;
	v39 =	vld [tilespmem:s14+$0x6080]  }
0x392: {  	v29 =	vmul.f32 v17, v41;
	v17 =	vmul.f32 v16, v62;
	v18 =	vmax.f32 v25, $0.0e+00;
	v41 =	vld [tilespmem:s14+$0x2100]  }
0x393: {  	v23 =	vmul.f32 v38, v14;
	v19 =	vld [tilespmem:s14+$0x6100];
	v28 =	vmul.f32 v18, v42  }
0x394: {  	v45 =	vld [tilespmem:s14+$0x6180];
	v27 =	vmul.f32 v18, v43;
	v18 =	vmul.f32 v44, v1  }
0x395: {  	v51 =	vld [tilespmem:s14+$0x2200];
	v43 =	vmul.f32 v5, v5;
	v44 =	vmul.f32 v6, v6  }
0x396: {  	v42 =	vld [tilespmem:s14+$0x2180];
	v16 =	vadd.f32 $1.000000000e+00, v18;
	v49 =	vmul.f32 v8, v8;
	v50 =	vmul.f32 v21, v21  }
0x397: {  	v18 =	vld [tilespmem:s14+$0x6200];
	v60 =	vmul.f32 v47, v47;
	v61 =	vmul.f32 v48, v48  }
0x398: {  	v16 =	vmax.f32 v16, $0.0e+00;
	v40 =	vmul.f32 v39, v39;
	v46 =	vmul.f32 v41, v41  }
0x399: {  	v38 =	vadd.f32 v59, v58;
	v52 =	vmul.f32 v19, v19;
	v25 =	vmul.f32 v16, v10  }
0x39a: {  	v43 =	vadd.f32 v44, v43;
	v24 =	vmul.f32 v16, v15;
	v16 =	vld [tilespmem:s14+$0x2280];
	v10 =	vmul.f32 v37, v37  }
0x39b: {  	v63 =	vmul.f32 v45, v45;
	v15 =	vld [tilespmem:s14+$0x6280];
	v53 =	vmul.f32 v42, v42;
	v14 =	vadd.f32 v61, v60  }
0x39c: {  	v56 =	vmul.f32 v51, v51;
	v60 =	vmul.f32 v18, v18;
	v10 =	vadd.f32 v40, v10  }
0x39d: {  	v46 =	vadd.f32 v52, v46;
	v63 =	vadd.f32 v63, v53;
	v62 =	vshrl.u32 v14, $0x1  }
0x39e: {  	v54 =	vsub.s32 $0x5EF759DF, v62;
	v44 =	vadd.f32 v60, v56;
	v59 =	vshrl.u32 v10, $0x1  }
0x39f: {  	v60 =	vshrl.u32 v46, $0x1;
	v14 =	vmul.f32 v54, v14;
	v61 =	vmul.f32 v16, v16  }
0x3a0: {  	v62 =	vmul.f32 v15, v15;
	v53 =	vsub.s32 $0x5EF759DF, v59;
	v55 =	vsub.s32 $0x5EF759DF, v60  }
0x3a1: {  	v10 =	vmul.f32 v53, v10;
	v46 =	vmul.f32 v55, v46  }
0x3a2: {  	v14 =	vmul.f32 v54, v14;
	v40 =	vadd.f32 v62, v61;
	v61 =	vshrl.u32 v63, $0x1  }
0x3a3: {  	v62 =	vshrl.u32 v44, $0x1;
	v56 =	vsub.s32 $0x5EF759DF, v61;
	v10 =	vmul.f32 v53, v10  }
0x3a4: {  	s23 =	sand.u32 $0x380, s28;
	v57 =	vsub.s32 $0x5EF759DF, v62;
	v46 =	vmul.f32 v55, v46;
	v14 =	vsub.f32 $1.500000000e+00, v14  }
0x3a5: {  	s5 =	sor.u32 s5, s23;
	v49 =	vadd.f32 v50, v49;
	v52 =	vmul.f32 v56, v63;
	v44 =	vmul.f32 v57, v44  }
0x3a6: {  	v63 =	vld [tilespmem:s5+$0x10000];
	v10 =	vsub.f32 $1.500000000e+00, v10;
	v46 =	vsub.f32 $1.500000000e+00, v46;
	v54 =	vmul.f32 v54, v14  }
0x3a7: {  	v14 =	vshrl.u32 v40, $0x1;
	v52 =	vmul.f32 v56, v52;
	v44 =	vmul.f32 v57, v44  }
0x3a8: {  	v14 =	vsub.s32 $0x5EF759DF, v14;
	v53 =	vmul.f32 v53, v10;
	v10 =	vshrl.u32 v38, $0x1  }
0x3a9: {  	v55 =	vmul.f32 v55, v46;
	v40 =	vmul.f32 v14, v40;
	v58 =	vsub.s32 $0x5EF759DF, v10  }
0x3aa: {  	v52 =	vsub.f32 $1.500000000e+00, v52;
	v44 =	vsub.f32 $1.500000000e+00, v44;
	v38 =	vmul.f32 v58, v38  }
0x3ab: {  	v61 =	vshrl.u32 v49, $0x1;
	v10 =	vmul.f32 $1.414213540e+00, v63;
	v40 =	vmul.f32 v14, v40  }
0x3ac: {  	v52 =	vmul.f32 v56, v52;
	v44 =	vmul.f32 v57, v44;
	v56 =	vsub.s32 $0x5EF759DF, v61  }
0x3ad: {  	v60 =	vshrl.u32 v43, $0x1;
	v62 =	vmul.f32 v54, v10;
	v49 =	vmul.f32 v56, v49  }
0x3ae: {  	v54 =	vmul.f32 v58, v38;
	v57 =	vmul.f32 v53, v10;
	v40 =	vsub.f32 $1.500000000e+00, v40  }
0x3af: {  	v52 =	vmul.f32 v52, v10;
	v44 =	vmul.f32 v44, v10;
	v63 =	vadd.f32 $1.000000000e+00, v62  }
0x3b0: {  	v59 =	vmul.f32 v56, v49;
	v50 =	vmul.f32 v14, v40;
	v14 =	vsub.s32 $0x5EF759DF, v60  }
0x3b1: {  	v40 =	vadd.f32 $1.000000000e+00, v57;
	v60 =	vmul.f32 v55, v10;
	v38 =	vmax.f32 v63, $0.0e+00  }
0x3b2: {  	s23 =	simm.s32 $0x10080;
	v52 =	vadd.f32 $1.000000000e+00, v52;
	v44 =	vadd.f32 $1.000000000e+00, v44;
	v47 =	vmul.f32 v38, v47  }
0x3b3: {  	[tilespmem:s10+$0xC180] =	vst v30;
	s30 =	sor.u32 s2, s22;
	v53 =	vld [tilespmem:s23+$0x0];
	v43 =	vmul.f32 v14, v43;
	v48 =	vmul.f32 v38, v48;
	v40 =	vmax.f32 v40, $0.0e+00  }
0x3b4: {  	v49 =	vadd.f32 $1.000000000e+00, v60;
	v38 =	vld [tilespmem:s30+$0x2000];
	v63 =	vmul.f32 v50, v10;
	v61 =	vmul.f32 v40, v37;
	[tilespmem:s14+$0xC000] =	vst v47  }
0x3b5: {  	v55 =	vmax.f32 v52, $0.0e+00;
	v46 =	vmul.f32 v14, v43;
	v37 =	vld [tilespmem:s30+$0x6000];
	v62 =	vmul.f32 v40, v39;
	[tilespmem:s14+$0xE000] =	vst v48  }
0x3b6: {  	v43 =	vsub.f32 $1.500000000e+00, v59;
	v40 =	vld [tilespmem:s30+$0x2080];
	v42 =	vmul.f32 v55, v42;
	v49 =	vmax.f32 v49, $0.0e+00;
	[tilespmem:s14+$0xC080] =	vst v61  }
0x3b7: {  	v39 =	vld [tilespmem:s30+$0x6080];
	v59 =	vmax.f32 v44, $0.0e+00;
	[tilespmem:s14+$0xE080] =	vst v62;
	v19 =	vmul.f32 v49, v19  }
0x3b8: {  	v44 =	vld [tilespmem:s30+$0x2180];
	v47 =	vadd.f32 $1.000000000e+00, v63;
	v41 =	vmul.f32 v49, v41;
	v57 =	vmul.f32 v56, v43;
	[tilespmem:s14+$0xC180] =	vst v42  }
0x3b9: {  	v43 =	vld [tilespmem:s30+$0x2100];
	v61 =	vmul.f32 v59, v51;
	[tilespmem:s14+$0xE100] =	vst v19;
	v19 =	vmul.f32 v55, v45  }
0x3ba: {  	s2 =	simm.s32 $0x4;
	v42 =	vld [tilespmem:s30+$0x6180];
	v47 =	vmax.f32 v47, $0.0e+00;
	[tilespmem:s14+$0xC100] =	vst v41;
	v60 =	vmul.f32 v57, v11;
	v11 =	vmul.f32 $1.414213540e+00, v53  }
0x3bb: {  	s22 =	sand.u32 $0x3, s2;
	v41 =	vld [tilespmem:s30+$0x6100];
	v62 =	vmul.f32 v38, v38;
	[tilespmem:s14+$0xC200] =	vst v61;
	v16 =	vmul.f32 v47, v16  }
0x3bc: {  	s5 =	sshll.u32 s22, $0x5;
	v63 =	vsub.f32 $1.500000000e+00, v54;
	v45 =	vld [tilespmem:s30+$0x2200];
	v47 =	vmul.f32 v47, v15;
	v56 =	vmul.f32 v37, v37;
	[tilespmem:s14+$0xE180] =	vst v19  }
0x3bd: {  	s22 =	sadd.s32 $0x400, s5;
	v57 =	vmul.f32 v40, v40;
	v19 =	vmul.f32 v59, v18;
	v48 =	vadd.f32 $1.000000000e+00, v60;
	[tilespmem:s14+$0xC280] =	vst v16  }
0x3be: {  	s5 =	sadd.s32 $0x10, s22;
	v18 =	vld [tilespmem:s30+$0x6200];
	v59 =	vmul.f32 v39, v39;
	v16 =	vmul.f32 v58, v63;
	[tilespmem:s14+$0xE280] =	vst v47;
	v50 =	vadd.f32 v56, v62  }
0x3bf: {  	v60 =	vmul.f32 v43, v43;
	v62 =	vmul.f32 v44, v44;
	[tilespmem:s14+$0xE200] =	vst v19;
	v15 =	vmax.f32 v48, $0.0e+00;
	v19 =	vld [tilespmem:s30+$0x2280];
	s14 =	sor.u32 $0x300, s5  }
0x3c0: {  	[tilespmem:s10+$0xC280] =	vst v26;
	v47 =	vadd.f32 v59, v57;
	v57 =	vmul.f32 v42, v42;
	v61 =	vmul.f32 v41, v41;
	v51 =	vld [tilespmem:s14+$0x2000]  }
0x3c1: {  	[tilespmem:s10+$0xC000] =	vst v36;
	v49 =	vmul.f32 v15, v21;
	v63 =	vshrl.u32 v50, $0x1;
	v54 =	vld [tilespmem:s14+$0x6000];
	v58 =	vmul.f32 v45, v45  }
0x3c2: {  	[tilespmem:s10+$0xE000] =	vst v35;
	v21 =	vld [tilespmem:s30+$0x6280];
	v35 =	vadd.f32 v57, v62;
	v52 =	vsub.s32 $0x5EF759DF, v63;
	v36 =	vadd.f32 v61, v60  }
0x3c3: {  	[tilespmem:s10+$0xC200] =	vst v28;
	v59 =	vmul.f32 v18, v18;
	v61 =	vshrl.u32 v47, $0x1;
	v28 =	vmul.f32 v52, v50  }
0x3c4: {  	[tilespmem:s10+$0xC080] =	vst v34;
	v56 =	vsub.s32 $0x5EF759DF, v61;
	v57 =	vshrl.u32 v35, $0x1;
	v60 =	vmul.f32 v19, v19  }
0x3c5: {  	[tilespmem:s10+$0xE100] =	vst v31;
	v63 =	vshrl.u32 v36, $0x1;
	v31 =	vadd.f32 v59, v58;
	v47 =	vmul.f32 v56, v47  }
0x3c6: {  	[tilespmem:s10+$0xE080] =	vst v33;
	v48 =	vsub.s32 $0x5EF759DF, v57;
	v58 =	vmul.f32 v51, v51;
	v59 =	vmul.f32 v54, v54  }
0x3c7: {  	[tilespmem:s10+$0xE180] =	vst v29;
	v28 =	vmul.f32 v52, v28;
	v62 =	vmul.f32 v21, v21;
	v29 =	vsub.s32 $0x5EF759DF, v63  }
0x3c8: {  	[tilespmem:s10+$0xC100] =	vst v32;
	v35 =	vmul.f32 v48, v35;
	v26 =	vmul.f32 v29, v36;
	v32 =	vadd.f32 v59, v58  }
0x3c9: {  	[tilespmem:s10+$0xE280] =	vst v17;
	v47 =	vmul.f32 v56, v47;
	v28 =	vsub.f32 $1.500000000e+00, v28;
	v30 =	vadd.f32 v62, v60  }
0x3ca: {  	[tilespmem:s10+$0xE200] =	vst v27;
	s10 =	sor.u32 $0x300, s11;
	v60 =	vshrl.u32 v31, $0x1;
	v35 =	vmul.f32 v48, v35;
	v62 =	vshrl.u32 v32, $0x1  }
0x3cb: {  	v17 =	vld [tilespmem:s10+$0x2000];
	v27 =	vsub.s32 $0x5EF759DF, v60;
	v26 =	vmul.f32 v29, v26;
	v36 =	vsub.s32 $0x5EF759DF, v62  }
0x3cc: {  	v47 =	vsub.f32 $1.500000000e+00, v47;
	v28 =	vmul.f32 v52, v28;
	v32 =	vmul.f32 v36, v32  }
0x3cd: {  	v61 =	vshrl.u32 v30, $0x1;
	v31 =	vmul.f32 v27, v31;
	v35 =	vsub.f32 $1.500000000e+00, v35  }
0x3ce: {  	v33 =	vsub.s32 $0x5EF759DF, v61;
	v34 =	vmul.f32 v56, v47;
	v32 =	vmul.f32 v36, v32  }
0x3cf: {  	v26 =	vsub.f32 $1.500000000e+00, v26;
	v28 =	vmul.f32 v28, v11;
	v30 =	vmul.f32 v33, v30  }
0x3d0: {  	v63 =	vmul.f32 v27, v31;
	v31 =	vmul.f32 v17, v17;
	v32 =	vsub.f32 $1.500000000e+00, v32  }
0x3d1: {  	[tilespmem:s17+$0xE000] =	vst v4;
	v4 =	vmul.f32 v29, v26;
	v26 =	vmul.f32 v48, v35  }
0x3d2: {  	v30 =	vmul.f32 v33, v30;
	v32 =	vmul.f32 v36, v32  }
0x3d3: {  	[tilespmem:s19+$0xC000] =	vst v25;
	v25 =	vadd.f32 $1.000000000e+00, v28;
	v50 =	vsub.f32 $1.500000000e+00, v63;
	v4 =	vmul.f32 v4, v11  }
0x3d4: {  	[tilespmem:s17+$0xC000] =	vst v12;
	v26 =	vmul.f32 v26, v11;
	v12 =	vsub.f32 $1.500000000e+00, v30;
	v29 =	vmul.f32 v32, v10  }
0x3d5: {  	[tilespmem:s13+$0xE000] =	vst v13;
	v27 =	vmul.f32 v27, v50;
	v30 =	vmul.f32 v34, v11;
	v4 =	vadd.f32 $1.000000000e+00, v4  }
0x3d6: {  	[tilespmem:s13+$0xC000] =	vst v22;
	v25 =	vmax.f32 v25, $0.0e+00;
	v26 =	vadd.f32 $1.000000000e+00, v26;
	v22 =	vadd.f32 $1.000000000e+00, v29  }
0x3d7: {  	[tilespmem:s19+$0xE000] =	vst v24;
	v12 =	vmul.f32 v33, v12;
	v28 =	vadd.f32 $1.000000000e+00, v30;
	v24 =	vmul.f32 v27, v11  }
0x3d8: {  	[tilespmem:s1+$0xE000] =	vst v20;
	v30 =	vmul.f32 v25, v37;
	v26 =	vmax.f32 v26, $0.0e+00;
	v22 =	vmax.f32 v22, $0.0e+00  }
0x3d9: {  	s4 =	sor.u32 s15, s4;
	[tilespmem:s1+$0xC000] =	vst v23;
	v12 =	vmul.f32 v12, v11;
	v23 =	vmax.f32 v28, $0.0e+00;
	v27 =	vmul.f32 v22, v51  }
0x3da: {  	s1 =	sor.u32 $0x380, s4;
	v20 =	vld [tilespmem:s10+$0x6000];
	[tilespmem:s7+$0xE000] =	vst v49;
	v24 =	vadd.f32 $1.000000000e+00, v24;
	v34 =	vmul.f32 v23, v40;
	v22 =	vmul.f32 v22, v54  }
0x3db: {  	v28 =	vmax.f32 v4, $0.0e+00;
	v4 =	vld [tilespmem:s1+$0x2000];
	v35 =	vmul.f32 v23, v39;
	v29 =	vmul.f32 v25, v38;
	[tilespmem:s14+$0xC000] =	vst v27  }
0x3dc: {  	s17 =	sor.u32 s9, s8;
	s13 =	sor.u32 $0x380, s5;
	v32 =	vmax.f32 v24, $0.0e+00;
	v25 =	vmul.f32 v26, v44;
	[tilespmem:s14+$0xE000] =	vst v22;
	v22 =	vadd.f32 $1.000000000e+00, v12;
	v12 =	vld [tilespmem:s1+$0x6000]  }
0x3dd: {  	s4 =	sor.u32 $0x380, s17;
	s19 =	sor.u32 s12, s26;
	s26 =	sor.u32 s29, s28;
	v13 =	vsub.f32 $1.500000000e+00, v46;
	[tilespmem:s30+$0xE000] =	vst v30;
	v26 =	vmul.f32 v26, v42;
	v24 =	vmul.f32 v32, v45;
	v23 =	vld [tilespmem:s13+$0x2000]  }
0x3de: {  	s9 =	sor.u32 $0x380, s19;
	s8 =	sor.u32 $0x380, s26;
	s11 =	sor.u32 $0x300, s22;
	[tilespmem:s30+$0xC000] =	vst v29;
	v27 =	vmul.f32 v28, v43;
	v28 =	vmul.f32 v28, v41;
	v33 =	vmax.f32 v22, $0.0e+00;
	v22 =	vld [tilespmem:s13+$0x6000]  }
.LBB2_5:
0x3df: {  	s28 =	sadd.s32 $0x20, s28;
	[tilespmem:s30+$0xC080] =	vst v34;
	v18 =	vmul.f32 v32, v18;
	v19 =	vmul.f32 v33, v19  }
0x3e0: {  	v21 =	vmul.f32 v33, v21;
	s23 =	sadd.s32 $0x20, s23;
	v29 =	vmul.f32 v20, v20;
	s5 =	sand.u32 $0x60, s28;
	p0 =	slt.u32 s28, $0x3E0;
	[tilespmem:s30+$0xE080] =	vst v35  }
0x3e1: {  	s29 =	sadd.s32 $0x100, s29;
	v16 =	vmul.f32 v16, v2;
	s14 =	sand.u32 $0x380, s28;
	s12 =	sor.u32 $0x10, s5;
	[tilespmem:s30+$0xC100] =	vst v27;
	v27 =	vmul.f32 v4, v4  }
0x3e2: {  	v13 =	vmul.f32 v14, v13;
	s15 =	sand.u32 $0x1C00, s29;
	s17 =	sor.u32 s29, s28;
	v30 =	vld [tilespmem:s23+$0x0];
	s14 =	sor.u32 s12, s14;
	[tilespmem:s30+$0xE100] =	vst v28;
	v28 =	vadd.f32 v29, v31;
	v29 =	vmul.f32 v12, v12  }
0x3e3: {  	s19 =	sor.u32 s5, s15;
	s5 =	sor.u32 $0x380, s17;
	v16 =	vadd.f32 $1.000000000e+00, v16;
	s12 =	sor.u32 s12, s15;
	v14 =	vmul.f32 v23, v23;
	v40 =	vld [tilespmem:s14+$0x10000];
	[tilespmem:s30+$0xC180] =	vst v25;
	v25 =	vmul.f32 v22, v22  }
0x3e4: {  	v13 =	vmul.f32 v13, v0;
	v0 =	vmovc v1;
	v31 =	vld [tilespmem:s12+$0x2000];
	[tilespmem:s30+$0xE180] =	vst v26;
	v26 =	vshrl.u32 v28, $0x1;
	v27 =	vadd.f32 v29, v27  }
0x3e5: {  	v1 =	vmovc v2;
	v2 =	vmovc v3;
	v32 =	vld [tilespmem:s12+$0x6000];
	[tilespmem:s30+$0xC200] =	vst v24;
	v24 =	vadd.f32 v25, v14;
	v25 =	vsub.s32 $0x5EF759DF, v26;
	v14 =	vmax.f32 v16, $0.0e+00  }
0x3e6: {  	v3 =	vmovc v11;
	v33 =	vld [tilespmem:s12+$0x2080];
	[tilespmem:s30+$0xE200] =	vst v18;
	v16 =	vmul.f32 v25, v28;
	v18 =	vmul.f32 v14, v7;
	v26 =	vshrl.u32 v27, $0x1  }
0x3e7: {  	v7 =	vmovc v17;
	v34 =	vld [tilespmem:s12+$0x6080];
	[tilespmem:s30+$0xC280] =	vst v19;
	v11 =	vshrl.u32 v24, $0x1;
	v19 =	vmul.f32 v14, v9;
	v14 =	vsub.s32 $0x5EF759DF, v26;
	v9 =	vmovc v20  }
0x3e8: {  	v35 =	vld [tilespmem:s12+$0x2100];
	[tilespmem:s30+$0xE280] =	vst v21;
	v17 =	vsub.s32 $0x5EF759DF, v11;
	v11 =	vmul.f32 v25, v16;
	v16 =	vmul.f32 v14, v27;
	s30 =	smov.u32 s19  }
0x3e9: {  	v15 =	vmul.f32 v15, v8;
	v8 =	vmovc v23;
	v13 =	vadd.f32 $1.000000000e+00, v13;
	v36 =	vld [tilespmem:s12+$0x6100];
	v20 =	vmul.f32 v17, v24;
	[tilespmem:s16+$0xC000] =	vst v18  }
0x3ea: {  	v37 =	vld [tilespmem:s12+$0x2180];
	v18 =	vsub.f32 $1.500000000e+00, v11;
	[tilespmem:s16+$0xE000] =	vst v19;
	v19 =	vmul.f32 v14, v16;
	s16 =	smov.u32 s10;
	s10 =	smov.u32 s11  }
0x3eb: {  	v11 =	vmul.f32 $1.414213540e+00, v30;
	v38 =	vld [tilespmem:s12+$0x6180];
	v20 =	vmul.f32 v17, v20;
	[tilespmem:s7+$0xC000] =	vst v15;
	v15 =	vmax.f32 v13, $0.0e+00;
	s7 =	smov.u32 s13  }
0x3ec: {  	v39 =	vld [tilespmem:s12+$0x2200];
	v16 =	vmul.f32 v25, v18;
	v13 =	vsub.f32 $1.500000000e+00, v19;
	v18 =	vmul.f32 v15, v5;
	v5 =	vmovc v4  }
0x3ed: {  	v4 =	vmul.f32 $1.414213540e+00, v40;
	v15 =	vmul.f32 v15, v6;
	v6 =	vmovc v12;
	v41 =	vld [tilespmem:s12+$0x6200];
	v19 =	vsub.f32 $1.500000000e+00, v20  }
0x3ee: {  	v12 =	vmul.f32 v31, v31;
	v20 =	vmul.f32 v32, v32;
	v42 =	vld [tilespmem:s12+$0x2280];
	[tilespmem:s6+$0xC000] =	vst v18  }
0x3ef: {  	v18 =	vmul.f32 v33, v33;
	v40 =	vld [tilespmem:s12+$0x6280];
	v17 =	vmul.f32 v17, v19;
	[tilespmem:s6+$0xE000] =	vst v15;
	s6 =	smov.u32 s1;
	s1 =	smov.u32 s4;
	s4 =	smov.u32 s9  }
0x3f0: {  	v15 =	vmul.f32 v34, v34;
	v19 =	vmul.f32 v35, v35;
	s9 =	smov.u32 s8;
	s8 =	smov.u32 s5;
	v23 =	vld [tilespmem:s30+$0x2000]  }
0x3f1: {  	v21 =	vmul.f32 v36, v36;
	v24 =	vld [tilespmem:s30+$0x6000];
	v17 =	vmul.f32 v17, v10;
	v10 =	vmov v4  }
0x3f2: {  	v30 =	vmul.f32 v38, v38;
	v4 =	vmul.f32 v37, v37;
	v25 =	vld [tilespmem:s30+$0x2080]  }
0x3f3: {  	v43 =	vmul.f32 v39, v39;
	v44 =	vmul.f32 v41, v41;
	v26 =	vld [tilespmem:s30+$0x6080];
	v17 =	vadd.f32 $1.000000000e+00, v17  }
0x3f4: {  	v12 =	vadd.f32 v20, v12;
	v20 =	vmul.f32 v42, v42;
	v27 =	vld [tilespmem:s30+$0x2100];
	v45 =	vmul.f32 v40, v40  }
0x3f5: {  	v46 =	vadd.f32 v15, v18;
	v47 =	vadd.f32 v21, v19;
	v28 =	vld [tilespmem:s30+$0x6100];
	v15 =	vmax.f32 v17, $0.0e+00  }
0x3f6: {  	v4 =	vadd.f32 v30, v4;
	v43 =	vadd.f32 v44, v43;
	v29 =	vld [tilespmem:s30+$0x2180];
	v17 =	vmul.f32 v15, v22  }
0x3f7: {  	v18 =	vshrl.u32 v12, $0x1;
	v21 =	vshrl.u32 v46, $0x1;
	v44 =	vadd.f32 v45, v20;
	v22 =	vld [tilespmem:s30+$0x6180]  }
0x3f8: {  	v48 =	vshrl.u32 v4, $0x1;
	v45 =	vsub.s32 $0x5EF759DF, v18;
	v20 =	vshrl.u32 v47, $0x1;
	v30 =	vld [tilespmem:s30+$0x2200];
	[tilespmem:s7+$0xE000] =	vst v17  }
0x3f9: {  	v12 =	vmul.f32 v45, v12;
	v17 =	vshrl.u32 v43, $0x1;
	v49 =	vshrl.u32 v44, $0x1;
	v18 =	vld [tilespmem:s30+$0x6200]  }
0x3fa: {  	v50 =	vsub.s32 $0x5EF759DF, v21;
	v48 =	vsub.s32 $0x5EF759DF, v48;
	v51 =	vsub.s32 $0x5EF759DF, v20;
	v19 =	vld [tilespmem:s30+$0x2280]  }
0x3fb: {  	v20 =	vmul.f32 v50, v46;
	v12 =	vmul.f32 v45, v12;
	v46 =	vsub.s32 $0x5EF759DF, v17;
	v21 =	vld [tilespmem:s30+$0x6280]  }
0x3fc: {  	v52 =	vmul.f32 v48, v4;
	v47 =	vmul.f32 v51, v47;
	v49 =	vsub.s32 $0x5EF759DF, v49;
	v17 =	vld [tilespmem:s10+$0x2000]  }
0x3fd: {  	v53 =	vmul.f32 v50, v20;
	v43 =	vmul.f32 v46, v43;
	v12 =	vsub.f32 $1.500000000e+00, v12;
	v20 =	vld [tilespmem:s10+$0x6000]  }
0x3fe: {  	v47 =	vmul.f32 v51, v47;
	v44 =	vmul.f32 v49, v44;
	v4 =	vld [tilespmem:s1+$0x2000]  }
0x3ff: {  	v52 =	vmul.f32 v48, v52;
	v53 =	vsub.f32 $1.500000000e+00, v53;
	v45 =	vmul.f32 v45, v12;
	v12 =	vld [tilespmem:s1+$0x6000]  }
0x400: {  	v47 =	vsub.f32 $1.500000000e+00, v47;
	v43 =	vmul.f32 v46, v43;
	v44 =	vmul.f32 v49, v44  }
0x401: {  	v52 =	vsub.f32 $1.500000000e+00, v52;
	v50 =	vmul.f32 v50, v53;
	v45 =	vmul.f32 v45, v10  }
0x402: {  	v47 =	vmul.f32 v51, v47;
	v43 =	vsub.f32 $1.500000000e+00, v43;
	v44 =	vsub.f32 $1.500000000e+00, v44  }
0x403: {  	v48 =	vmul.f32 v48, v52;
	v50 =	vmul.f32 v50, v10;
	v45 =	vadd.f32 $1.000000000e+00, v45  }
0x404: {  	v43 =	vmul.f32 v46, v43;
	v44 =	vmul.f32 v49, v44  }
0x405: {  	v47 =	vmul.f32 v47, v10;
	v46 =	vadd.f32 $1.000000000e+00, v50;
	v45 =	vmax.f32 v45, $0.0e+00  }
0x406: {  	v48 =	vmul.f32 v48, v10;
	v31 =	vmul.f32 v45, v31  }
0x407: {  	v32 =	vmul.f32 v45, v32;
	v45 =	vmax.f32 v46, $0.0e+00;
	v46 =	vadd.f32 $1.000000000e+00, v47  }
0x408: {  	[tilespmem:s12+$0xC000] =	vst v31;
	v31 =	vmul.f32 v45, v33;
	v33 =	vmul.f32 v43, v10  }
0x409: {  	v43 =	vadd.f32 $1.000000000e+00, v48;
	[tilespmem:s12+$0xE000] =	vst v32;
	v32 =	vmul.f32 v45, v34;
	v34 =	vmax.f32 v46, $0.0e+00  }
0x40a: {  	[tilespmem:s12+$0xC080] =	vst v31;
	v31 =	vmul.f32 v34, v35;
	v35 =	vmul.f32 v44, v10  }
0x40b: {  	v33 =	vadd.f32 $1.000000000e+00, v33;
	[tilespmem:s12+$0xE080] =	vst v32;
	v32 =	vmul.f32 v34, v36;
	v34 =	vmax.f32 v43, $0.0e+00  }
0x40c: {  	v36 =	vmul.f32 v23, v23;
	[tilespmem:s12+$0xC100] =	vst v31;
	v31 =	vmul.f32 v34, v37  }
0x40d: {  	v33 =	vmax.f32 v33, $0.0e+00;
	[tilespmem:s12+$0xE100] =	vst v32;
	v32 =	vmul.f32 v34, v38;
	v34 =	vadd.f32 $1.000000000e+00, v35  }
0x40e: {  	s2 =	sadd.s32 $0x1, s2;
	v35 =	vmul.f32 v24, v24;
	[tilespmem:s12+$0xC180] =	vst v31;
	v31 =	vmul.f32 v33, v39  }
0x40f: {  	s5 =	sand.u32 $0x3, s2;
	v37 =	vmul.f32 v25, v25;
	[tilespmem:s12+$0xE180] =	vst v32;
	v32 =	vmul.f32 v33, v41;
	v33 =	vmax.f32 v34, $0.0e+00  }
0x410: {  	s5 =	sshll.u32 s5, $0x5;
	v34 =	vadd.f32 v35, v36;
	v35 =	vmul.f32 v26, v26;
	[tilespmem:s12+$0xC200] =	vst v31;
	v31 =	vmul.f32 v33, v42  }
0x411: {  	s5 =	sadd.s32 s5, s29;
	v36 =	vmul.f32 v27, v27;
	[tilespmem:s12+$0xE200] =	vst v32;
	v32 =	vmul.f32 v33, v40  }
0x412: {  	s11 =	sor.u32 $0x300, s5;
	s5 =	sadd.s32 $0x10, s5;
	v33 =	vadd.f32 v35, v37;
	v35 =	vmul.f32 v28, v28;
	v37 =	vmul.f32 v29, v29;
	[tilespmem:s12+$0xC280] =	vst v31  }
0x413: {  	v38 =	vmul.f32 v22, v22;
	v39 =	vmul.f32 v30, v30;
	v31 =	vshrl.u32 v34, $0x1;
	[tilespmem:s12+$0xE280] =	vst v32;
	s12 =	sor.u32 $0x300, s5  }
0x414: {  	v32 =	vadd.f32 v35, v36;
	v35 =	vmul.f32 v18, v18;
	v36 =	vmul.f32 v19, v19;
	v40 =	vld [tilespmem:s12+$0x2000]  }
0x415: {  	v41 =	vshrl.u32 v33, $0x1;
	v37 =	vadd.f32 v38, v37;
	v38 =	vmul.f32 v21, v21;
	v42 =	vld [tilespmem:s12+$0x6000]  }
0x416: {  	v43 =	vsub.s32 $0x5EF759DF, v31;
	v31 =	vshrl.u32 v32, $0x1;
	v35 =	vadd.f32 v35, v39  }
0x417: {  	v39 =	vsub.s32 $0x5EF759DF, v41;
	v41 =	vshrl.u32 v37, $0x1;
	v36 =	vadd.f32 v38, v36  }
0x418: {  	v38 =	vsub.s32 $0x5EF759DF, v31;
	v41 =	vsub.s32 $0x5EF759DF, v41;
	v31 =	vshrl.u32 v35, $0x1  }
0x419: {  	v34 =	vmul.f32 v43, v34;
	v44 =	vsub.s32 $0x5EF759DF, v31;
	v31 =	vshrl.u32 v36, $0x1  }
0x41a: {  	v45 =	vsub.s32 $0x5EF759DF, v31;
	v31 =	vmul.f32 v40, v40;
	v46 =	vmul.f32 v42, v42  }
0x41b: {  	v33 =	vmul.f32 v39, v33;
	v32 =	vmul.f32 v38, v32  }
0x41c: {  	v37 =	vmul.f32 v41, v37;
	v35 =	vmul.f32 v44, v35;
	v31 =	vadd.f32 v46, v31  }
0x41d: {  	v34 =	vmul.f32 v43, v34;
	v36 =	vmul.f32 v45, v36  }
0x41e: {  	v33 =	vmul.f32 v39, v33;
	v32 =	vmul.f32 v38, v32;
	v46 =	vshrl.u32 v31, $0x1  }
0x41f: {  	v37 =	vmul.f32 v41, v37;
	v35 =	vmul.f32 v44, v35;
	v46 =	vsub.s32 $0x5EF759DF, v46  }
0x420: {  	v34 =	vsub.f32 $1.500000000e+00, v34;
	v36 =	vmul.f32 v45, v36;
	v47 =	vmul.f32 v46, v31  }
0x421: {  	v33 =	vsub.f32 $1.500000000e+00, v33;
	v32 =	vsub.f32 $1.500000000e+00, v32;
	v31 =	vmul.f32 v17, v17  }
0x422: {  	v37 =	vsub.f32 $1.500000000e+00, v37;
	v35 =	vsub.f32 $1.500000000e+00, v35;
	v47 =	vmul.f32 v46, v47  }
0x423: {  	v34 =	vmul.f32 v43, v34;
	v33 =	vmul.f32 v39, v33;
	v36 =	vsub.f32 $1.500000000e+00, v36  }
0x424: {  	v32 =	vmul.f32 v38, v32;
	v37 =	vmul.f32 v41, v37;
	v38 =	vsub.f32 $1.500000000e+00, v47  }
0x425: {  	v35 =	vmul.f32 v44, v35;
	v36 =	vmul.f32 v45, v36  }
0x426: {  	v34 =	vmul.f32 v34, v11;
	v38 =	vmul.f32 v46, v38  }
0x427: {  	v33 =	vmul.f32 v33, v11;
	v32 =	vmul.f32 v32, v11  }
0x428: {  	v34 =	vadd.f32 $1.000000000e+00, v34;
	v37 =	vmul.f32 v37, v11;
	v38 =	vmul.f32 v38, v10  }
0x429: {  	v33 =	vadd.f32 $1.000000000e+00, v33;
	v35 =	vmul.f32 v35, v11;
	v36 =	vmul.f32 v36, v11  }
0x42a: {  	v34 =	vmax.f32 v34, $0.0e+00;
	v32 =	vadd.f32 $1.000000000e+00, v32;
	v38 =	vadd.f32 $1.000000000e+00, v38  }
0x42b: {  	v39 =	vmax.f32 v33, $0.0e+00;
	v33 =	vadd.f32 $1.000000000e+00, v37;
	v35 =	vadd.f32 $1.000000000e+00, v35  }
0x42c: {  	v37 =	vmax.f32 v32, $0.0e+00;
	v36 =	vadd.f32 $1.000000000e+00, v36;
	v38 =	vmax.f32 v38, $0.0e+00  }
0x42d: {  	v41 =	vmax.f32 v33, $0.0e+00;
	v32 =	vmax.f32 v35, $0.0e+00;
	v35 =	vmul.f32 v38, v40  }
.Ltmp3:
0x42e: {  	v23 =	vmul.f32 v34, v23;
	v33 =	vmax.f32 v36, $0.0e+00;
	v36 =	vmul.f32 v38, v42;
	(pc) =	sbr.rel @p0 .LBB2_5-.Ltmp3, $4  }
0x42f: {  	v24 =	vmul.f32 v34, v24;
	v34 =	vmul.f32 v39, v25;
	[tilespmem:s12+$0xC000] =	vst v35  }
0x430: {  	s13 =	sor.u32 $0x380, s5;
	v27 =	vmul.f32 v37, v27;
	v35 =	vmul.f32 v39, v26;
	[tilespmem:s12+$0xE000] =	vst v36  }
0x431: {  	v28 =	vmul.f32 v37, v28;
	v25 =	vmul.f32 v41, v29;
	[tilespmem:s30+$0xC000] =	vst v23;
	v23 =	vld [tilespmem:s13+$0x2000]  }
0x432: {  	v26 =	vmul.f32 v41, v22;
	[tilespmem:s30+$0xE000] =	vst v24;
	v24 =	vmul.f32 v32, v30;
	v22 =	vld [tilespmem:s13+$0x6000]  }
0x433: {  	[tilespmem:s30+$0xC080] =	vst v34  }
0x434: {  	[tilespmem:s30+$0xE080] =	vst v35  }
0x435: {  	[tilespmem:s30+$0xC100] =	vst v27  }
0x436: {  	[tilespmem:s30+$0xE100] =	vst v28  }
0x437: {  	[tilespmem:s30+$0xC180] =	vst v25  }
0x438: {  	v18 =	vmul.f32 v32, v18;
	[tilespmem:s30+$0xE180] =	vst v26  }
0x439: {  	v19 =	vmul.f32 v33, v19;
	[tilespmem:s30+$0xC200] =	vst v24  }
0x43a: {  	v21 =	vmul.f32 v33, v21;
	[tilespmem:s30+$0xE200] =	vst v18  }
0x43b: {  	[tilespmem:s30+$0xC280] =	vst v19  }
0x43c: {  	[tilespmem:s30+$0xE280] =	vst v21  }
0x43d: {  	v18 =	vld [tilespmem:s11+$0x2000]  }
0x43e: {  	v19 =	vld [tilespmem:s11+$0x6000];
	_ =	sdelay $0x2  }
0x43f: {  	v42 =	vmul.f32 v20, v20;
	_ =	sdelay $0x1  }
0x440: {  	v21 =	vadd.f32 v42, v31;
	v43 =	vmul.f32 v18, v18;
	v44 =	vmul.f32 v19, v19;
	_ =	sdelay $0x1  }
0x441: {  	v45 =	vshrl.u32 v21, $0x1;
	v24 =	vadd.f32 v44, v43  }
0x442: {  	v46 =	vsub.s32 $0x5EF759DF, v45  }
0x443: {  	v21 =	vmul.f32 v46, v21;
	v47 =	vshrl.u32 v24, $0x1  }
0x444: {  	v26 =	vsub.s32 $0x5EF759DF, v47  }
0x445: {  	v21 =	vmul.f32 v46, v21;
	v24 =	vmul.f32 v26, v24;
	_ =	sdelay $0x1  }
0x446: {  	v21 =	vsub.f32 $1.500000000e+00, v21;
	v24 =	vmul.f32 v26, v24  }
0x447: {  	v16 =	vmul.f32 v16, v2  }
0x448: {  	v21 =	vmul.f32 v46, v21;
	v24 =	vsub.f32 $1.500000000e+00, v24  }
0x449: {  	v16 =	vadd.f32 $1.000000000e+00, v16  }
0x44a: {  	v21 =	vmul.f32 v21, v3;
	v24 =	vmul.f32 v26, v24  }
0x44b: {  	v16 =	vmax.f32 v16, $0.0e+00  }
0x44c: {  	v7 =	vmul.f32 v16, v7;
	v21 =	vadd.f32 $1.000000000e+00, v21;
	v24 =	vmul.f32 v24, v11  }
0x44d: {  	v9 =	vmul.f32 v16, v9  }
0x44e: {  	[tilespmem:s16+$0xC000] =	vst v7;
	v49 =	vmax.f32 v21, $0.0e+00;
	v50 =	vadd.f32 $1.000000000e+00, v24  }
0x44f: {  	v48 =	vmul.f32 v4, v4;
	[tilespmem:s16+$0xE000] =	vst v9;
	v52 =	vmul.f32 v49, v17  }
0x450: {  	v51 =	vmul.f32 v12, v12;
	v25 =	vld [tilespmem:s4+$0x2000];
	v7 =	vmul.f32 v49, v20;
	v54 =	vmax.f32 v50, $0.0e+00  }
0x451: {  	v58 =	vmul.f32 v14, v13;
	v26 =	vld [tilespmem:s4+$0x6000];
	[tilespmem:s10+$0xC000] =	vst v52;
	v56 =	vmul.f32 v54, v18  }
0x452: {  	[tilespmem:s10+$0xE000] =	vst v7;
	v57 =	vmul.f32 v54, v19  }
0x453: {  	v0 =	vmul.f32 v58, v0;
	v16 =	vadd.f32 v51, v48;
	v9 =	vld [tilespmem:s9+$0x6000];
	[tilespmem:s11+$0xC000] =	vst v56  }
0x454: {  	v53 =	vmul.f32 v23, v23;
	v55 =	vmul.f32 v22, v22;
	v18 =	vld [tilespmem:s9+$0x2000];
	[tilespmem:s11+$0xE000] =	vst v57  }
0x455: {  	v0 =	vadd.f32 $1.000000000e+00, v0;
	v59 =	vshrl.u32 v16, $0x1;
	v19 =	vld [tilespmem:s8+$0x2000]  }
0x456: {  	v61 =	vmul.f32 v25, v25;
	v17 =	vadd.f32 v55, v53;
	v62 =	vmul.f32 v26, v26;
	v24 =	vld [tilespmem:s8+$0x6000]  }
0x457: {  	v8 =	vmul.f32 v15, v8;
	v0 =	vmax.f32 v0, $0.0e+00;
	v13 =	vsub.s32 $0x5EF759DF, v59  }
0x458: {  	v31 =	vmul.f32 v13, v16;
	v60 =	vshrl.u32 v17, $0x1;
	v33 =	vadd.f32 v62, v61  }
0x459: {  	v63 =	vsub.s32 $0x5EF759DF, v60;
	v35 =	vmul.f32 v9, v9;
	v34 =	vmul.f32 v18, v18  }
0x45a: {  	v14 =	vmul.f32 v13, v31;
	v32 =	vmul.f32 v63, v17;
	v21 =	vshrl.u32 v33, $0x1  }
0x45b: {  	v17 =	vadd.f32 v35, v34;
	v36 =	vmul.f32 v19, v19;
	v37 =	vmul.f32 v24, v24  }
0x45c: {  	v14 =	vsub.f32 $1.500000000e+00, v14;
	v16 =	vmul.f32 v63, v32;
	v21 =	vsub.s32 $0x5EF759DF, v21  }
0x45d: {  	v15 =	vmul.f32 v21, v33;
	v38 =	vshrl.u32 v17, $0x1;
	v20 =	vadd.f32 v37, v36  }
0x45e: {  	v40 =	vmul.f32 v13, v14;
	v16 =	vsub.f32 $1.500000000e+00, v16;
	v39 =	vsub.s32 $0x5EF759DF, v38  }
0x45f: {  	v15 =	vmul.f32 v21, v15;
	v17 =	vmul.f32 v39, v17;
	v27 =	vshrl.u32 v20, $0x1  }
0x460: {  	v1 =	vmul.f32 v40, v1;
	v7 =	vmul.f32 v63, v16;
	v41 =	vsub.s32 $0x5EF759DF, v27  }
0x461: {  	v42 =	vsub.f32 $1.500000000e+00, v15;
	v43 =	vmul.f32 v39, v17;
	v44 =	vmul.f32 v41, v20  }
0x462: {  	v5 =	vmul.f32 v0, v5;
	v1 =	vadd.f32 $1.000000000e+00, v1;
	v7 =	vmul.f32 v7, v10  }
0x463: {  	v45 =	vmul.f32 v21, v42;
	v46 =	vsub.f32 $1.500000000e+00, v43;
	v47 =	vmul.f32 v41, v44  }
0x464: {  	v0 =	vmul.f32 v0, v6;
	v1 =	vmax.f32 v1, $0.0e+00;
	v7 =	vadd.f32 $1.000000000e+00, v7  }
0x465: {  	[tilespmem:s7+$0xC000] =	vst v8;
	v49 =	vmul.f32 v45, v2;
	v50 =	vmul.f32 v39, v46;
	v51 =	vsub.f32 $1.500000000e+00, v47  }
0x466: {  	[tilespmem:s6+$0xC000] =	vst v5;
	v56 =	vmul.f32 v1, v4;
	v1 =	vmul.f32 v1, v12;
	v48 =	vmax.f32 v7, $0.0e+00  }
0x467: {  	[tilespmem:s6+$0xE000] =	vst v0;
	v53 =	vadd.f32 $1.000000000e+00, v49;
	v54 =	vmul.f32 v50, v3;
	v55 =	vmul.f32 v41, v51  }
0x468: {  	[tilespmem:s1+$0xC000] =	vst v56;
	v52 =	vmul.f32 v48, v22;
	v6 =	vmul.f32 v48, v23  }
0x469: {  	[tilespmem:s1+$0xE000] =	vst v1;
	v0 =	vmax.f32 v53, $0.0e+00;
	v2 =	vadd.f32 $1.000000000e+00, v54;
	v3 =	vmul.f32 v55, v11  }
0x46a: {  	[tilespmem:s13+$0xE000] =	vst v52;
	v57 =	vmul.f32 v0, v25  }
0x46b: {  	[tilespmem:s13+$0xC000] =	vst v6;
	v0 =	vmul.f32 v0, v26;
	v58 =	vmax.f32 v2, $0.0e+00;
	v59 =	vadd.f32 $1.000000000e+00, v3  }
0x46c: {  	[tilespmem:s4+$0xC000] =	vst v57;
	v60 =	vmul.f32 v58, v18  }
0x46d: {  	[tilespmem:s4+$0xE000] =	vst v0;
	v61 =	vmul.f32 v58, v9;
	v62 =	vmax.f32 v59, $0.0e+00  }
0x46e: {  	[tilespmem:s9+$0xC000] =	vst v60;
	v2 =	vmul.f32 v62, v19  }
0x46f: {  	[tilespmem:s9+$0xE000] =	vst v61;
	v63 =	vmul.f32 v62, v24  }
.Ltmp4:
0x470: {  	[tilespmem:s8+$0xC000] =	vst v2;
	(pc) =	sbr.rel @p1 .LBB2_8-.Ltmp4, $4  }
0x471: {  	[tilespmem:s8+$0xE000] =	vst v63  }
0x472: {  	s1 =	rddreg [dreg:$0xd]  }
0x473: {  	s2 =	simm.s32 $0x2000000;
	s30 =	simm.s32 $0xC000;
	s1 =	sadd.s32 s1, s3  }
0x474: {  	[hbm4b:s1+s18] =	stream.strided.scatter [tilespmem:s30], [sflag:$0x6], $0x4000, s2, s18, $0x38;
	[tilespmem:$0x10400] =	vst v63  }
0x475: {  	s1 =	rddreg [dreg:$0xb]  }
0x476: {  	s0 =	sadd.s32 s0, s1  }
.Ltmp5:
0x477: {  	s28 =	rddreg [dreg:$0x0];
	s0 =	sshll.u32 s0, $0xA;
	(pc) =	sbr.rel .LBB2_2-.Ltmp5, $4  }
0x478: {  	s2 =	simm.s32 $0x0;
	s29 =	rddreg [dreg:$0x1];
	s1 =	sadd.s32 s28, s0  }
0x479: {  	[tilespmem:s18], [sflag:$0x2] =	stream.linear.gather [hbm4b:s1+s2], $0x2000, $0x38;
	[tilespmem:$0x10400] =	vst v63  }
0x47a: {  	s30 =	simm.s32 $0x6000;
	s31 =	sadd.s32 $0x1, s31;
	s0 =	sadd.s32 s29, s0  }
0x47b: {  	[tilespmem:s30], [sflag:$0x4] =	stream.linear.gather [hbm4b:s0+s2], $0x2000, $0x38;
	[tilespmem:$0x10400] =	vst v63  }
.LBB2_9:
0x47c: {  	_ =	sfence.sel $0x180000  }
0x47d: {  	[bflag:$0x0] =	sbarrier.arrive $0xFFFF  }
0x47e: {  	_ =	strace $0x90000047  }
0x47f: {  	s0 =	stileid.u32;
	[bflag:$0x2] =	sbarrier.arrive $0xFFFF  }
0x480: {  	p0 =	sne.s32 s0, $0x0;
	s0 =	rddreg [dreg:$0x4]  }
0x481: {  	s0 =	sadd.s32 @!p0 $0x100000, s0  }
0x482: {  	[sflag:s0] =	ssyncadd.tile.s32 @!p0 $0x1;
	_ =	shalt  }
.Lfunc_end2:
_tile_overlayer_lowered:
.L_overlay_start_2:
0x483: {  	(tag) =	ssettag $0x2  }
0x484: {  	s0 =	rddreg [dreg:$0x0];
	s2 =	stileid.u32  }
0x485: {  	s1 =	rddreg [dreg:$0x1];
	p0 =	sne.s32 s2, $0x0  }
0x486: {  	s3 =	rddreg [dreg:$0x2];
	[bflag:$0x3] =	sbarrier.arrive $0xFFFF;
	s2 =	simm.s32 @!p0 $0x1C08  }
0x487: {  	[timem:s3], [sflag:s2] =	dma.local @!p0 [hbm:s0], s1  }
0x488: {  	s0 =	simm.s32 @!p0 $0x8  }
0x489: {  	_ =	swait.ge @!p0 [sflag:s0], s1  }
0x48a: {  	s1 =	ssub.s32 @!p0 $0x0, s1;
	[sflag:s0] =	ssyncset.done @!p0 $0x0  }
0x48b: {  	[sflag:s0] =	ssyncadd.s32 @!p0 s1  }
0x48c: {  	[bflag:$0x3] =	sbarrier.arrive $0xFFFF  }
0x48d: {  	_ =	shalt  }

</sc_bundles>
